<compile_context>
chip_gen: v7x
topology: tpu7x:2x2x1
jax: 0.10.2.dev20260603
libtpu: 0.0.44.dev20260713+nightly
codegen_flags: <defaults>
</compile_context>

<pallas_src>
import functools

import jax
import jax.numpy as jnp
from jax import lax
from jax.experimental import pallas as pl
from jax.experimental.pallas import tpu as pltpu
from jax.experimental.pallas import tpu_sc as plsc

B = 16384
C = 5
E = 64
NC = 2
NS = 16
NW = NC * NS
B_PER_W = B // NW
CB = 128
N_CHUNK = B_PER_W // CB


def _sc_kernel(target_hbm, ctxf_hbm, ttab_hbm, ctab_hbm, out_hbm,
               tidx_v, cidx_v, w_rows, c_rows, out_v, sem):
    wid = lax.axis_index("s") * NC + lax.axis_index("c")
    base = wid * B_PER_W

    def stage(ch, slot):
        tbase = base + ch * CB
        pltpu.sync_copy(target_hbm.at[pl.ds(tbase, CB)], tidx_v.at[slot])
        pltpu.sync_copy(ctxf_hbm.at[pl.ds(tbase * C, CB * C)],
                        cidx_v.at[slot])
        cps = [pltpu.async_copy(ttab_hbm.at[tidx_v.at[slot]],
                                w_rows.at[slot], sem.at[slot])]
        for j in range(C):
            cps.append(pltpu.async_copy(
                ctab_hbm.at[cidx_v.at[slot, pl.ds(j * CB, CB)]],
                c_rows.at[slot, pl.ds(j * CB, CB)], sem.at[slot]))
        return cps

    def compute(ch, slot, cps):
        tbase = base + ch * CB
        for cp in cps:
            cp.wait()
        iota16 = lax.iota(jnp.int32, 16)

        def group_body(g, _):
            b_vec = iota16 + g * 16
            b5 = b_vec * C

            def e_body(e, accs):
                evec = jnp.zeros((16,), jnp.int32) + e
                wv = plsc.load_gather(w_rows.at[slot], [b_vec, evec])
                return tuple(
                    accs[c] + wv * plsc.load_gather(
                        c_rows.at[slot], [b5 + c, evec])
                    for c in range(C))

            accs = lax.fori_loop(
                0, E, e_body,
                tuple(jnp.zeros((16,), jnp.float32) for _ in range(C)),
                unroll=4)
            for c in range(C):
                plsc.store_scatter(out_v.at[slot], [b5 + c], accs[c])
            return 0

        lax.fori_loop(0, CB // 16, group_body, 0)
        pltpu.sync_copy(out_v.at[slot],
                        out_hbm.at[pl.ds(tbase * C, CB * C)])

    cps = stage(0, 0)
    for ch in range(N_CHUNK):
        nxt = stage(ch + 1, (ch + 1) % 2) if ch + 1 < N_CHUNK else None
        compute(ch, ch % 2, cps)
        cps = nxt


@jax.jit
def _run(target, ctx_flat, target_table, context_table):
    mesh = plsc.VectorSubcoreMesh(core_axis_name="c", subcore_axis_name="s")
    k = functools.partial(
        pl.kernel, mesh=mesh,
        out_type=jax.ShapeDtypeStruct((B * C,), jnp.float32),
        compiler_params=pltpu.CompilerParams(
            needs_layout_passes=False, use_tc_tiling_on_sc=False,
            disable_bounds_checks=True, skip_device_barrier=True),
        scratch_types=[
            pltpu.VMEM((2, CB), jnp.int32),
            pltpu.VMEM((2, CB * C), jnp.int32),
            pltpu.VMEM((2, CB, E), jnp.float32),
            pltpu.VMEM((2, CB * C, E), jnp.float32),
            pltpu.VMEM((2, CB * C), jnp.float32),
            pltpu.SemaphoreType.DMA((2,)),
        ],
    )(_sc_kernel)
    return k(target, ctx_flat, target_table, context_table)


def kernel(target, context, target_table, context_table):
    if target.ndim == 2:
        target = jnp.squeeze(target, axis=1)
    out = _run(target, context.reshape(-1), target_table, context_table)
    return out.reshape(B, C)

# --- scband reference (transcript-rebuilt; emitter-appended) ---
"""Pipeline reference for scband-word2-vec-57260503991035 (READ-ONLY COPY).

The authoritative reference and input builder live on the scoring server;
editing this copy changes nothing except your own understanding.
"""

import jax, jax.numpy as jnp
import numpy as np

VOCAB = 1000000
EMBED_DIM = 64
BATCH = 16384
NUM_NS = 4

def setup_inputs(seed: int = 0) -> dict:
    key = jax.random.key(seed)
    k1, k2, k3, k4 = jax.random.split(key, 4)
    target = jax.random.randint(k1, (BATCH,), 0, VOCAB, dtype=jnp.int64 if jax.config.jax_enable_x64 else jnp.int32).astype(jnp.int32)
    context = jax.random.randint(k2, (BATCH, NUM_NS + 1), 0, VOCAB, dtype=jnp.int64 if jax.config.jax_enable_x64 else jnp.int32).astype(jnp.int32)
    target_table = jax.random.uniform(k3, (VOCAB, EMBED_DIM), dtype=jnp.float32, minval=-0.05, maxval=0.05)
    context_table = jax.random.uniform(k4, (VOCAB, EMBED_DIM), dtype=jnp.float32, minval=-0.05, maxval=0.05)
    return {"target": target, "context": context, "target_table": target_table, "context_table": context_table}

def reference(target, context, target_table, context_table):
    # target: [B] int, context: [B, num_ns+1] int
    if target.ndim == 2:
        target = jnp.squeeze(target, axis=1)
    word_emb = jnp.take(target_table, target, axis=0)        # [B, E]
    context_emb = jnp.take(context_table, context, axis=0)   # [B, C, E]
    dots = jnp.einsum('be,bce->bc', word_emb, context_emb)   # [B, C]
    return dots

if __name__ == "__main__":
    import jax
    _d = setup_inputs()
    print(jax.jit(kernel)(*tuple(_d.values())))

</pallas_src>

<mosaic_0001>
#map = affine_map<(d0, d1) -> (0)>
#map1 = affine_map<(d0, d1) -> (0, 0)>
module attributes {stable_mosaic.version = 14 : i64} {
  func.func @_sc_kernel(%arg0: i32, %arg1: i32, %arg2: memref<16384xi32, #tpu.memory_space<hbm>>, %arg3: memref<81920xi32, #tpu.memory_space<hbm>>, %arg4: memref<1000000x64xf32, #tpu.memory_space<hbm>>, %arg5: memref<1000000x64xf32, #tpu.memory_space<hbm>>, %arg6: memref<81920xf32, #tpu.memory_space<hbm>>, %arg7: memref<2x128xi32, #tpu.memory_space<vmem>>, %arg8: memref<2x640xi32, #tpu.memory_space<vmem>>, %arg9: memref<2x128x64xf32, #tpu.memory_space<vmem>>, %arg10: memref<2x640x64xf32, #tpu.memory_space<vmem>>, %arg11: memref<2x640xf32, #tpu.memory_space<vmem>>, %arg12: memref<2x!tpu.dma_semaphore, #tpu.memory_space<semaphore_mem>>) attributes {dimension_semantics = [#tpu.dimension_semantics<core_parallel>, #tpu.dimension_semantics<subcore_parallel>], iteration_bounds = array<i64: 2, 16>, scalar_prefetch = 0 : i64, scratch_operands = 6 : i64, tpu.core_type = #tpu.core_type<sc_vector_subcore>, window_params = [{transform_indices = #map}, {transform_indices = #map}, {transform_indices = #map1}, {transform_indices = #map1}, {transform_indices = #map}]} {
    %mul3A = arith.constant 2 : i32
    %mul3A_0 = arith.muli %arg1, %mul3A : i32
    %add3A = arith.addi %mul3A_0, %arg0 : i32
    %mul3A_1 = arith.constant 512 : i32
    %mul3A_2 = arith.muli %add3A, %mul3A_1 : i32
    %add3A_3 = arith.constant 0 : i32
    %add3A_4 = arith.addi %mul3A_2, %add3A_3 : i32
    %run_scoped3A = arith.constant 0 : i32
    "tpu.region"() ({
      %run_scoped3A_794 = tpu.sem_alloc : memref<!tpu.dma_semaphore, #tpu.memory_space<semaphore_mem>>
      %dma_start3A_795 = arith.constant 0 : i32
      %dma_start3A_796 = tpu.memref_slice %arg7[%run_scoped3A, %dma_start3A_795] : memref<2x128xi32, #tpu.memory_space<vmem>> -> memref<1x128xi32, #tpu.memory_space<vmem>>
      %dma_start3A_797 = tpu.memref_squeeze %dma_start3A_796 : memref<1x128xi32, #tpu.memory_space<vmem>> -> memref<128xi32, #tpu.memory_space<vmem>>
      %dma_start3A_798 = tpu.memref_slice %arg2[%add3A_4] : memref<16384xi32, #tpu.memory_space<hbm>> -> memref<128xi32, #tpu.memory_space<hbm>>
      %dma_start3A_799 = arith.constant 0 : i32
      %dma_start3A_800 = tpu.memref_slice %arg7[%run_scoped3A, %dma_start3A_799] : memref<2x128xi32, #tpu.memory_space<vmem>> -> memref<1x128xi32, #tpu.memory_space<vmem>>
      %dma_start3A_801 = tpu.memref_squeeze %dma_start3A_800 : memref<1x128xi32, #tpu.memory_space<vmem>> -> memref<128xi32, #tpu.memory_space<vmem>>
      %dma_start3A_802 = tpu.memref_slice %arg2[%add3A_4] : memref<16384xi32, #tpu.memory_space<hbm>> -> memref<128xi32, #tpu.memory_space<hbm>>
      tpu.enqueue_dma source(%dma_start3A_802 : memref<128xi32, #tpu.memory_space<hbm>>) target(%dma_start3A_801 : memref<128xi32, #tpu.memory_space<vmem>>) target_semaphore(%run_scoped3A_794 : memref<!tpu.dma_semaphore, #tpu.memory_space<semaphore_mem>>)
      %dma_wait3A_803 = arith.constant 0 : i32
      %dma_wait3A_804 = tpu.memref_slice %arg7[%run_scoped3A, %dma_wait3A_803] : memref<2x128xi32, #tpu.memory_space<vmem>> -> memref<1x128xi32, #tpu.memory_space<vmem>>
      %dma_wait3A_805 = tpu.memref_squeeze %dma_wait3A_804 : memref<1x128xi32, #tpu.memory_space<vmem>> -> memref<128xi32, #tpu.memory_space<vmem>>
      %dma_wait3A_806 = tpu.memref_slice %arg2[%add3A_4] : memref<16384xi32, #tpu.memory_space<hbm>> -> memref<128xi32, #tpu.memory_space<hbm>>
      %dma_wait3A_807 = arith.constant 0 : i32
      %dma_wait3A_808 = tpu.memref_slice %arg7[%run_scoped3A, %dma_wait3A_807] : memref<2x128xi32, #tpu.memory_space<vmem>> -> memref<1x128xi32, #tpu.memory_space<vmem>>
      %dma_wait3A_809 = tpu.memref_squeeze %dma_wait3A_808 : memref<1x128xi32, #tpu.memory_space<vmem>> -> memref<128xi32, #tpu.memory_space<vmem>>
      %dma_wait3A_810 = tpu.memref_slice %arg2[%add3A_4] : memref<16384xi32, #tpu.memory_space<hbm>> -> memref<128xi32, #tpu.memory_space<hbm>>
      tpu.wait_dma2 semaphore(%run_scoped3A_794 : memref<!tpu.dma_semaphore, #tpu.memory_space<semaphore_mem>>) src(%dma_wait3A_810 : memref<128xi32, #tpu.memory_space<hbm>>) dst(%dma_wait3A_809 : memref<128xi32, #tpu.memory_space<vmem>>)
      tpu.yield
    }) : () -> ()
    %mul3A_5 = arith.constant 5 : i32
    %mul3A_6 = arith.muli %add3A_4, %mul3A_5 : i32
    %run_scoped3A_7 = arith.constant 0 : i32
    "tpu.region"() ({
      %run_scoped3A_794 = tpu.sem_alloc : memref<!tpu.dma_semaphore, #tpu.memory_space<semaphore_mem>>
      %dma_start3A_795 = arith.constant 0 : i32
      %dma_start3A_796 = tpu.memref_slice %arg8[%run_scoped3A_7, %dma_start3A_795] : memref<2x640xi32, #tpu.memory_space<vmem>> -> memref<1x640xi32, #tpu.memory_space<vmem>>
      %dma_start3A_797 = tpu.memref_squeeze %dma_start3A_796 : memref<1x640xi32, #tpu.memory_space<vmem>> -> memref<640xi32, #tpu.memory_space<vmem>>
      %dma_start3A_798 = tpu.memref_slice %arg3[%mul3A_6] : memref<81920xi32, #tpu.memory_space<hbm>> -> memref<640xi32, #tpu.memory_space<hbm>>
      %dma_start3A_799 = arith.constant 0 : i32
      %dma_start3A_800 = tpu.memref_slice %arg8[%run_scoped3A_7, %dma_start3A_799] : memref<2x640xi32, #tpu.memory_space<vmem>> -> memref<1x640xi32, #tpu.memory_space<vmem>>
      %dma_start3A_801 = tpu.memref_squeeze %dma_start3A_800 : memref<1x640xi32, #tpu.memory_space<vmem>> -> memref<640xi32, #tpu.memory_space<vmem>>
      %dma_start3A_802 = tpu.memref_slice %arg3[%mul3A_6] : memref<81920xi32, #tpu.memory_space<hbm>> -> memref<640xi32, #tpu.memory_space<hbm>>
      tpu.enqueue_dma source(%dma_start3A_802 : memref<640xi32, #tpu.memory_space<hbm>>) target(%dma_start3A_801 : memref<640xi32, #tpu.memory_space<vmem>>) target_semaphore(%run_scoped3A_794 : memref<!tpu.dma_semaphore, #tpu.memory_space<semaphore_mem>>)
      %dma_wait3A_803 = arith.constant 0 : i32
      %dma_wait3A_804 = tpu.memref_slice %arg8[%run_scoped3A_7, %dma_wait3A_803] : memref<2x640xi32, #tpu.memory_space<vmem>> -> memref<1x640xi32, #tpu.memory_space<vmem>>
      %dma_wait3A_805 = tpu.memref_squeeze %dma_wait3A_804 : memref<1x640xi32, #tpu.memory_space<vmem>> -> memref<640xi32, #tpu.memory_space<vmem>>
      %dma_wait3A_806 = tpu.memref_slice %arg3[%mul3A_6] : memref<81920xi32, #tpu.memory_space<hbm>> -> memref<640xi32, #tpu.memory_space<hbm>>
      %dma_wait3A_807 = arith.constant 0 : i32
      %dma_wait3A_808 = tpu.memref_slice %arg8[%run_scoped3A_7, %dma_wait3A_807] : memref<2x640xi32, #tpu.memory_space<vmem>> -> memref<1x640xi32, #tpu.memory_space<vmem>>
      %dma_wait3A_809 = tpu.memref_squeeze %dma_wait3A_808 : memref<1x640xi32, #tpu.memory_space<vmem>> -> memref<640xi32, #tpu.memory_space<vmem>>
      %dma_wait3A_810 = tpu.memref_slice %arg3[%mul3A_6] : memref<81920xi32, #tpu.memory_space<hbm>> -> memref<640xi32, #tpu.memory_space<hbm>>
      tpu.wait_dma2 semaphore(%run_scoped3A_794 : memref<!tpu.dma_semaphore, #tpu.memory_space<semaphore_mem>>) src(%dma_wait3A_810 : memref<640xi32, #tpu.memory_space<hbm>>) dst(%dma_wait3A_809 : memref<640xi32, #tpu.memory_space<vmem>>)
      tpu.yield
    }) : () -> ()
    %dma_start3A = arith.constant 0 : i32
    %dma_start3A_8 = arith.constant 0 : i32
    %dma_start3A_9 = arith.constant 0 : i32
    %dma_start3A_10 = arith.constant 0 : i32
    %dma_start3A_11 = arith.constant 0 : i32
    %dma_start3A_12 = tpu.memref_slice %arg9[%dma_start3A_8, %dma_start3A_10, %dma_start3A_11] : memref<2x128x64xf32, #tpu.memory_space<vmem>> -> memref<1x128x64xf32, #tpu.memory_space<vmem>>
    %dma_start3A_13 = tpu.memref_squeeze %dma_start3A_12 : memref<1x128x64xf32, #tpu.memory_space<vmem>> -> memref<128x64xf32, #tpu.memory_space<vmem>>
    %dma_start3A_14 = arith.constant 0 : i32
    %dma_start3A_15 = tpu.memref_slice %arg7[%dma_start3A, %dma_start3A_14] : memref<2x128xi32, #tpu.memory_space<vmem>> -> memref<1x128xi32, #tpu.memory_space<vmem>>
    %dma_start3A_16 = tpu.memref_squeeze %dma_start3A_15 : memref<1x128xi32, #tpu.memory_space<vmem>> -> memref<128xi32, #tpu.memory_space<vmem>>
    %dma_start3A_17 = arith.constant 0 : i32
    %dma_start3A_18 = arith.constant 0 : i32
    %dma_start3A_19 = tpu.memref_slice %arg4[%dma_start3A_17, %dma_start3A_18] : memref<1000000x64xf32, #tpu.memory_space<hbm>> -> memref<1000000x64xf32, #tpu.memory_space<hbm>>
    %dma_start3A_20 = tpu.memref_slice %arg12[%dma_start3A_9] : memref<2x!tpu.dma_semaphore, #tpu.memory_space<semaphore_mem>> -> memref<1x!tpu.dma_semaphore, #tpu.memory_space<semaphore_mem>>
    %dma_start3A_21 = tpu.memref_squeeze %dma_start3A_20 : memref<1x!tpu.dma_semaphore, #tpu.memory_space<semaphore_mem>> -> memref<!tpu.dma_semaphore, #tpu.memory_space<semaphore_mem>>
    tpu.enqueue_indirect_dma source(%dma_start3A_19 : memref<1000000x64xf32, #tpu.memory_space<hbm>>) target(%dma_start3A_13 : memref<128x64xf32, #tpu.memory_space<vmem>>) offsets(%dma_start3A_16 : memref<128xi32, #tpu.memory_space<vmem>>) semaphore(%dma_start3A_21 : memref<!tpu.dma_semaphore, #tpu.memory_space<semaphore_mem>>)
    %dma_start3A_22 = arith.constant 0 : i32
    %dma_start3A_23 = arith.constant 0 : i32
    %dma_start3A_24 = arith.constant 0 : i32
    %dma_start3A_25 = arith.constant 0 : i32
    %dma_start3A_26 = arith.constant 0 : i32
    %dma_start3A_27 = tpu.memref_slice %arg10[%dma_start3A_23, %dma_start3A_25, %dma_start3A_26] : memref<2x640x64xf32, #tpu.memory_space<vmem>> -> memref<1x128x64xf32, #tpu.memory_space<vmem>>
    %dma_start3A_28 = tpu.memref_squeeze %dma_start3A_27 : memref<1x128x64xf32, #tpu.memory_space<vmem>> -> memref<128x64xf32, #tpu.memory_space<vmem>>
    %dma_start3A_29 = arith.constant 0 : i32
    %dma_start3A_30 = tpu.memref_slice %arg8[%dma_start3A_22, %dma_start3A_29] : memref<2x640xi32, #tpu.memory_space<vmem>> -> memref<1x128xi32, #tpu.memory_space<vmem>>
    %dma_start3A_31 = tpu.memref_squeeze %dma_start3A_30 : memref<1x128xi32, #tpu.memory_space<vmem>> -> memref<128xi32, #tpu.memory_space<vmem>>
    %dma_start3A_32 = arith.constant 0 : i32
    %dma_start3A_33 = arith.constant 0 : i32
    %dma_start3A_34 = tpu.memref_slice %arg5[%dma_start3A_32, %dma_start3A_33] : memref<1000000x64xf32, #tpu.memory_space<hbm>> -> memref<1000000x64xf32, #tpu.memory_space<hbm>>
    %dma_start3A_35 = tpu.memref_slice %arg12[%dma_start3A_24] : memref<2x!tpu.dma_semaphore, #tpu.memory_space<semaphore_mem>> -> memref<1x!tpu.dma_semaphore, #tpu.memory_space<semaphore_mem>>
    %dma_start3A_36 = tpu.memref_squeeze %dma_start3A_35 : memref<1x!tpu.dma_semaphore, #tpu.memory_space<semaphore_mem>> -> memref<!tpu.dma_semaphore, #tpu.memory_space<semaphore_mem>>
    tpu.enqueue_indirect_dma source(%dma_start3A_34 : memref<1000000x64xf32, #tpu.memory_space<hbm>>) target(%dma_start3A_28 : memref<128x64xf32, #tpu.memory_space<vmem>>) offsets(%dma_start3A_31 : memref<128xi32, #tpu.memory_space<vmem>>) semaphore(%dma_start3A_36 : memref<!tpu.dma_semaphore, #tpu.memory_space<semaphore_mem>>)
    %dma_start3A_37 = arith.constant 0 : i32
    %dma_start3A_38 = arith.constant 0 : i32
    %dma_start3A_39 = arith.constant 0 : i32
    %dma_start3A_40 = arith.constant 128 : i32
    %dma_start3A_41 = arith.constant 0 : i32
    %dma_start3A_42 = tpu.memref_slice %arg10[%dma_start3A_38, %dma_start3A_40, %dma_start3A_41] : memref<2x640x64xf32, #tpu.memory_space<vmem>> -> memref<1x128x64xf32, #tpu.memory_space<vmem>>
    %dma_start3A_43 = tpu.memref_squeeze %dma_start3A_42 : memref<1x128x64xf32, #tpu.memory_space<vmem>> -> memref<128x64xf32, #tpu.memory_space<vmem>>
    %dma_start3A_44 = arith.constant 128 : i32
    %dma_start3A_45 = tpu.memref_slice %arg8[%dma_start3A_37, %dma_start3A_44] : memref<2x640xi32, #tpu.memory_space<vmem>> -> memref<1x128xi32, #tpu.memory_space<vmem>>
    %dma_start3A_46 = tpu.memref_squeeze %dma_start3A_45 : memref<1x128xi32, #tpu.memory_space<vmem>> -> memref<128xi32, #tpu.memory_space<vmem>>
    %dma_start3A_47 = arith.constant 0 : i32
    %dma_start3A_48 = arith.constant 0 : i32
    %dma_start3A_49 = tpu.memref_slice %arg5[%dma_start3A_47, %dma_start3A_48] : memref<1000000x64xf32, #tpu.memory_space<hbm>> -> memref<1000000x64xf32, #tpu.memory_space<hbm>>
    %dma_start3A_50 = tpu.memref_slice %arg12[%dma_start3A_39] : memref<2x!tpu.dma_semaphore, #tpu.memory_space<semaphore_mem>> -> memref<1x!tpu.dma_semaphore, #tpu.memory_space<semaphore_mem>>
    %dma_start3A_51 = tpu.memref_squeeze %dma_start3A_50 : memref<1x!tpu.dma_semaphore, #tpu.memory_space<semaphore_mem>> -> memref<!tpu.dma_semaphore, #tpu.memory_space<semaphore_mem>>
    tpu.enqueue_indirect_dma source(%dma_start3A_49 : memref<1000000x64xf32, #tpu.memory_space<hbm>>) target(%dma_start3A_43 : memref<128x64xf32, #tpu.memory_space<vmem>>) offsets(%dma_start3A_46 : memref<128xi32, #tpu.memory_space<vmem>>) semaphore(%dma_start3A_51 : memref<!tpu.dma_semaphore, #tpu.memory_space<semaphore_mem>>)
    %dma_start3A_52 = arith.constant 0 : i32
    %dma_start3A_53 = arith.constant 0 : i32
    %dma_start3A_54 = arith.constant 0 : i32
    %dma_start3A_55 = arith.constant 256 : i32
    %dma_start3A_56 = arith.constant 0 : i32
    %dma_start3A_57 = tpu.memref_slice %arg10[%dma_start3A_53, %dma_start3A_55, %dma_start3A_56] : memref<2x640x64xf32, #tpu.memory_space<vmem>> -> memref<1x128x64xf32, #tpu.memory_space<vmem>>
    %dma_start3A_58 = tpu.memref_squeeze %dma_start3A_57 : memref<1x128x64xf32, #tpu.memory_space<vmem>> -> memref<128x64xf32, #tpu.memory_space<vmem>>
    %dma_start3A_59 = arith.constant 256 : i32
    %dma_start3A_60 = tpu.memref_slice %arg8[%dma_start3A_52, %dma_start3A_59] : memref<2x640xi32, #tpu.memory_space<vmem>> -> memref<1x128xi32, #tpu.memory_space<vmem>>
    %dma_start3A_61 = tpu.memref_squeeze %dma_start3A_60 : memref<1x128xi32, #tpu.memory_space<vmem>> -> memref<128xi32, #tpu.memory_space<vmem>>
    %dma_start3A_62 = arith.constant 0 : i32
    %dma_start3A_63 = arith.constant 0 : i32
    %dma_start3A_64 = tpu.memref_slice %arg5[%dma_start3A_62, %dma_start3A_63] : memref<1000000x64xf32, #tpu.memory_space<hbm>> -> memref<1000000x64xf32, #tpu.memory_space<hbm>>
    %dma_start3A_65 = tpu.memref_slice %arg12[%dma_start3A_54] : memref<2x!tpu.dma_semaphore, #tpu.memory_space<semaphore_mem>> -> memref<1x!tpu.dma_semaphore, #tpu.memory_space<semaphore_mem>>
    %dma_start3A_66 = tpu.memref_squeeze %dma_start3A_65 : memref<1x!tpu.dma_semaphore, #tpu.memory_space<semaphore_mem>> -> memref<!tpu.dma_semaphore, #tpu.memory_space<semaphore_mem>>
    tpu.enqueue_indirect_dma source(%dma_start3A_64 : memref<1000000x64xf32, #tpu.memory_space<hbm>>) target(%dma_start3A_58 : memref<128x64xf32, #tpu.memory_space<vmem>>) offsets(%dma_start3A_61 : memref<128xi32, #tpu.memory_space<vmem>>) semaphore(%dma_start3A_66 : memref<!tpu.dma_semaphore, #tpu.memory_space<semaphore_mem>>)
    %dma_start3A_67 = arith.constant 0 : i32
    %dma_start3A_68 = arith.constant 0 : i32
    %dma_start3A_69 = arith.constant 0 : i32
    %dma_start3A_70 = arith.constant 384 : i32
    %dma_start3A_71 = arith.constant 0 : i32
    %dma_start3A_72 = tpu.memref_slice %arg10[%dma_start3A_68, %dma_start3A_70, %dma_start3A_71] : memref<2x640x64xf32, #tpu.memory_space<vmem>> -> memref<1x128x64xf32, #tpu.memory_space<vmem>>
    %dma_start3A_73 = tpu.memref_squeeze %dma_start3A_72 : memref<1x128x64xf32, #tpu.memory_space<vmem>> -> memref<128x64xf32, #tpu.memory_space<vmem>>
    %dma_start3A_74 = arith.constant 384 : i32
    %dma_start3A_75 = tpu.memref_slice %arg8[%dma_start3A_67, %dma_start3A_74] : memref<2x640xi32, #tpu.memory_space<vmem>> -> memref<1x128xi32, #tpu.memory_space<vmem>>
    %dma_start3A_76 = tpu.memref_squeeze %dma_start3A_75 : memref<1x128xi32, #tpu.memory_space<vmem>> -> memref<128xi32, #tpu.memory_space<vmem>>
    %dma_start3A_77 = arith.constant 0 : i32
    %dma_start3A_78 = arith.constant 0 : i32
    %dma_start3A_79 = tpu.memref_slice %arg5[%dma_start3A_77, %dma_start3A_78] : memref<1000000x64xf32, #tpu.memory_space<hbm>> -> memref<1000000x64xf32, #tpu.memory_space<hbm>>
    %dma_start3A_80 = tpu.memref_slice %arg12[%dma_start3A_69] : memref<2x!tpu.dma_semaphore, #tpu.memory_space<semaphore_mem>> -> memref<1x!tpu.dma_semaphore, #tpu.memory_space<semaphore_mem>>
    %dma_start3A_81 = tpu.memref_squeeze %dma_start3A_80 : memref<1x!tpu.dma_semaphore, #tpu.memory_space<semaphore_mem>> -> memref<!tpu.dma_semaphore, #tpu.memory_space<semaphore_mem>>
    tpu.enqueue_indirect_dma source(%dma_start3A_79 : memref<1000000x64xf32, #tpu.memory_space<hbm>>) target(%dma_start3A_73 : memref<128x64xf32, #tpu.memory_space<vmem>>) offsets(%dma_start3A_76 : memref<128xi32, #tpu.memory_space<vmem>>) semaphore(%dma_start3A_81 : memref<!tpu.dma_semaphore, #tpu.memory_space<semaphore_mem>>)
    %dma_start3A_82 = arith.constant 0 : i32
    %dma_start3A_83 = arith.constant 0 : i32
    %dma_start3A_84 = arith.constant 0 : i32
    %dma_start3A_85 = arith.constant 512 : i32
    %dma_start3A_86 = arith.constant 0 : i32
    %dma_start3A_87 = tpu.memref_slice %arg10[%dma_start3A_83, %dma_start3A_85, %dma_start3A_86] : memref<2x640x64xf32, #tpu.memory_space<vmem>> -> memref<1x128x64xf32, #tpu.memory_space<vmem>>
    %dma_start3A_88 = tpu.memref_squeeze %dma_start3A_87 : memref<1x128x64xf32, #tpu.memory_space<vmem>> -> memref<128x64xf32, #tpu.memory_space<vmem>>
    %dma_start3A_89 = arith.constant 512 : i32
    %dma_start3A_90 = tpu.memref_slice %arg8[%dma_start3A_82, %dma_start3A_89] : memref<2x640xi32, #tpu.memory_space<vmem>> -> memref<1x128xi32, #tpu.memory_space<vmem>>
    %dma_start3A_91 = tpu.memref_squeeze %dma_start3A_90 : memref<1x128xi32, #tpu.memory_space<vmem>> -> memref<128xi32, #tpu.memory_space<vmem>>
    %dma_start3A_92 = arith.constant 0 : i32
    %dma_start3A_93 = arith.constant 0 : i32
    %dma_start3A_94 = tpu.memref_slice %arg5[%dma_start3A_92, %dma_start3A_93] : memref<1000000x64xf32, #tpu.memory_space<hbm>> -> memref<1000000x64xf32, #tpu.memory_space<hbm>>
    %dma_start3A_95 = tpu.memref_slice %arg12[%dma_start3A_84] : memref<2x!tpu.dma_semaphore, #tpu.memory_space<semaphore_mem>> -> memref<1x!tpu.dma_semaphore, #tpu.memory_space<semaphore_mem>>
    %dma_start3A_96 = tpu.memref_squeeze %dma_start3A_95 : memref<1x!tpu.dma_semaphore, #tpu.memory_space<semaphore_mem>> -> memref<!tpu.dma_semaphore, #tpu.memory_space<semaphore_mem>>
    tpu.enqueue_indirect_dma source(%dma_start3A_94 : memref<1000000x64xf32, #tpu.memory_space<hbm>>) target(%dma_start3A_88 : memref<128x64xf32, #tpu.memory_space<vmem>>) offsets(%dma_start3A_91 : memref<128xi32, #tpu.memory_space<vmem>>) semaphore(%dma_start3A_96 : memref<!tpu.dma_semaphore, #tpu.memory_space<semaphore_mem>>)
    %add3A_97 = arith.constant 128 : i32
    %add3A_98 = arith.addi %mul3A_2, %add3A_97 : i32
    %run_scoped3A_99 = arith.constant 1 : i32
    "tpu.region"() ({
      %run_scoped3A_794 = tpu.sem_alloc : memref<!tpu.dma_semaphore, #tpu.memory_space<semaphore_mem>>
      %dma_start3A_795 = arith.constant 0 : i32
      %dma_start3A_796 = tpu.memref_slice %arg7[%run_scoped3A_99, %dma_start3A_795] : memref<2x128xi32, #tpu.memory_space<vmem>> -> memref<1x128xi32, #tpu.memory_space<vmem>>
      %dma_start3A_797 = tpu.memref_squeeze %dma_start3A_796 : memref<1x128xi32, #tpu.memory_space<vmem>> -> memref<128xi32, #tpu.memory_space<vmem>>
      %dma_start3A_798 = tpu.memref_slice %arg2[%add3A_98] : memref<16384xi32, #tpu.memory_space<hbm>> -> memref<128xi32, #tpu.memory_space<hbm>>
      %dma_start3A_799 = arith.constant 0 : i32
      %dma_start3A_800 = tpu.memref_slice %arg7[%run_scoped3A_99, %dma_start3A_799] : memref<2x128xi32, #tpu.memory_space<vmem>> -> memref<1x128xi32, #tpu.memory_space<vmem>>
      %dma_start3A_801 = tpu.memref_squeeze %dma_start3A_800 : memref<1x128xi32, #tpu.memory_space<vmem>> -> memref<128xi32, #tpu.memory_space<vmem>>
      %dma_start3A_802 = tpu.memref_slice %arg2[%add3A_98] : memref<16384xi32, #tpu.memory_space<hbm>> -> memref<128xi32, #tpu.memory_space<hbm>>
      tpu.enqueue_dma source(%dma_start3A_802 : memref<128xi32, #tpu.memory_space<hbm>>) target(%dma_start3A_801 : memref<128xi32, #tpu.memory_space<vmem>>) target_semaphore(%run_scoped3A_794 : memref<!tpu.dma_semaphore, #tpu.memory_space<semaphore_mem>>)
      %dma_wait3A_803 = arith.constant 0 : i32
      %dma_wait3A_804 = tpu.memref_slice %arg7[%run_scoped3A_99, %dma_wait3A_803] : memref<2x128xi32, #tpu.memory_space<vmem>> -> memref<1x128xi32, #tpu.memory_space<vmem>>
      %dma_wait3A_805 = tpu.memref_squeeze %dma_wait3A_804 : memref<1x128xi32, #tpu.memory_space<vmem>> -> memref<128xi32, #tpu.memory_space<vmem>>
      %dma_wait3A_806 = tpu.memref_slice %arg2[%add3A_98] : memref<16384xi32, #tpu.memory_space<hbm>> -> memref<128xi32, #tpu.memory_space<hbm>>
      %dma_wait3A_807 = arith.constant 0 : i32
      %dma_wait3A_808 = tpu.memref_slice %arg7[%run_scoped3A_99, %dma_wait3A_807] : memref<2x128xi32, #tpu.memory_space<vmem>> -> memref<1x128xi32, #tpu.memory_space<vmem>>
      %dma_wait3A_809 = tpu.memref_squeeze %dma_wait3A_808 : memref<1x128xi32, #tpu.memory_space<vmem>> -> memref<128xi32, #tpu.memory_space<vmem>>
      %dma_wait3A_810 = tpu.memref_slice %arg2[%add3A_98] : memref<16384xi32, #tpu.memory_space<hbm>> -> memref<128xi32, #tpu.memory_space<hbm>>
      tpu.wait_dma2 semaphore(%run_scoped3A_794 : memref<!tpu.dma_semaphore, #tpu.memory_space<semaphore_mem>>) src(%dma_wait3A_810 : memref<128xi32, #tpu.memory_space<hbm>>) dst(%dma_wait3A_809 : memref<128xi32, #tpu.memory_space<vmem>>)
      tpu.yield
    }) : () -> ()
    %mul3A_100 = arith.constant 5 : i32
    %mul3A_101 = arith.muli %add3A_98, %mul3A_100 : i32
    %run_scoped3A_102 = arith.constant 1 : i32
    "tpu.region"() ({
      %run_scoped3A_794 = tpu.sem_alloc : memref<!tpu.dma_semaphore, #tpu.memory_space<semaphore_mem>>
      %dma_start3A_795 = arith.constant 0 : i32
      %dma_start3A_796 = tpu.memref_slice %arg8[%run_scoped3A_102, %dma_start3A_795] : memref<2x640xi32, #tpu.memory_space<vmem>> -> memref<1x640xi32, #tpu.memory_space<vmem>>
      %dma_start3A_797 = tpu.memref_squeeze %dma_start3A_796 : memref<1x640xi32, #tpu.memory_space<vmem>> -> memref<640xi32, #tpu.memory_space<vmem>>
      %dma_start3A_798 = tpu.memref_slice %arg3[%mul3A_101] : memref<81920xi32, #tpu.memory_space<hbm>> -> memref<640xi32, #tpu.memory_space<hbm>>
      %dma_start3A_799 = arith.constant 0 : i32
      %dma_start3A_800 = tpu.memref_slice %arg8[%run_scoped3A_102, %dma_start3A_799] : memref<2x640xi32, #tpu.memory_space<vmem>> -> memref<1x640xi32, #tpu.memory_space<vmem>>
      %dma_start3A_801 = tpu.memref_squeeze %dma_start3A_800 : memref<1x640xi32, #tpu.memory_space<vmem>> -> memref<640xi32, #tpu.memory_space<vmem>>
      %dma_start3A_802 = tpu.memref_slice %arg3[%mul3A_101] : memref<81920xi32, #tpu.memory_space<hbm>> -> memref<640xi32, #tpu.memory_space<hbm>>
      tpu.enqueue_dma source(%dma_start3A_802 : memref<640xi32, #tpu.memory_space<hbm>>) target(%dma_start3A_801 : memref<640xi32, #tpu.memory_space<vmem>>) target_semaphore(%run_scoped3A_794 : memref<!tpu.dma_semaphore, #tpu.memory_space<semaphore_mem>>)
      %dma_wait3A_803 = arith.constant 0 : i32
      %dma_wait3A_804 = tpu.memref_slice %arg8[%run_scoped3A_102, %dma_wait3A_803] : memref<2x640xi32, #tpu.memory_space<vmem>> -> memref<1x640xi32, #tpu.memory_space<vmem>>
      %dma_wait3A_805 = tpu.memref_squeeze %dma_wait3A_804 : memref<1x640xi32, #tpu.memory_space<vmem>> -> memref<640xi32, #tpu.memory_space<vmem>>
      %dma_wait3A_806 = tpu.memref_slice %arg3[%mul3A_101] : memref<81920xi32, #tpu.memory_space<hbm>> -> memref<640xi32, #tpu.memory_space<hbm>>
      %dma_wait3A_807 = arith.constant 0 : i32
      %dma_wait3A_808 = tpu.memref_slice %arg8[%run_scoped3A_102, %dma_wait3A_807] : memref<2x640xi32, #tpu.memory_space<vmem>> -> memref<1x640xi32, #tpu.memory_space<vmem>>
      %dma_wait3A_809 = tpu.memref_squeeze %dma_wait3A_808 : memref<1x640xi32, #tpu.memory_space<vmem>> -> memref<640xi32, #tpu.memory_space<vmem>>
      %dma_wait3A_810 = tpu.memref_slice %arg3[%mul3A_101] : memref<81920xi32, #tpu.memory_space<hbm>> -> memref<640xi32, #tpu.memory_space<hbm>>
      tpu.wait_dma2 semaphore(%run_scoped3A_794 : memref<!tpu.dma_semaphore, #tpu.memory_space<semaphore_mem>>) src(%dma_wait3A_810 : memref<640xi32, #tpu.memory_space<hbm>>) dst(%dma_wait3A_809 : memref<640xi32, #tpu.memory_space<vmem>>)
      tpu.yield
    }) : () -> ()
    %dma_start3A_103 = arith.constant 1 : i32
    %dma_start3A_104 = arith.constant 1 : i32
    %dma_start3A_105 = arith.constant 1 : i32
    %dma_start3A_106 = arith.constant 0 : i32
    %dma_start3A_107 = arith.constant 0 : i32
    %dma_start3A_108 = tpu.memref_slice %arg9[%dma_start3A_104, %dma_start3A_106, %dma_start3A_107] : memref<2x128x64xf32, #tpu.memory_space<vmem>> -> memref<1x128x64xf32, #tpu.memory_space<vmem>>
    %dma_start3A_109 = tpu.memref_squeeze %dma_start3A_108 : memref<1x128x64xf32, #tpu.memory_space<vmem>> -> memref<128x64xf32, #tpu.memory_space<vmem>>
    %dma_start3A_110 = arith.constant 0 : i32
    %dma_start3A_111 = tpu.memref_slice %arg7[%dma_start3A_103, %dma_start3A_110] : memref<2x128xi32, #tpu.memory_space<vmem>> -> memref<1x128xi32, #tpu.memory_space<vmem>>
    %dma_start3A_112 = tpu.memref_squeeze %dma_start3A_111 : memref<1x128xi32, #tpu.memory_space<vmem>> -> memref<128xi32, #tpu.memory_space<vmem>>
    %dma_start3A_113 = arith.constant 0 : i32
    %dma_start3A_114 = arith.constant 0 : i32
    %dma_start3A_115 = tpu.memref_slice %arg4[%dma_start3A_113, %dma_start3A_114] : memref<1000000x64xf32, #tpu.memory_space<hbm>> -> memref<1000000x64xf32, #tpu.memory_space<hbm>>
    %dma_start3A_116 = tpu.memref_slice %arg12[%dma_start3A_105] : memref<2x!tpu.dma_semaphore, #tpu.memory_space<semaphore_mem>> -> memref<1x!tpu.dma_semaphore, #tpu.memory_space<semaphore_mem>>
    %dma_start3A_117 = tpu.memref_squeeze %dma_start3A_116 : memref<1x!tpu.dma_semaphore, #tpu.memory_space<semaphore_mem>> -> memref<!tpu.dma_semaphore, #tpu.memory_space<semaphore_mem>>
    tpu.enqueue_indirect_dma source(%dma_start3A_115 : memref<1000000x64xf32, #tpu.memory_space<hbm>>) target(%dma_start3A_109 : memref<128x64xf32, #tpu.memory_space<vmem>>) offsets(%dma_start3A_112 : memref<128xi32, #tpu.memory_space<vmem>>) semaphore(%dma_start3A_117 : memref<!tpu.dma_semaphore, #tpu.memory_space<semaphore_mem>>)
    %dma_start3A_118 = arith.constant 1 : i32
    %dma_start3A_119 = arith.constant 1 : i32
    %dma_start3A_120 = arith.constant 1 : i32
    %dma_start3A_121 = arith.constant 0 : i32
    %dma_start3A_122 = arith.constant 0 : i32
    %dma_start3A_123 = tpu.memref_slice %arg10[%dma_start3A_119, %dma_start3A_121, %dma_start3A_122] : memref<2x640x64xf32, #tpu.memory_space<vmem>> -> memref<1x128x64xf32, #tpu.memory_space<vmem>>
    %dma_start3A_124 = tpu.memref_squeeze %dma_start3A_123 : memref<1x128x64xf32, #tpu.memory_space<vmem>> -> memref<128x64xf32, #tpu.memory_space<vmem>>
    %dma_start3A_125 = arith.constant 0 : i32
    %dma_start3A_126 = tpu.memref_slice %arg8[%dma_start3A_118, %dma_start3A_125] : memref<2x640xi32, #tpu.memory_space<vmem>> -> memref<1x128xi32, #tpu.memory_space<vmem>>
    %dma_start3A_127 = tpu.memref_squeeze %dma_start3A_126 : memref<1x128xi32, #tpu.memory_space<vmem>> -> memref<128xi32, #tpu.memory_space<vmem>>
    %dma_start3A_128 = arith.constant 0 : i32
    %dma_start3A_129 = arith.constant 0 : i32
    %dma_start3A_130 = tpu.memref_slice %arg5[%dma_start3A_128, %dma_start3A_129] : memref<1000000x64xf32, #tpu.memory_space<hbm>> -> memref<1000000x64xf32, #tpu.memory_space<hbm>>
    %dma_start3A_131 = tpu.memref_slice %arg12[%dma_start3A_120] : memref<2x!tpu.dma_semaphore, #tpu.memory_space<semaphore_mem>> -> memref<1x!tpu.dma_semaphore, #tpu.memory_space<semaphore_mem>>
    %dma_start3A_132 = tpu.memref_squeeze %dma_start3A_131 : memref<1x!tpu.dma_semaphore, #tpu.memory_space<semaphore_mem>> -> memref<!tpu.dma_semaphore, #tpu.memory_space<semaphore_mem>>
    tpu.enqueue_indirect_dma source(%dma_start3A_130 : memref<1000000x64xf32, #tpu.memory_space<hbm>>) target(%dma_start3A_124 : memref<128x64xf32, #tpu.memory_space<vmem>>) offsets(%dma_start3A_127 : memref<128xi32, #tpu.memory_space<vmem>>) semaphore(%dma_start3A_132 : memref<!tpu.dma_semaphore, #tpu.memory_space<semaphore_mem>>)
    %dma_start3A_133 = arith.constant 1 : i32
    %dma_start3A_134 = arith.constant 1 : i32
    %dma_start3A_135 = arith.constant 1 : i32
    %dma_start3A_136 = arith.constant 128 : i32
    %dma_start3A_137 = arith.constant 0 : i32
    %dma_start3A_138 = tpu.memref_slice %arg10[%dma_start3A_134, %dma_start3A_136, %dma_start3A_137] : memref<2x640x64xf32, #tpu.memory_space<vmem>> -> memref<1x128x64xf32, #tpu.memory_space<vmem>>
    %dma_start3A_139 = tpu.memref_squeeze %dma_start3A_138 : memref<1x128x64xf32, #tpu.memory_space<vmem>> -> memref<128x64xf32, #tpu.memory_space<vmem>>
    %dma_start3A_140 = arith.constant 128 : i32
    %dma_start3A_141 = tpu.memref_slice %arg8[%dma_start3A_133, %dma_start3A_140] : memref<2x640xi32, #tpu.memory_space<vmem>> -> memref<1x128xi32, #tpu.memory_space<vmem>>
    %dma_start3A_142 = tpu.memref_squeeze %dma_start3A_141 : memref<1x128xi32, #tpu.memory_space<vmem>> -> memref<128xi32, #tpu.memory_space<vmem>>
    %dma_start3A_143 = arith.constant 0 : i32
    %dma_start3A_144 = arith.constant 0 : i32
    %dma_start3A_145 = tpu.memref_slice %arg5[%dma_start3A_143, %dma_start3A_144] : memref<1000000x64xf32, #tpu.memory_space<hbm>> -> memref<1000000x64xf32, #tpu.memory_space<hbm>>
    %dma_start3A_146 = tpu.memref_slice %arg12[%dma_start3A_135] : memref<2x!tpu.dma_semaphore, #tpu.memory_space<semaphore_mem>> -> memref<1x!tpu.dma_semaphore, #tpu.memory_space<semaphore_mem>>
    %dma_start3A_147 = tpu.memref_squeeze %dma_start3A_146 : memref<1x!tpu.dma_semaphore, #tpu.memory_space<semaphore_mem>> -> memref<!tpu.dma_semaphore, #tpu.memory_space<semaphore_mem>>
    tpu.enqueue_indirect_dma source(%dma_start3A_145 : memref<1000000x64xf32, #tpu.memory_space<hbm>>) target(%dma_start3A_139 : memref<128x64xf32, #tpu.memory_space<vmem>>) offsets(%dma_start3A_142 : memref<128xi32, #tpu.memory_space<vmem>>) semaphore(%dma_start3A_147 : memref<!tpu.dma_semaphore, #tpu.memory_space<semaphore_mem>>)
    %dma_start3A_148 = arith.constant 1 : i32
    %dma_start3A_149 = arith.constant 1 : i32
    %dma_start3A_150 = arith.constant 1 : i32
    %dma_start3A_151 = arith.constant 256 : i32
    %dma_start3A_152 = arith.constant 0 : i32
    %dma_start3A_153 = tpu.memref_slice %arg10[%dma_start3A_149, %dma_start3A_151, %dma_start3A_152] : memref<2x640x64xf32, #tpu.memory_space<vmem>> -> memref<1x128x64xf32, #tpu.memory_space<vmem>>
    %dma_start3A_154 = tpu.memref_squeeze %dma_start3A_153 : memref<1x128x64xf32, #tpu.memory_space<vmem>> -> memref<128x64xf32, #tpu.memory_space<vmem>>
    %dma_start3A_155 = arith.constant 256 : i32
    %dma_start3A_156 = tpu.memref_slice %arg8[%dma_start3A_148, %dma_start3A_155] : memref<2x640xi32, #tpu.memory_space<vmem>> -> memref<1x128xi32, #tpu.memory_space<vmem>>
    %dma_start3A_157 = tpu.memref_squeeze %dma_start3A_156 : memref<1x128xi32, #tpu.memory_space<vmem>> -> memref<128xi32, #tpu.memory_space<vmem>>
    %dma_start3A_158 = arith.constant 0 : i32
    %dma_start3A_159 = arith.constant 0 : i32
    %dma_start3A_160 = tpu.memref_slice %arg5[%dma_start3A_158, %dma_start3A_159] : memref<1000000x64xf32, #tpu.memory_space<hbm>> -> memref<1000000x64xf32, #tpu.memory_space<hbm>>
    %dma_start3A_161 = tpu.memref_slice %arg12[%dma_start3A_150] : memref<2x!tpu.dma_semaphore, #tpu.memory_space<semaphore_mem>> -> memref<1x!tpu.dma_semaphore, #tpu.memory_space<semaphore_mem>>
    %dma_start3A_162 = tpu.memref_squeeze %dma_start3A_161 : memref<1x!tpu.dma_semaphore, #tpu.memory_space<semaphore_mem>> -> memref<!tpu.dma_semaphore, #tpu.memory_space<semaphore_mem>>
    tpu.enqueue_indirect_dma source(%dma_start3A_160 : memref<1000000x64xf32, #tpu.memory_space<hbm>>) target(%dma_start3A_154 : memref<128x64xf32, #tpu.memory_space<vmem>>) offsets(%dma_start3A_157 : memref<128xi32, #tpu.memory_space<vmem>>) semaphore(%dma_start3A_162 : memref<!tpu.dma_semaphore, #tpu.memory_space<semaphore_mem>>)
    %dma_start3A_163 = arith.constant 1 : i32
    %dma_start3A_164 = arith.constant 1 : i32
    %dma_start3A_165 = arith.constant 1 : i32
    %dma_start3A_166 = arith.constant 384 : i32
    %dma_start3A_167 = arith.constant 0 : i32
    %dma_start3A_168 = tpu.memref_slice %arg10[%dma_start3A_164, %dma_start3A_166, %dma_start3A_167] : memref<2x640x64xf32, #tpu.memory_space<vmem>> -> memref<1x128x64xf32, #tpu.memory_space<vmem>>
    %dma_start3A_169 = tpu.memref_squeeze %dma_start3A_168 : memref<1x128x64xf32, #tpu.memory_space<vmem>> -> memref<128x64xf32, #tpu.memory_space<vmem>>
    %dma_start3A_170 = arith.constant 384 : i32
    %dma_start3A_171 = tpu.memref_slice %arg8[%dma_start3A_163, %dma_start3A_170] : memref<2x640xi32, #tpu.memory_space<vmem>> -> memref<1x128xi32, #tpu.memory_space<vmem>>
    %dma_start3A_172 = tpu.memref_squeeze %dma_start3A_171 : memref<1x128xi32, #tpu.memory_space<vmem>> -> memref<128xi32, #tpu.memory_space<vmem>>
    %dma_start3A_173 = arith.constant 0 : i32
    %dma_start3A_174 = arith.constant 0 : i32
    %dma_start3A_175 = tpu.memref_slice %arg5[%dma_start3A_173, %dma_start3A_174] : memref<1000000x64xf32, #tpu.memory_space<hbm>> -> memref<1000000x64xf32, #tpu.memory_space<hbm>>
    %dma_start3A_176 = tpu.memref_slice %arg12[%dma_start3A_165] : memref<2x!tpu.dma_semaphore, #tpu.memory_space<semaphore_mem>> -> memref<1x!tpu.dma_semaphore, #tpu.memory_space<semaphore_mem>>
    %dma_start3A_177 = tpu.memref_squeeze %dma_start3A_176 : memref<1x!tpu.dma_semaphore, #tpu.memory_space<semaphore_mem>> -> memref<!tpu.dma_semaphore, #tpu.memory_space<semaphore_mem>>
    tpu.enqueue_indirect_dma source(%dma_start3A_175 : memref<1000000x64xf32, #tpu.memory_space<hbm>>) target(%dma_start3A_169 : memref<128x64xf32, #tpu.memory_space<vmem>>) offsets(%dma_start3A_172 : memref<128xi32, #tpu.memory_space<vmem>>) semaphore(%dma_start3A_177 : memref<!tpu.dma_semaphore, #tpu.memory_space<semaphore_mem>>)
    %dma_start3A_178 = arith.constant 1 : i32
    %dma_start3A_179 = arith.constant 1 : i32
    %dma_start3A_180 = arith.constant 1 : i32
    %dma_start3A_181 = arith.constant 512 : i32
    %dma_start3A_182 = arith.constant 0 : i32
    %dma_start3A_183 = tpu.memref_slice %arg10[%dma_start3A_179, %dma_start3A_181, %dma_start3A_182] : memref<2x640x64xf32, #tpu.memory_space<vmem>> -> memref<1x128x64xf32, #tpu.memory_space<vmem>>
    %dma_start3A_184 = tpu.memref_squeeze %dma_start3A_183 : memref<1x128x64xf32, #tpu.memory_space<vmem>> -> memref<128x64xf32, #tpu.memory_space<vmem>>
    %dma_start3A_185 = arith.constant 512 : i32
    %dma_start3A_186 = tpu.memref_slice %arg8[%dma_start3A_178, %dma_start3A_185] : memref<2x640xi32, #tpu.memory_space<vmem>> -> memref<1x128xi32, #tpu.memory_space<vmem>>
    %dma_start3A_187 = tpu.memref_squeeze %dma_start3A_186 : memref<1x128xi32, #tpu.memory_space<vmem>> -> memref<128xi32, #tpu.memory_space<vmem>>
    %dma_start3A_188 = arith.constant 0 : i32
    %dma_start3A_189 = arith.constant 0 : i32
    %dma_start3A_190 = tpu.memref_slice %arg5[%dma_start3A_188, %dma_start3A_189] : memref<1000000x64xf32, #tpu.memory_space<hbm>> -> memref<1000000x64xf32, #tpu.memory_space<hbm>>
    %dma_start3A_191 = tpu.memref_slice %arg12[%dma_start3A_180] : memref<2x!tpu.dma_semaphore, #tpu.memory_space<semaphore_mem>> -> memref<1x!tpu.dma_semaphore, #tpu.memory_space<semaphore_mem>>
    %dma_start3A_192 = tpu.memref_squeeze %dma_start3A_191 : memref<1x!tpu.dma_semaphore, #tpu.memory_space<semaphore_mem>> -> memref<!tpu.dma_semaphore, #tpu.memory_space<semaphore_mem>>
    tpu.enqueue_indirect_dma source(%dma_start3A_190 : memref<1000000x64xf32, #tpu.memory_space<hbm>>) target(%dma_start3A_184 : memref<128x64xf32, #tpu.memory_space<vmem>>) offsets(%dma_start3A_187 : memref<128xi32, #tpu.memory_space<vmem>>) semaphore(%dma_start3A_192 : memref<!tpu.dma_semaphore, #tpu.memory_space<semaphore_mem>>)
    %add3A_193 = arith.constant 0 : i32
    %add3A_194 = arith.addi %mul3A_2, %add3A_193 : i32
    %dma_wait3A = arith.constant 0 : i32
    %dma_wait3A_195 = arith.constant 0 : i32
    %dma_wait3A_196 = arith.constant 0 : i32
    %dma_wait3A_197 = arith.constant 0 : i32
    %dma_wait3A_198 = arith.constant 0 : i32
    %dma_wait3A_199 = tpu.memref_slice %arg9[%dma_wait3A_195, %dma_wait3A_197, %dma_wait3A_198] : memref<2x128x64xf32, #tpu.memory_space<vmem>> -> memref<1x128x64xf32, #tpu.memory_space<vmem>>
    %dma_wait3A_200 = tpu.memref_squeeze %dma_wait3A_199 : memref<1x128x64xf32, #tpu.memory_space<vmem>> -> memref<128x64xf32, #tpu.memory_space<vmem>>
    %dma_wait3A_201 = arith.constant 0 : i32
    %dma_wait3A_202 = tpu.memref_slice %arg7[%dma_wait3A, %dma_wait3A_201] : memref<2x128xi32, #tpu.memory_space<vmem>> -> memref<1x128xi32, #tpu.memory_space<vmem>>
    %dma_wait3A_203 = tpu.memref_squeeze %dma_wait3A_202 : memref<1x128xi32, #tpu.memory_space<vmem>> -> memref<128xi32, #tpu.memory_space<vmem>>
    %dma_wait3A_204 = arith.constant 0 : i32
    %dma_wait3A_205 = arith.constant 0 : i32
    %dma_wait3A_206 = tpu.memref_slice %arg4[%dma_wait3A_204, %dma_wait3A_205] : memref<1000000x64xf32, #tpu.memory_space<hbm>> -> memref<1000000x64xf32, #tpu.memory_space<hbm>>
    %dma_wait3A_207 = tpu.memref_slice %arg12[%dma_wait3A_196] : memref<2x!tpu.dma_semaphore, #tpu.memory_space<semaphore_mem>> -> memref<1x!tpu.dma_semaphore, #tpu.memory_space<semaphore_mem>>
    %dma_wait3A_208 = tpu.memref_squeeze %dma_wait3A_207 : memref<1x!tpu.dma_semaphore, #tpu.memory_space<semaphore_mem>> -> memref<!tpu.dma_semaphore, #tpu.memory_space<semaphore_mem>>
    tpu.wait_indirect_dma semaphore(%dma_wait3A_208 : memref<!tpu.dma_semaphore, #tpu.memory_space<semaphore_mem>>) src(%dma_wait3A_206 : memref<1000000x64xf32, #tpu.memory_space<hbm>>) dst(%dma_wait3A_200 : memref<128x64xf32, #tpu.memory_space<vmem>>)
    %dma_wait3A_209 = arith.constant 0 : i32
    %dma_wait3A_210 = arith.constant 0 : i32
    %dma_wait3A_211 = arith.constant 0 : i32
    %dma_wait3A_212 = arith.constant 0 : i32
    %dma_wait3A_213 = arith.constant 0 : i32
    %dma_wait3A_214 = tpu.memref_slice %arg10[%dma_wait3A_210, %dma_wait3A_212, %dma_wait3A_213] : memref<2x640x64xf32, #tpu.memory_space<vmem>> -> memref<1x128x64xf32, #tpu.memory_space<vmem>>
    %dma_wait3A_215 = tpu.memref_squeeze %dma_wait3A_214 : memref<1x128x64xf32, #tpu.memory_space<vmem>> -> memref<128x64xf32, #tpu.memory_space<vmem>>
    %dma_wait3A_216 = arith.constant 0 : i32
    %dma_wait3A_217 = tpu.memref_slice %arg8[%dma_wait3A_209, %dma_wait3A_216] : memref<2x640xi32, #tpu.memory_space<vmem>> -> memref<1x128xi32, #tpu.memory_space<vmem>>
    %dma_wait3A_218 = tpu.memref_squeeze %dma_wait3A_217 : memref<1x128xi32, #tpu.memory_space<vmem>> -> memref<128xi32, #tpu.memory_space<vmem>>
    %dma_wait3A_219 = arith.constant 0 : i32
    %dma_wait3A_220 = arith.constant 0 : i32
    %dma_wait3A_221 = tpu.memref_slice %arg5[%dma_wait3A_219, %dma_wait3A_220] : memref<1000000x64xf32, #tpu.memory_space<hbm>> -> memref<1000000x64xf32, #tpu.memory_space<hbm>>
    %dma_wait3A_222 = tpu.memref_slice %arg12[%dma_wait3A_211] : memref<2x!tpu.dma_semaphore, #tpu.memory_space<semaphore_mem>> -> memref<1x!tpu.dma_semaphore, #tpu.memory_space<semaphore_mem>>
    %dma_wait3A_223 = tpu.memref_squeeze %dma_wait3A_222 : memref<1x!tpu.dma_semaphore, #tpu.memory_space<semaphore_mem>> -> memref<!tpu.dma_semaphore, #tpu.memory_space<semaphore_mem>>
    tpu.wait_indirect_dma semaphore(%dma_wait3A_223 : memref<!tpu.dma_semaphore, #tpu.memory_space<semaphore_mem>>) src(%dma_wait3A_221 : memref<1000000x64xf32, #tpu.memory_space<hbm>>) dst(%dma_wait3A_215 : memref<128x64xf32, #tpu.memory_space<vmem>>)
    %dma_wait3A_224 = arith.constant 0 : i32
    %dma_wait3A_225 = arith.constant 0 : i32
    %dma_wait3A_226 = arith.constant 0 : i32
    %dma_wait3A_227 = arith.constant 128 : i32
    %dma_wait3A_228 = arith.constant 0 : i32
    %dma_wait3A_229 = tpu.memref_slice %arg10[%dma_wait3A_225, %dma_wait3A_227, %dma_wait3A_228] : memref<2x640x64xf32, #tpu.memory_space<vmem>> -> memref<1x128x64xf32, #tpu.memory_space<vmem>>
    %dma_wait3A_230 = tpu.memref_squeeze %dma_wait3A_229 : memref<1x128x64xf32, #tpu.memory_space<vmem>> -> memref<128x64xf32, #tpu.memory_space<vmem>>
    %dma_wait3A_231 = arith.constant 128 : i32
    %dma_wait3A_232 = tpu.memref_slice %arg8[%dma_wait3A_224, %dma_wait3A_231] : memref<2x640xi32, #tpu.memory_space<vmem>> -> memref<1x128xi32, #tpu.memory_space<vmem>>
    %dma_wait3A_233 = tpu.memref_squeeze %dma_wait3A_232 : memref<1x128xi32, #tpu.memory_space<vmem>> -> memref<128xi32, #tpu.memory_space<vmem>>
    %dma_wait3A_234 = arith.constant 0 : i32
    %dma_wait3A_235 = arith.constant 0 : i32
    %dma_wait3A_236 = tpu.memref_slice %arg5[%dma_wait3A_234, %dma_wait3A_235] : memref<1000000x64xf32, #tpu.memory_space<hbm>> -> memref<1000000x64xf32, #tpu.memory_space<hbm>>
    %dma_wait3A_237 = tpu.memref_slice %arg12[%dma_wait3A_226] : memref<2x!tpu.dma_semaphore, #tpu.memory_space<semaphore_mem>> -> memref<1x!tpu.dma_semaphore, #tpu.memory_space<semaphore_mem>>
    %dma_wait3A_238 = tpu.memref_squeeze %dma_wait3A_237 : memref<1x!tpu.dma_semaphore, #tpu.memory_space<semaphore_mem>> -> memref<!tpu.dma_semaphore, #tpu.memory_space<semaphore_mem>>
    tpu.wait_indirect_dma semaphore(%dma_wait3A_238 : memref<!tpu.dma_semaphore, #tpu.memory_space<semaphore_mem>>) src(%dma_wait3A_236 : memref<1000000x64xf32, #tpu.memory_space<hbm>>) dst(%dma_wait3A_230 : memref<128x64xf32, #tpu.memory_space<vmem>>)
    %dma_wait3A_239 = arith.constant 0 : i32
    %dma_wait3A_240 = arith.constant 0 : i32
    %dma_wait3A_241 = arith.constant 0 : i32
    %dma_wait3A_242 = arith.constant 256 : i32
    %dma_wait3A_243 = arith.constant 0 : i32
    %dma_wait3A_244 = tpu.memref_slice %arg10[%dma_wait3A_240, %dma_wait3A_242, %dma_wait3A_243] : memref<2x640x64xf32, #tpu.memory_space<vmem>> -> memref<1x128x64xf32, #tpu.memory_space<vmem>>
    %dma_wait3A_245 = tpu.memref_squeeze %dma_wait3A_244 : memref<1x128x64xf32, #tpu.memory_space<vmem>> -> memref<128x64xf32, #tpu.memory_space<vmem>>
    %dma_wait3A_246 = arith.constant 256 : i32
    %dma_wait3A_247 = tpu.memref_slice %arg8[%dma_wait3A_239, %dma_wait3A_246] : memref<2x640xi32, #tpu.memory_space<vmem>> -> memref<1x128xi32, #tpu.memory_space<vmem>>
    %dma_wait3A_248 = tpu.memref_squeeze %dma_wait3A_247 : memref<1x128xi32, #tpu.memory_space<vmem>> -> memref<128xi32, #tpu.memory_space<vmem>>
    %dma_wait3A_249 = arith.constant 0 : i32
    %dma_wait3A_250 = arith.constant 0 : i32
    %dma_wait3A_251 = tpu.memref_slice %arg5[%dma_wait3A_249, %dma_wait3A_250] : memref<1000000x64xf32, #tpu.memory_space<hbm>> -> memref<1000000x64xf32, #tpu.memory_space<hbm>>
    %dma_wait3A_252 = tpu.memref_slice %arg12[%dma_wait3A_241] : memref<2x!tpu.dma_semaphore, #tpu.memory_space<semaphore_mem>> -> memref<1x!tpu.dma_semaphore, #tpu.memory_space<semaphore_mem>>
    %dma_wait3A_253 = tpu.memref_squeeze %dma_wait3A_252 : memref<1x!tpu.dma_semaphore, #tpu.memory_space<semaphore_mem>> -> memref<!tpu.dma_semaphore, #tpu.memory_space<semaphore_mem>>
    tpu.wait_indirect_dma semaphore(%dma_wait3A_253 : memref<!tpu.dma_semaphore, #tpu.memory_space<semaphore_mem>>) src(%dma_wait3A_251 : memref<1000000x64xf32, #tpu.memory_space<hbm>>) dst(%dma_wait3A_245 : memref<128x64xf32, #tpu.memory_space<vmem>>)
    %dma_wait3A_254 = arith.constant 0 : i32
    %dma_wait3A_255 = arith.constant 0 : i32
    %dma_wait3A_256 = arith.constant 0 : i32
    %dma_wait3A_257 = arith.constant 384 : i32
    %dma_wait3A_258 = arith.constant 0 : i32
    %dma_wait3A_259 = tpu.memref_slice %arg10[%dma_wait3A_255, %dma_wait3A_257, %dma_wait3A_258] : memref<2x640x64xf32, #tpu.memory_space<vmem>> -> memref<1x128x64xf32, #tpu.memory_space<vmem>>
    %dma_wait3A_260 = tpu.memref_squeeze %dma_wait3A_259 : memref<1x128x64xf32, #tpu.memory_space<vmem>> -> memref<128x64xf32, #tpu.memory_space<vmem>>
    %dma_wait3A_261 = arith.constant 384 : i32
    %dma_wait3A_262 = tpu.memref_slice %arg8[%dma_wait3A_254, %dma_wait3A_261] : memref<2x640xi32, #tpu.memory_space<vmem>> -> memref<1x128xi32, #tpu.memory_space<vmem>>
    %dma_wait3A_263 = tpu.memref_squeeze %dma_wait3A_262 : memref<1x128xi32, #tpu.memory_space<vmem>> -> memref<128xi32, #tpu.memory_space<vmem>>
    %dma_wait3A_264 = arith.constant 0 : i32
    %dma_wait3A_265 = arith.constant 0 : i32
    %dma_wait3A_266 = tpu.memref_slice %arg5[%dma_wait3A_264, %dma_wait3A_265] : memref<1000000x64xf32, #tpu.memory_space<hbm>> -> memref<1000000x64xf32, #tpu.memory_space<hbm>>
    %dma_wait3A_267 = tpu.memref_slice %arg12[%dma_wait3A_256] : memref<2x!tpu.dma_semaphore, #tpu.memory_space<semaphore_mem>> -> memref<1x!tpu.dma_semaphore, #tpu.memory_space<semaphore_mem>>
    %dma_wait3A_268 = tpu.memref_squeeze %dma_wait3A_267 : memref<1x!tpu.dma_semaphore, #tpu.memory_space<semaphore_mem>> -> memref<!tpu.dma_semaphore, #tpu.memory_space<semaphore_mem>>
    tpu.wait_indirect_dma semaphore(%dma_wait3A_268 : memref<!tpu.dma_semaphore, #tpu.memory_space<semaphore_mem>>) src(%dma_wait3A_266 : memref<1000000x64xf32, #tpu.memory_space<hbm>>) dst(%dma_wait3A_260 : memref<128x64xf32, #tpu.memory_space<vmem>>)
    %dma_wait3A_269 = arith.constant 0 : i32
    %dma_wait3A_270 = arith.constant 0 : i32
    %dma_wait3A_271 = arith.constant 0 : i32
    %dma_wait3A_272 = arith.constant 512 : i32
    %dma_wait3A_273 = arith.constant 0 : i32
    %dma_wait3A_274 = tpu.memref_slice %arg10[%dma_wait3A_270, %dma_wait3A_272, %dma_wait3A_273] : memref<2x640x64xf32, #tpu.memory_space<vmem>> -> memref<1x128x64xf32, #tpu.memory_space<vmem>>
    %dma_wait3A_275 = tpu.memref_squeeze %dma_wait3A_274 : memref<1x128x64xf32, #tpu.memory_space<vmem>> -> memref<128x64xf32, #tpu.memory_space<vmem>>
    %dma_wait3A_276 = arith.constant 512 : i32
    %dma_wait3A_277 = tpu.memref_slice %arg8[%dma_wait3A_269, %dma_wait3A_276] : memref<2x640xi32, #tpu.memory_space<vmem>> -> memref<1x128xi32, #tpu.memory_space<vmem>>
    %dma_wait3A_278 = tpu.memref_squeeze %dma_wait3A_277 : memref<1x128xi32, #tpu.memory_space<vmem>> -> memref<128xi32, #tpu.memory_space<vmem>>
    %dma_wait3A_279 = arith.constant 0 : i32
    %dma_wait3A_280 = arith.constant 0 : i32
    %dma_wait3A_281 = tpu.memref_slice %arg5[%dma_wait3A_279, %dma_wait3A_280] : memref<1000000x64xf32, #tpu.memory_space<hbm>> -> memref<1000000x64xf32, #tpu.memory_space<hbm>>
    %dma_wait3A_282 = tpu.memref_slice %arg12[%dma_wait3A_271] : memref<2x!tpu.dma_semaphore, #tpu.memory_space<semaphore_mem>> -> memref<1x!tpu.dma_semaphore, #tpu.memory_space<semaphore_mem>>
    %dma_wait3A_283 = tpu.memref_squeeze %dma_wait3A_282 : memref<1x!tpu.dma_semaphore, #tpu.memory_space<semaphore_mem>> -> memref<!tpu.dma_semaphore, #tpu.memory_space<semaphore_mem>>
    tpu.wait_indirect_dma semaphore(%dma_wait3A_283 : memref<!tpu.dma_semaphore, #tpu.memory_space<semaphore_mem>>) src(%dma_wait3A_281 : memref<1000000x64xf32, #tpu.memory_space<hbm>>) dst(%dma_wait3A_275 : memref<128x64xf32, #tpu.memory_space<vmem>>)
    %iota3A = tpu.iota {dimensions = array<i32: 0>} : vector<16xi32>
    %scan3A = arith.constant 0 : i32
    %scan3A_284 = arith.constant 0 : i32
    %scan3A_285 = arith.constant 8 : i32
    %scan3A_286 = arith.addi %scan3A_284, %scan3A_285 : i32
    %scan3A_287 = arith.constant 1 : i32
    %scan3A_288 = scf.for %scan3A_794 = %scan3A_284 to %scan3A_286 step %scan3A_287 iter_args(%scan3A_795 = %scan3A) -> (i32)  : i32 {
      %mul3A_796 = arith.constant 16 : i32
      %mul3A_797 = arith.muli %scan3A_794, %mul3A_796 : i32
      %add3A_798 = vector.broadcast %mul3A_797 : i32 to vector<16xi32>
      %add3A_799 = arith.addi %iota3A, %add3A_798 : vector<16xi32>
      %mul3A_800 = arith.constant 5 : i32
      %mul3A_801 = vector.broadcast %mul3A_800 : i32 to vector<16xi32>
      %mul3A_802 = arith.muli %add3A_799, %mul3A_801 : vector<16xi32>
      %broadcast_in_dim3A = arith.constant 0.000000e+00 : f32
      %broadcast_in_dim3A_803 = vector.broadcast %broadcast_in_dim3A : f32 to vector<16xf32>
      %broadcast_in_dim3A_804 = arith.constant 0.000000e+00 : f32
      %broadcast_in_dim3A_805 = vector.broadcast %broadcast_in_dim3A_804 : f32 to vector<16xf32>
      %broadcast_in_dim3A_806 = arith.constant 0.000000e+00 : f32
      %broadcast_in_dim3A_807 = vector.broadcast %broadcast_in_dim3A_806 : f32 to vector<16xf32>
      %broadcast_in_dim3A_808 = arith.constant 0.000000e+00 : f32
      %broadcast_in_dim3A_809 = vector.broadcast %broadcast_in_dim3A_808 : f32 to vector<16xf32>
      %broadcast_in_dim3A_810 = arith.constant 0.000000e+00 : f32
      %broadcast_in_dim3A_811 = vector.broadcast %broadcast_in_dim3A_810 : f32 to vector<16xf32>
      %scan3A_812 = arith.constant 0 : i32
      %scan3A_813 = arith.constant 64 : i32
      %scan3A_814 = arith.addi %scan3A_812, %scan3A_813 : i32
      %scan3A_815 = arith.constant 4 : i32
      %scan3A_816:5 = scf.for %scan3A_853 = %scan3A_812 to %scan3A_814 step %scan3A_815 iter_args(%scan3A_854 = %broadcast_in_dim3A_803, %scan3A_855 = %broadcast_in_dim3A_805, %scan3A_856 = %broadcast_in_dim3A_807, %scan3A_857 = %broadcast_in_dim3A_809, %scan3A_858 = %broadcast_in_dim3A_811) -> (vector<16xf32>, vector<16xf32>, vector<16xf32>, vector<16xf32>, vector<16xf32>)  : i32 {
        %broadcast_in_dim3A_859 = arith.constant 0 : i32
        %broadcast_in_dim3A_860 = vector.broadcast %broadcast_in_dim3A_859 : i32 to vector<16xi32>
        %add3A_861 = vector.broadcast %scan3A_853 : i32 to vector<16xi32>
        %add3A_862 = arith.addi %broadcast_in_dim3A_860, %add3A_861 : vector<16xi32>
        %gather3A = arith.constant 0 : i32
        %gather3A_863 = arith.constant 0 : i32
        %gather3A_864 = arith.constant 0 : i32
        %gather3A_865 = tpu.memref_slice %arg9[%gather3A, %gather3A_863, %gather3A_864] : memref<2x128x64xf32, #tpu.memory_space<vmem>> -> memref<1x128x64xf32, #tpu.memory_space<vmem>>
        %gather3A_866 = tpu.memref_squeeze %gather3A_865 : memref<1x128x64xf32, #tpu.memory_space<vmem>> -> memref<128x64xf32, #tpu.memory_space<vmem>>
        %gather3A_867 = tpu.vector_load_idx %gather3A_866[%add3A_799, %add3A_862] : memref<128x64xf32, #tpu.memory_space<vmem>>[vector<16xi32>, vector<16xi32>], vector<16xf32>,
        %add3A_868 = arith.constant 0 : i32
        %add3A_869 = vector.broadcast %add3A_868 : i32 to vector<16xi32>
        %add3A_870 = arith.addi %mul3A_802, %add3A_869 : vector<16xi32>
        %gather3A_871 = arith.constant 0 : i32
        %gather3A_872 = arith.constant 0 : i32
        %gather3A_873 = arith.constant 0 : i32
        %gather3A_874 = tpu.memref_slice %arg10[%gather3A_871, %gather3A_872, %gather3A_873] : memref<2x640x64xf32, #tpu.memory_space<vmem>> -> memref<1x640x64xf32, #tpu.memory_space<vmem>>
        %gather3A_875 = tpu.memref_squeeze %gather3A_874 : memref<1x640x64xf32, #tpu.memory_space<vmem>> -> memref<640x64xf32, #tpu.memory_space<vmem>>
        %gather3A_876 = tpu.vector_load_idx %gather3A_875[%add3A_870, %add3A_862] : memref<640x64xf32, #tpu.memory_space<vmem>>[vector<16xi32>, vector<16xi32>], vector<16xf32>,
        %mul3A_877 = arith.mulf %gather3A_867, %gather3A_876 : vector<16xf32>
        %add3A_878 = arith.addf %scan3A_854, %mul3A_877 : vector<16xf32>
        %add3A_879 = arith.constant 1 : i32
        %add3A_880 = vector.broadcast %add3A_879 : i32 to vector<16xi32>
        %add3A_881 = arith.addi %mul3A_802, %add3A_880 : vector<16xi32>
        %gather3A_882 = arith.constant 0 : i32
        %gather3A_883 = arith.constant 0 : i32
        %gather3A_884 = arith.constant 0 : i32
        %gather3A_885 = tpu.memref_slice %arg10[%gather3A_882, %gather3A_883, %gather3A_884] : memref<2x640x64xf32, #tpu.memory_space<vmem>> -> memref<1x640x64xf32, #tpu.memory_space<vmem>>
        %gather3A_886 = tpu.memref_squeeze %gather3A_885 : memref<1x640x64xf32, #tpu.memory_space<vmem>> -> memref<640x64xf32, #tpu.memory_space<vmem>>
        %gather3A_887 = tpu.vector_load_idx %gather3A_886[%add3A_881, %add3A_862] : memref<640x64xf32, #tpu.memory_space<vmem>>[vector<16xi32>, vector<16xi32>], vector<16xf32>,
        %mul3A_888 = arith.mulf %gather3A_867, %gather3A_887 : vector<16xf32>
        %add3A_889 = arith.addf %scan3A_855, %mul3A_888 : vector<16xf32>
        %add3A_890 = arith.constant 2 : i32
        %add3A_891 = vector.broadcast %add3A_890 : i32 to vector<16xi32>
        %add3A_892 = arith.addi %mul3A_802, %add3A_891 : vector<16xi32>
        %gather3A_893 = arith.constant 0 : i32
        %gather3A_894 = arith.constant 0 : i32
        %gather3A_895 = arith.constant 0 : i32
        %gather3A_896 = tpu.memref_slice %arg10[%gather3A_893, %gather3A_894, %gather3A_895] : memref<2x640x64xf32, #tpu.memory_space<vmem>> -> memref<1x640x64xf32, #tpu.memory_space<vmem>>
        %gather3A_897 = tpu.memref_squeeze %gather3A_896 : memref<1x640x64xf32, #tpu.memory_space<vmem>> -> memref<640x64xf32, #tpu.memory_space<vmem>>
        %gather3A_898 = tpu.vector_load_idx %gather3A_897[%add3A_892, %add3A_862] : memref<640x64xf32, #tpu.memory_space<vmem>>[vector<16xi32>, vector<16xi32>], vector<16xf32>,
        %mul3A_899 = arith.mulf %gather3A_867, %gather3A_898 : vector<16xf32>
        %add3A_900 = arith.addf %scan3A_856, %mul3A_899 : vector<16xf32>
        %add3A_901 = arith.constant 3 : i32
        %add3A_902 = vector.broadcast %add3A_901 : i32 to vector<16xi32>
        %add3A_903 = arith.addi %mul3A_802, %add3A_902 : vector<16xi32>
        %gather3A_904 = arith.constant 0 : i32
        %gather3A_905 = arith.constant 0 : i32
        %gather3A_906 = arith.constant 0 : i32
        %gather3A_907 = tpu.memref_slice %arg10[%gather3A_904, %gather3A_905, %gather3A_906] : memref<2x640x64xf32, #tpu.memory_space<vmem>> -> memref<1x640x64xf32, #tpu.memory_space<vmem>>
        %gather3A_908 = tpu.memref_squeeze %gather3A_907 : memref<1x640x64xf32, #tpu.memory_space<vmem>> -> memref<640x64xf32, #tpu.memory_space<vmem>>
        %gather3A_909 = tpu.vector_load_idx %gather3A_908[%add3A_903, %add3A_862] : memref<640x64xf32, #tpu.memory_space<vmem>>[vector<16xi32>, vector<16xi32>], vector<16xf32>,
        %mul3A_910 = arith.mulf %gather3A_867, %gather3A_909 : vector<16xf32>
        %add3A_911 = arith.addf %scan3A_857, %mul3A_910 : vector<16xf32>
        %add3A_912 = arith.constant 4 : i32
        %add3A_913 = vector.broadcast %add3A_912 : i32 to vector<16xi32>
        %add3A_914 = arith.addi %mul3A_802, %add3A_913 : vector<16xi32>
        %gather3A_915 = arith.constant 0 : i32
        %gather3A_916 = arith.constant 0 : i32
        %gather3A_917 = arith.constant 0 : i32
        %gather3A_918 = tpu.memref_slice %arg10[%gather3A_915, %gather3A_916, %gather3A_917] : memref<2x640x64xf32, #tpu.memory_space<vmem>> -> memref<1x640x64xf32, #tpu.memory_space<vmem>>
        %gather3A_919 = tpu.memref_squeeze %gather3A_918 : memref<1x640x64xf32, #tpu.memory_space<vmem>> -> memref<640x64xf32, #tpu.memory_space<vmem>>
        %gather3A_920 = tpu.vector_load_idx %gather3A_919[%add3A_914, %add3A_862] : memref<640x64xf32, #tpu.memory_space<vmem>>[vector<16xi32>, vector<16xi32>], vector<16xf32>,
        %mul3A_921 = arith.mulf %gather3A_867, %gather3A_920 : vector<16xf32>
        %add3A_922 = arith.addf %scan3A_858, %mul3A_921 : vector<16xf32>
        %scan3A_923 = arith.constant 1 : i32
        %scan3A_924 = arith.addi %scan3A_853, %scan3A_923 : i32
        %broadcast_in_dim3A_925 = arith.constant 0 : i32
        %broadcast_in_dim3A_926 = vector.broadcast %broadcast_in_dim3A_925 : i32 to vector<16xi32>
        %add3A_927 = vector.broadcast %scan3A_924 : i32 to vector<16xi32>
        %add3A_928 = arith.addi %broadcast_in_dim3A_926, %add3A_927 : vector<16xi32>
        %gather3A_929 = arith.constant 0 : i32
        %gather3A_930 = arith.constant 0 : i32
        %gather3A_931 = arith.constant 0 : i32
        %gather3A_932 = tpu.memref_slice %arg9[%gather3A_929, %gather3A_930, %gather3A_931] : memref<2x128x64xf32, #tpu.memory_space<vmem>> -> memref<1x128x64xf32, #tpu.memory_space<vmem>>
        %gather3A_933 = tpu.memref_squeeze %gather3A_932 : memref<1x128x64xf32, #tpu.memory_space<vmem>> -> memref<128x64xf32, #tpu.memory_space<vmem>>
        %gather3A_934 = tpu.vector_load_idx %gather3A_933[%add3A_799, %add3A_928] : memref<128x64xf32, #tpu.memory_space<vmem>>[vector<16xi32>, vector<16xi32>], vector<16xf32>,
        %add3A_935 = arith.constant 0 : i32
        %add3A_936 = vector.broadcast %add3A_935 : i32 to vector<16xi32>
        %add3A_937 = arith.addi %mul3A_802, %add3A_936 : vector<16xi32>
        %gather3A_938 = arith.constant 0 : i32
        %gather3A_939 = arith.constant 0 : i32
        %gather3A_940 = arith.constant 0 : i32
        %gather3A_941 = tpu.memref_slice %arg10[%gather3A_938, %gather3A_939, %gather3A_940] : memref<2x640x64xf32, #tpu.memory_space<vmem>> -> memref<1x640x64xf32, #tpu.memory_space<vmem>>
        %gather3A_942 = tpu.memref_squeeze %gather3A_941 : memref<1x640x64xf32, #tpu.memory_space<vmem>> -> memref<640x64xf32, #tpu.memory_space<vmem>>
        %gather3A_943 = tpu.vector_load_idx %gather3A_942[%add3A_937, %add3A_928] : memref<640x64xf32, #tpu.memory_space<vmem>>[vector<16xi32>, vector<16xi32>], vector<16xf32>,
        %mul3A_944 = arith.mulf %gather3A_934, %gather3A_943 : vector<16xf32>
        %add3A_945 = arith.addf %add3A_878, %mul3A_944 : vector<16xf32>
        %add3A_946 = arith.constant 1 : i32
        %add3A_947 = vector.broadcast %add3A_946 : i32 to vector<16xi32>
        %add3A_948 = arith.addi %mul3A_802, %add3A_947 : vector<16xi32>
        %gather3A_949 = arith.constant 0 : i32
        %gather3A_950 = arith.constant 0 : i32
        %gather3A_951 = arith.constant 0 : i32
        %gather3A_952 = tpu.memref_slice %arg10[%gather3A_949, %gather3A_950, %gather3A_951] : memref<2x640x64xf32, #tpu.memory_space<vmem>> -> memref<1x640x64xf32, #tpu.memory_space<vmem>>
        %gather3A_953 = tpu.memref_squeeze %gather3A_952 : memref<1x640x64xf32, #tpu.memory_space<vmem>> -> memref<640x64xf32, #tpu.memory_space<vmem>>
        %gather3A_954 = tpu.vector_load_idx %gather3A_953[%add3A_948, %add3A_928] : memref<640x64xf32, #tpu.memory_space<vmem>>[vector<16xi32>, vector<16xi32>], vector<16xf32>,
        %mul3A_955 = arith.mulf %gather3A_934, %gather3A_954 : vector<16xf32>
        %add3A_956 = arith.addf %add3A_889, %mul3A_955 : vector<16xf32>
        %add3A_957 = arith.constant 2 : i32
        %add3A_958 = vector.broadcast %add3A_957 : i32 to vector<16xi32>
        %add3A_959 = arith.addi %mul3A_802, %add3A_958 : vector<16xi32>
        %gather3A_960 = arith.constant 0 : i32
        %gather3A_961 = arith.constant 0 : i32
        %gather3A_962 = arith.constant 0 : i32
        %gather3A_963 = tpu.memref_slice %arg10[%gather3A_960, %gather3A_961, %gather3A_962] : memref<2x640x64xf32, #tpu.memory_space<vmem>> -> memref<1x640x64xf32, #tpu.memory_space<vmem>>
        %gather3A_964 = tpu.memref_squeeze %gather3A_963 : memref<1x640x64xf32, #tpu.memory_space<vmem>> -> memref<640x64xf32, #tpu.memory_space<vmem>>
        %gather3A_965 = tpu.vector_load_idx %gather3A_964[%add3A_959, %add3A_928] : memref<640x64xf32, #tpu.memory_space<vmem>>[vector<16xi32>, vector<16xi32>], vector<16xf32>,
        %mul3A_966 = arith.mulf %gather3A_934, %gather3A_965 : vector<16xf32>
        %add3A_967 = arith.addf %add3A_900, %mul3A_966 : vector<16xf32>
        %add3A_968 = arith.constant 3 : i32
        %add3A_969 = vector.broadcast %add3A_968 : i32 to vector<16xi32>
        %add3A_970 = arith.addi %mul3A_802, %add3A_969 : vector<16xi32>
        %gather3A_971 = arith.constant 0 : i32
        %gather3A_972 = arith.constant 0 : i32
        %gather3A_973 = arith.constant 0 : i32
        %gather3A_974 = tpu.memref_slice %arg10[%gather3A_971, %gather3A_972, %gather3A_973] : memref<2x640x64xf32, #tpu.memory_space<vmem>> -> memref<1x640x64xf32, #tpu.memory_space<vmem>>
        %gather3A_975 = tpu.memref_squeeze %gather3A_974 : memref<1x640x64xf32, #tpu.memory_space<vmem>> -> memref<640x64xf32, #tpu.memory_space<vmem>>
        %gather3A_976 = tpu.vector_load_idx %gather3A_975[%add3A_970, %add3A_928] : memref<640x64xf32, #tpu.memory_space<vmem>>[vector<16xi32>, vector<16xi32>], vector<16xf32>,
        %mul3A_977 = arith.mulf %gather3A_934, %gather3A_976 : vector<16xf32>
        %add3A_978 = arith.addf %add3A_911, %mul3A_977 : vector<16xf32>
        %add3A_979 = arith.constant 4 : i32
        %add3A_980 = vector.broadcast %add3A_979 : i32 to vector<16xi32>
        %add3A_981 = arith.addi %mul3A_802, %add3A_980 : vector<16xi32>
        %gather3A_982 = arith.constant 0 : i32
        %gather3A_983 = arith.constant 0 : i32
        %gather3A_984 = arith.constant 0 : i32
        %gather3A_985 = tpu.memref_slice %arg10[%gather3A_982, %gather3A_983, %gather3A_984] : memref<2x640x64xf32, #tpu.memory_space<vmem>> -> memref<1x640x64xf32, #tpu.memory_space<vmem>>
        %gather3A_986 = tpu.memref_squeeze %gather3A_985 : memref<1x640x64xf32, #tpu.memory_space<vmem>> -> memref<640x64xf32, #tpu.memory_space<vmem>>
        %gather3A_987 = tpu.vector_load_idx %gather3A_986[%add3A_981, %add3A_928] : memref<640x64xf32, #tpu.memory_space<vmem>>[vector<16xi32>, vector<16xi32>], vector<16xf32>,
        %mul3A_988 = arith.mulf %gather3A_934, %gather3A_987 : vector<16xf32>
        %add3A_989 = arith.addf %add3A_922, %mul3A_988 : vector<16xf32>
        %scan3A_990 = arith.constant 2 : i32
        %scan3A_991 = arith.addi %scan3A_853, %scan3A_990 : i32
        %broadcast_in_dim3A_992 = arith.constant 0 : i32
        %broadcast_in_dim3A_993 = vector.broadcast %broadcast_in_dim3A_992 : i32 to vector<16xi32>
        %add3A_994 = vector.broadcast %scan3A_991 : i32 to vector<16xi32>
        %add3A_995 = arith.addi %broadcast_in_dim3A_993, %add3A_994 : vector<16xi32>
        %gather3A_996 = arith.constant 0 : i32
        %gather3A_997 = arith.constant 0 : i32
        %gather3A_998 = arith.constant 0 : i32
        %gather3A_999 = tpu.memref_slice %arg9[%gather3A_996, %gather3A_997, %gather3A_998] : memref<2x128x64xf32, #tpu.memory_space<vmem>> -> memref<1x128x64xf32, #tpu.memory_space<vmem>>
        %gather3A_1000 = tpu.memref_squeeze %gather3A_999 : memref<1x128x64xf32, #tpu.memory_space<vmem>> -> memref<128x64xf32, #tpu.memory_space<vmem>>
        %gather3A_1001 = tpu.vector_load_idx %gather3A_1000[%add3A_799, %add3A_995] : memref<128x64xf32, #tpu.memory_space<vmem>>[vector<16xi32>, vector<16xi32>], vector<16xf32>,
        %add3A_1002 = arith.constant 0 : i32
        %add3A_1003 = vector.broadcast %add3A_1002 : i32 to vector<16xi32>
        %add3A_1004 = arith.addi %mul3A_802, %add3A_1003 : vector<16xi32>
        %gather3A_1005 = arith.constant 0 : i32
        %gather3A_1006 = arith.constant 0 : i32
        %gather3A_1007 = arith.constant 0 : i32
        %gather3A_1008 = tpu.memref_slice %arg10[%gather3A_1005, %gather3A_1006, %gather3A_1007] : memref<2x640x64xf32, #tpu.memory_space<vmem>> -> memref<1x640x64xf32, #tpu.memory_space<vmem>>
        %gather3A_1009 = tpu.memref_squeeze %gather3A_1008 : memref<1x640x64xf32, #tpu.memory_space<vmem>> -> memref<640x64xf32, #tpu.memory_space<vmem>>
        %gather3A_1010 = tpu.vector_load_idx %gather3A_1009[%add3A_1004, %add3A_995] : memref<640x64xf32, #tpu.memory_space<vmem>>[vector<16xi32>, vector<16xi32>], vector<16xf32>,
        %mul3A_1011 = arith.mulf %gather3A_1001, %gather3A_1010 : vector<16xf32>
        %add3A_1012 = arith.addf %add3A_945, %mul3A_1011 : vector<16xf32>
        %add3A_1013 = arith.constant 1 : i32
        %add3A_1014 = vector.broadcast %add3A_1013 : i32 to vector<16xi32>
        %add3A_1015 = arith.addi %mul3A_802, %add3A_1014 : vector<16xi32>
        %gather3A_1016 = arith.constant 0 : i32
        %gather3A_1017 = arith.constant 0 : i32
        %gather3A_1018 = arith.constant 0 : i32
        %gather3A_1019 = tpu.memref_slice %arg10[%gather3A_1016, %gather3A_1017, %gather3A_1018] : memref<2x640x64xf32, #tpu.memory_space<vmem>> -> memref<1x640x64xf32, #tpu.memory_space<vmem>>
        %gather3A_1020 = tpu.memref_squeeze %gather3A_1019 : memref<1x640x64xf32, #tpu.memory_space<vmem>> -> memref<640x64xf32, #tpu.memory_space<vmem>>
        %gather3A_1021 = tpu.vector_load_idx %gather3A_1020[%add3A_1015, %add3A_995] : memref<640x64xf32, #tpu.memory_space<vmem>>[vector<16xi32>, vector<16xi32>], vector<16xf32>,
        %mul3A_1022 = arith.mulf %gather3A_1001, %gather3A_1021 : vector<16xf32>
        %add3A_1023 = arith.addf %add3A_956, %mul3A_1022 : vector<16xf32>
        %add3A_1024 = arith.constant 2 : i32
        %add3A_1025 = vector.broadcast %add3A_1024 : i32 to vector<16xi32>
        %add3A_1026 = arith.addi %mul3A_802, %add3A_1025 : vector<16xi32>
        %gather3A_1027 = arith.constant 0 : i32
        %gather3A_1028 = arith.constant 0 : i32
        %gather3A_1029 = arith.constant 0 : i32
        %gather3A_1030 = tpu.memref_slice %arg10[%gather3A_1027, %gather3A_1028, %gather3A_1029] : memref<2x640x64xf32, #tpu.memory_space<vmem>> -> memref<1x640x64xf32, #tpu.memory_space<vmem>>
        %gather3A_1031 = tpu.memref_squeeze %gather3A_1030 : memref<1x640x64xf32, #tpu.memory_space<vmem>> -> memref<640x64xf32, #tpu.memory_space<vmem>>
        %gather3A_1032 = tpu.vector_load_idx %gather3A_1031[%add3A_1026, %add3A_995] : memref<640x64xf32, #tpu.memory_space<vmem>>[vector<16xi32>, vector<16xi32>], vector<16xf32>,
        %mul3A_1033 = arith.mulf %gather3A_1001, %gather3A_1032 : vector<16xf32>
        %add3A_1034 = arith.addf %add3A_967, %mul3A_1033 : vector<16xf32>
        %add3A_1035 = arith.constant 3 : i32
        %add3A_1036 = vector.broadcast %add3A_1035 : i32 to vector<16xi32>
        %add3A_1037 = arith.addi %mul3A_802, %add3A_1036 : vector<16xi32>
        %gather3A_1038 = arith.constant 0 : i32
        %gather3A_1039 = arith.constant 0 : i32
        %gather3A_1040 = arith.constant 0 : i32
        %gather3A_1041 = tpu.memref_slice %arg10[%gather3A_1038, %gather3A_1039, %gather3A_1040] : memref<2x640x64xf32, #tpu.memory_space<vmem>> -> memref<1x640x64xf32, #tpu.memory_space<vmem>>
        %gather3A_1042 = tpu.memref_squeeze %gather3A_1041 : memref<1x640x64xf32, #tpu.memory_space<vmem>> -> memref<640x64xf32, #tpu.memory_space<vmem>>
        %gather3A_1043 = tpu.vector_load_idx %gather3A_1042[%add3A_1037, %add3A_995] : memref<640x64xf32, #tpu.memory_space<vmem>>[vector<16xi32>, vector<16xi32>], vector<16xf32>,
        %mul3A_1044 = arith.mulf %gather3A_1001, %gather3A_1043 : vector<16xf32>
        %add3A_1045 = arith.addf %add3A_978, %mul3A_1044 : vector<16xf32>
        %add3A_1046 = arith.constant 4 : i32
        %add3A_1047 = vector.broadcast %add3A_1046 : i32 to vector<16xi32>
        %add3A_1048 = arith.addi %mul3A_802, %add3A_1047 : vector<16xi32>
        %gather3A_1049 = arith.constant 0 : i32
        %gather3A_1050 = arith.constant 0 : i32
        %gather3A_1051 = arith.constant 0 : i32
        %gather3A_1052 = tpu.memref_slice %arg10[%gather3A_1049, %gather3A_1050, %gather3A_1051] : memref<2x640x64xf32, #tpu.memory_space<vmem>> -> memref<1x640x64xf32, #tpu.memory_space<vmem>>
        %gather3A_1053 = tpu.memref_squeeze %gather3A_1052 : memref<1x640x64xf32, #tpu.memory_space<vmem>> -> memref<640x64xf32, #tpu.memory_space<vmem>>
        %gather3A_1054 = tpu.vector_load_idx %gather3A_1053[%add3A_1048, %add3A_995] : memref<640x64xf32, #tpu.memory_space<vmem>>[vector<16xi32>, vector<16xi32>], vector<16xf32>,
        %mul3A_1055 = arith.mulf %gather3A_1001, %gather3A_1054 : vector<16xf32>
        %add3A_1056 = arith.addf %add3A_989, %mul3A_1055 : vector<16xf32>
        %scan3A_1057 = arith.constant 3 : i32
        %scan3A_1058 = arith.addi %scan3A_853, %scan3A_1057 : i32
        %broadcast_in_dim3A_1059 = arith.constant 0 : i32
        %broadcast_in_dim3A_1060 = vector.broadcast %broadcast_in_dim3A_1059 : i32 to vector<16xi32>
        %add3A_1061 = vector.broadcast %scan3A_1058 : i32 to vector<16xi32>
        %add3A_1062 = arith.addi %broadcast_in_dim3A_1060, %add3A_1061 : vector<16xi32>
        %gather3A_1063 = arith.constant 0 : i32
        %gather3A_1064 = arith.constant 0 : i32
        %gather3A_1065 = arith.constant 0 : i32
        %gather3A_1066 = tpu.memref_slice %arg9[%gather3A_1063, %gather3A_1064, %gather3A_1065] : memref<2x128x64xf32, #tpu.memory_space<vmem>> -> memref<1x128x64xf32, #tpu.memory_space<vmem>>
        %gather3A_1067 = tpu.memref_squeeze %gather3A_1066 : memref<1x128x64xf32, #tpu.memory_space<vmem>> -> memref<128x64xf32, #tpu.memory_space<vmem>>
        %gather3A_1068 = tpu.vector_load_idx %gather3A_1067[%add3A_799, %add3A_1062] : memref<128x64xf32, #tpu.memory_space<vmem>>[vector<16xi32>, vector<16xi32>], vector<16xf32>,
        %add3A_1069 = arith.constant 0 : i32
        %add3A_1070 = vector.broadcast %add3A_1069 : i32 to vector<16xi32>
        %add3A_1071 = arith.addi %mul3A_802, %add3A_1070 : vector<16xi32>
        %gather3A_1072 = arith.constant 0 : i32
        %gather3A_1073 = arith.constant 0 : i32
        %gather3A_1074 = arith.constant 0 : i32
        %gather3A_1075 = tpu.memref_slice %arg10[%gather3A_1072, %gather3A_1073, %gather3A_1074] : memref<2x640x64xf32, #tpu.memory_space<vmem>> -> memref<1x640x64xf32, #tpu.memory_space<vmem>>
        %gather3A_1076 = tpu.memref_squeeze %gather3A_1075 : memref<1x640x64xf32, #tpu.memory_space<vmem>> -> memref<640x64xf32, #tpu.memory_space<vmem>>
        %gather3A_1077 = tpu.vector_load_idx %gather3A_1076[%add3A_1071, %add3A_1062] : memref<640x64xf32, #tpu.memory_space<vmem>>[vector<16xi32>, vector<16xi32>], vector<16xf32>,
        %mul3A_1078 = arith.mulf %gather3A_1068, %gather3A_1077 : vector<16xf32>
        %add3A_1079 = arith.addf %add3A_1012, %mul3A_1078 : vector<16xf32>
        %add3A_1080 = arith.constant 1 : i32
        %add3A_1081 = vector.broadcast %add3A_1080 : i32 to vector<16xi32>
        %add3A_1082 = arith.addi %mul3A_802, %add3A_1081 : vector<16xi32>
        %gather3A_1083 = arith.constant 0 : i32
        %gather3A_1084 = arith.constant 0 : i32
        %gather3A_1085 = arith.constant 0 : i32
        %gather3A_1086 = tpu.memref_slice %arg10[%gather3A_1083, %gather3A_1084, %gather3A_1085] : memref<2x640x64xf32, #tpu.memory_space<vmem>> -> memref<1x640x64xf32, #tpu.memory_space<vmem>>
        %gather3A_1087 = tpu.memref_squeeze %gather3A_1086 : memref<1x640x64xf32, #tpu.memory_space<vmem>> -> memref<640x64xf32, #tpu.memory_space<vmem>>
        %gather3A_1088 = tpu.vector_load_idx %gather3A_1087[%add3A_1082, %add3A_1062] : memref<640x64xf32, #tpu.memory_space<vmem>>[vector<16xi32>, vector<16xi32>], vector<16xf32>,
        %mul3A_1089 = arith.mulf %gather3A_1068, %gather3A_1088 : vector<16xf32>
        %add3A_1090 = arith.addf %add3A_1023, %mul3A_1089 : vector<16xf32>
        %add3A_1091 = arith.constant 2 : i32
        %add3A_1092 = vector.broadcast %add3A_1091 : i32 to vector<16xi32>
        %add3A_1093 = arith.addi %mul3A_802, %add3A_1092 : vector<16xi32>
        %gather3A_1094 = arith.constant 0 : i32
        %gather3A_1095 = arith.constant 0 : i32
        %gather3A_1096 = arith.constant 0 : i32
        %gather3A_1097 = tpu.memref_slice %arg10[%gather3A_1094, %gather3A_1095, %gather3A_1096] : memref<2x640x64xf32, #tpu.memory_space<vmem>> -> memref<1x640x64xf32, #tpu.memory_space<vmem>>
        %gather3A_1098 = tpu.memref_squeeze %gather3A_1097 : memref<1x640x64xf32, #tpu.memory_space<vmem>> -> memref<640x64xf32, #tpu.memory_space<vmem>>
        %gather3A_1099 = tpu.vector_load_idx %gather3A_1098[%add3A_1093, %add3A_1062] : memref<640x64xf32, #tpu.memory_space<vmem>>[vector<16xi32>, vector<16xi32>], vector<16xf32>,
        %mul3A_1100 = arith.mulf %gather3A_1068, %gather3A_1099 : vector<16xf32>
        %add3A_1101 = arith.addf %add3A_1034, %mul3A_1100 : vector<16xf32>
        %add3A_1102 = arith.constant 3 : i32
        %add3A_1103 = vector.broadcast %add3A_1102 : i32 to vector<16xi32>
        %add3A_1104 = arith.addi %mul3A_802, %add3A_1103 : vector<16xi32>
        %gather3A_1105 = arith.constant 0 : i32
        %gather3A_1106 = arith.constant 0 : i32
        %gather3A_1107 = arith.constant 0 : i32
        %gather3A_1108 = tpu.memref_slice %arg10[%gather3A_1105, %gather3A_1106, %gather3A_1107] : memref<2x640x64xf32, #tpu.memory_space<vmem>> -> memref<1x640x64xf32, #tpu.memory_space<vmem>>
        %gather3A_1109 = tpu.memref_squeeze %gather3A_1108 : memref<1x640x64xf32, #tpu.memory_space<vmem>> -> memref<640x64xf32, #tpu.memory_space<vmem>>
        %gather3A_1110 = tpu.vector_load_idx %gather3A_1109[%add3A_1104, %add3A_1062] : memref<640x64xf32, #tpu.memory_space<vmem>>[vector<16xi32>, vector<16xi32>], vector<16xf32>,
        %mul3A_1111 = arith.mulf %gather3A_1068, %gather3A_1110 : vector<16xf32>
        %add3A_1112 = arith.addf %add3A_1045, %mul3A_1111 : vector<16xf32>
        %add3A_1113 = arith.constant 4 : i32
        %add3A_1114 = vector.broadcast %add3A_1113 : i32 to vector<16xi32>
        %add3A_1115 = arith.addi %mul3A_802, %add3A_1114 : vector<16xi32>
        %gather3A_1116 = arith.constant 0 : i32
        %gather3A_1117 = arith.constant 0 : i32
        %gather3A_1118 = arith.constant 0 : i32
        %gather3A_1119 = tpu.memref_slice %arg10[%gather3A_1116, %gather3A_1117, %gather3A_1118] : memref<2x640x64xf32, #tpu.memory_space<vmem>> -> memref<1x640x64xf32, #tpu.memory_space<vmem>>
        %gather3A_1120 = tpu.memref_squeeze %gather3A_1119 : memref<1x640x64xf32, #tpu.memory_space<vmem>> -> memref<640x64xf32, #tpu.memory_space<vmem>>
        %gather3A_1121 = tpu.vector_load_idx %gather3A_1120[%add3A_1115, %add3A_1062] : memref<640x64xf32, #tpu.memory_space<vmem>>[vector<16xi32>, vector<16xi32>], vector<16xf32>,
        %mul3A_1122 = arith.mulf %gather3A_1068, %gather3A_1121 : vector<16xf32>
        %add3A_1123 = arith.addf %add3A_1056, %mul3A_1122 : vector<16xf32>
        scf.yield %add3A_1079, %add3A_1090, %add3A_1101, %add3A_1112, %add3A_1123 : vector<16xf32>, vector<16xf32>, vector<16xf32>, vector<16xf32>, vector<16xf32>
      }
      %scan3A_817 = arith.constant 64 : i32
      %add3A_818 = arith.constant 0 : i32
      %add3A_819 = vector.broadcast %add3A_818 : i32 to vector<16xi32>
      %add3A_820 = arith.addi %mul3A_802, %add3A_819 : vector<16xi32>
      %scatter3A = arith.constant 0 : i32
      %scatter3A_821 = arith.constant 0 : i32
      %scatter3A_822 = tpu.memref_slice %arg11[%scatter3A, %scatter3A_821] : memref<2x640xf32, #tpu.memory_space<vmem>> -> memref<1x640xf32, #tpu.memory_space<vmem>>
      %scatter3A_823 = tpu.memref_squeeze %scatter3A_822 : memref<1x640xf32, #tpu.memory_space<vmem>> -> memref<640xf32, #tpu.memory_space<vmem>>
      tpu.vector_store_idx %scatter3A_823[%add3A_820], %scan3A_816#0 : memref<640xf32, #tpu.memory_space<vmem>>[vector<16xi32>], vector<16xf32>,
      %add3A_824 = arith.constant 1 : i32
      %add3A_825 = vector.broadcast %add3A_824 : i32 to vector<16xi32>
      %add3A_826 = arith.addi %mul3A_802, %add3A_825 : vector<16xi32>
      %scatter3A_827 = arith.constant 0 : i32
      %scatter3A_828 = arith.constant 0 : i32
      %scatter3A_829 = tpu.memref_slice %arg11[%scatter3A_827, %scatter3A_828] : memref<2x640xf32, #tpu.memory_space<vmem>> -> memref<1x640xf32, #tpu.memory_space<vmem>>
      %scatter3A_830 = tpu.memref_squeeze %scatter3A_829 : memref<1x640xf32, #tpu.memory_space<vmem>> -> memref<640xf32, #tpu.memory_space<vmem>>
      tpu.vector_store_idx %scatter3A_830[%add3A_826], %scan3A_816#1 : memref<640xf32, #tpu.memory_space<vmem>>[vector<16xi32>], vector<16xf32>,
      %add3A_831 = arith.constant 2 : i32
      %add3A_832 = vector.broadcast %add3A_831 : i32 to vector<16xi32>
      %add3A_833 = arith.addi %mul3A_802, %add3A_832 : vector<16xi32>
      %scatter3A_834 = arith.constant 0 : i32
      %scatter3A_835 = arith.constant 0 : i32
      %scatter3A_836 = tpu.memref_slice %arg11[%scatter3A_834, %scatter3A_835] : memref<2x640xf32, #tpu.memory_space<vmem>> -> memref<1x640xf32, #tpu.memory_space<vmem>>
      %scatter3A_837 = tpu.memref_squeeze %scatter3A_836 : memref<1x640xf32, #tpu.memory_space<vmem>> -> memref<640xf32, #tpu.memory_space<vmem>>
      tpu.vector_store_idx %scatter3A_837[%add3A_833], %scan3A_816#2 : memref<640xf32, #tpu.memory_space<vmem>>[vector<16xi32>], vector<16xf32>,
      %add3A_838 = arith.constant 3 : i32
      %add3A_839 = vector.broadcast %add3A_838 : i32 to vector<16xi32>
      %add3A_840 = arith.addi %mul3A_802, %add3A_839 : vector<16xi32>
      %scatter3A_841 = arith.constant 0 : i32
      %scatter3A_842 = arith.constant 0 : i32
      %scatter3A_843 = tpu.memref_slice %arg11[%scatter3A_841, %scatter3A_842] : memref<2x640xf32, #tpu.memory_space<vmem>> -> memref<1x640xf32, #tpu.memory_space<vmem>>
      %scatter3A_844 = tpu.memref_squeeze %scatter3A_843 : memref<1x640xf32, #tpu.memory_space<vmem>> -> memref<640xf32, #tpu.memory_space<vmem>>
      tpu.vector_store_idx %scatter3A_844[%add3A_840], %scan3A_816#3 : memref<640xf32, #tpu.memory_space<vmem>>[vector<16xi32>], vector<16xf32>,
      %add3A_845 = arith.constant 4 : i32
      %add3A_846 = vector.broadcast %add3A_845 : i32 to vector<16xi32>
      %add3A_847 = arith.addi %mul3A_802, %add3A_846 : vector<16xi32>
      %scatter3A_848 = arith.constant 0 : i32
      %scatter3A_849 = arith.constant 0 : i32
      %scatter3A_850 = tpu.memref_slice %arg11[%scatter3A_848, %scatter3A_849] : memref<2x640xf32, #tpu.memory_space<vmem>> -> memref<1x640xf32, #tpu.memory_space<vmem>>
      %scatter3A_851 = tpu.memref_squeeze %scatter3A_850 : memref<1x640xf32, #tpu.memory_space<vmem>> -> memref<640xf32, #tpu.memory_space<vmem>>
      tpu.vector_store_idx %scatter3A_851[%add3A_847], %scan3A_816#4 : memref<640xf32, #tpu.memory_space<vmem>>[vector<16xi32>], vector<16xf32>,
      %scan3A_852 = arith.constant 0 : i32
      scf.yield %scan3A_852 : i32
    }
    %scan3A_289 = arith.constant 8 : i32
    %mul3A_290 = arith.constant 5 : i32
    %mul3A_291 = arith.muli %add3A_194, %mul3A_290 : i32
    %run_scoped3A_292 = arith.constant 0 : i32
    "tpu.region"() ({
      %run_scoped3A_794 = tpu.sem_alloc : memref<!tpu.dma_semaphore, #tpu.memory_space<semaphore_mem>>
      %dma_start3A_795 = arith.constant 0 : i32
      %dma_start3A_796 = tpu.memref_slice %arg11[%run_scoped3A_292, %dma_start3A_795] : memref<2x640xf32, #tpu.memory_space<vmem>> -> memref<1x640xf32, #tpu.memory_space<vmem>>
      %dma_start3A_797 = tpu.memref_squeeze %dma_start3A_796 : memref<1x640xf32, #tpu.memory_space<vmem>> -> memref<640xf32, #tpu.memory_space<vmem>>
      %dma_start3A_798 = tpu.memref_slice %arg6[%mul3A_291] : memref<81920xf32, #tpu.memory_space<hbm>> -> memref<640xf32, #tpu.memory_space<hbm>>
      %dma_start3A_799 = tpu.memref_slice %arg6[%mul3A_291] : memref<81920xf32, #tpu.memory_space<hbm>> -> memref<640xf32, #tpu.memory_space<hbm>>
      %dma_start3A_800 = arith.constant 0 : i32
      %dma_start3A_801 = tpu.memref_slice %arg11[%run_scoped3A_292, %dma_start3A_800] : memref<2x640xf32, #tpu.memory_space<vmem>> -> memref<1x640xf32, #tpu.memory_space<vmem>>
      %dma_start3A_802 = tpu.memref_squeeze %dma_start3A_801 : memref<1x640xf32, #tpu.memory_space<vmem>> -> memref<640xf32, #tpu.memory_space<vmem>>
      tpu.enqueue_dma source(%dma_start3A_802 : memref<640xf32, #tpu.memory_space<vmem>>) target(%dma_start3A_799 : memref<640xf32, #tpu.memory_space<hbm>>) target_semaphore(%run_scoped3A_794 : memref<!tpu.dma_semaphore, #tpu.memory_space<semaphore_mem>>)
      %dma_wait3A_803 = arith.constant 0 : i32
      %dma_wait3A_804 = tpu.memref_slice %arg11[%run_scoped3A_292, %dma_wait3A_803] : memref<2x640xf32, #tpu.memory_space<vmem>> -> memref<1x640xf32, #tpu.memory_space<vmem>>
      %dma_wait3A_805 = tpu.memref_squeeze %dma_wait3A_804 : memref<1x640xf32, #tpu.memory_space<vmem>> -> memref<640xf32, #tpu.memory_space<vmem>>
      %dma_wait3A_806 = tpu.memref_slice %arg6[%mul3A_291] : memref<81920xf32, #tpu.memory_space<hbm>> -> memref<640xf32, #tpu.memory_space<hbm>>
      %dma_wait3A_807 = tpu.memref_slice %arg6[%mul3A_291] : memref<81920xf32, #tpu.memory_space<hbm>> -> memref<640xf32, #tpu.memory_space<hbm>>
      %dma_wait3A_808 = arith.constant 0 : i32
      %dma_wait3A_809 = tpu.memref_slice %arg11[%run_scoped3A_292, %dma_wait3A_808] : memref<2x640xf32, #tpu.memory_space<vmem>> -> memref<1x640xf32, #tpu.memory_space<vmem>>
      %dma_wait3A_810 = tpu.memref_squeeze %dma_wait3A_809 : memref<1x640xf32, #tpu.memory_space<vmem>> -> memref<640xf32, #tpu.memory_space<vmem>>
      tpu.wait_dma2 semaphore(%run_scoped3A_794 : memref<!tpu.dma_semaphore, #tpu.memory_space<semaphore_mem>>) src(%dma_wait3A_810 : memref<640xf32, #tpu.memory_space<vmem>>) dst(%dma_wait3A_807 : memref<640xf32, #tpu.memory_space<hbm>>)
      tpu.yield
    }) : () -> ()
    %add3A_293 = arith.constant 256 : i32
    %add3A_294 = arith.addi %mul3A_2, %add3A_293 : i32
    %run_scoped3A_295 = arith.constant 0 : i32
    "tpu.region"() ({
      %run_scoped3A_794 = tpu.sem_alloc : memref<!tpu.dma_semaphore, #tpu.memory_space<semaphore_mem>>
      %dma_start3A_795 = arith.constant 0 : i32
      %dma_start3A_796 = tpu.memref_slice %arg7[%run_scoped3A_295, %dma_start3A_795] : memref<2x128xi32, #tpu.memory_space<vmem>> -> memref<1x128xi32, #tpu.memory_space<vmem>>
      %dma_start3A_797 = tpu.memref_squeeze %dma_start3A_796 : memref<1x128xi32, #tpu.memory_space<vmem>> -> memref<128xi32, #tpu.memory_space<vmem>>
      %dma_start3A_798 = tpu.memref_slice %arg2[%add3A_294] : memref<16384xi32, #tpu.memory_space<hbm>> -> memref<128xi32, #tpu.memory_space<hbm>>
      %dma_start3A_799 = arith.constant 0 : i32
      %dma_start3A_800 = tpu.memref_slice %arg7[%run_scoped3A_295, %dma_start3A_799] : memref<2x128xi32, #tpu.memory_space<vmem>> -> memref<1x128xi32, #tpu.memory_space<vmem>>
      %dma_start3A_801 = tpu.memref_squeeze %dma_start3A_800 : memref<1x128xi32, #tpu.memory_space<vmem>> -> memref<128xi32, #tpu.memory_space<vmem>>
      %dma_start3A_802 = tpu.memref_slice %arg2[%add3A_294] : memref<16384xi32, #tpu.memory_space<hbm>> -> memref<128xi32, #tpu.memory_space<hbm>>
      tpu.enqueue_dma source(%dma_start3A_802 : memref<128xi32, #tpu.memory_space<hbm>>) target(%dma_start3A_801 : memref<128xi32, #tpu.memory_space<vmem>>) target_semaphore(%run_scoped3A_794 : memref<!tpu.dma_semaphore, #tpu.memory_space<semaphore_mem>>)
      %dma_wait3A_803 = arith.constant 0 : i32
      %dma_wait3A_804 = tpu.memref_slice %arg7[%run_scoped3A_295, %dma_wait3A_803] : memref<2x128xi32, #tpu.memory_space<vmem>> -> memref<1x128xi32, #tpu.memory_space<vmem>>
      %dma_wait3A_805 = tpu.memref_squeeze %dma_wait3A_804 : memref<1x128xi32, #tpu.memory_space<vmem>> -> memref<128xi32, #tpu.memory_space<vmem>>
      %dma_wait3A_806 = tpu.memref_slice %arg2[%add3A_294] : memref<16384xi32, #tpu.memory_space<hbm>> -> memref<128xi32, #tpu.memory_space<hbm>>
      %dma_wait3A_807 = arith.constant 0 : i32
      %dma_wait3A_808 = tpu.memref_slice %arg7[%run_scoped3A_295, %dma_wait3A_807] : memref<2x128xi32, #tpu.memory_space<vmem>> -> memref<1x128xi32, #tpu.memory_space<vmem>>
      %dma_wait3A_809 = tpu.memref_squeeze %dma_wait3A_808 : memref<1x128xi32, #tpu.memory_space<vmem>> -> memref<128xi32, #tpu.memory_space<vmem>>
      %dma_wait3A_810 = tpu.memref_slice %arg2[%add3A_294] : memref<16384xi32, #tpu.memory_space<hbm>> -> memref<128xi32, #tpu.memory_space<hbm>>
      tpu.wait_dma2 semaphore(%run_scoped3A_794 : memref<!tpu.dma_semaphore, #tpu.memory_space<semaphore_mem>>) src(%dma_wait3A_810 : memref<128xi32, #tpu.memory_space<hbm>>) dst(%dma_wait3A_809 : memref<128xi32, #tpu.memory_space<vmem>>)
      tpu.yield
    }) : () -> ()
    %mul3A_296 = arith.constant 5 : i32
    %mul3A_297 = arith.muli %add3A_294, %mul3A_296 : i32
    %run_scoped3A_298 = arith.constant 0 : i32
    "tpu.region"() ({
      %run_scoped3A_794 = tpu.sem_alloc : memref<!tpu.dma_semaphore, #tpu.memory_space<semaphore_mem>>
      %dma_start3A_795 = arith.constant 0 : i32
      %dma_start3A_796 = tpu.memref_slice %arg8[%run_scoped3A_298, %dma_start3A_795] : memref<2x640xi32, #tpu.memory_space<vmem>> -> memref<1x640xi32, #tpu.memory_space<vmem>>
      %dma_start3A_797 = tpu.memref_squeeze %dma_start3A_796 : memref<1x640xi32, #tpu.memory_space<vmem>> -> memref<640xi32, #tpu.memory_space<vmem>>
      %dma_start3A_798 = tpu.memref_slice %arg3[%mul3A_297] : memref<81920xi32, #tpu.memory_space<hbm>> -> memref<640xi32, #tpu.memory_space<hbm>>
      %dma_start3A_799 = arith.constant 0 : i32
      %dma_start3A_800 = tpu.memref_slice %arg8[%run_scoped3A_298, %dma_start3A_799] : memref<2x640xi32, #tpu.memory_space<vmem>> -> memref<1x640xi32, #tpu.memory_space<vmem>>
      %dma_start3A_801 = tpu.memref_squeeze %dma_start3A_800 : memref<1x640xi32, #tpu.memory_space<vmem>> -> memref<640xi32, #tpu.memory_space<vmem>>
      %dma_start3A_802 = tpu.memref_slice %arg3[%mul3A_297] : memref<81920xi32, #tpu.memory_space<hbm>> -> memref<640xi32, #tpu.memory_space<hbm>>
      tpu.enqueue_dma source(%dma_start3A_802 : memref<640xi32, #tpu.memory_space<hbm>>) target(%dma_start3A_801 : memref<640xi32, #tpu.memory_space<vmem>>) target_semaphore(%run_scoped3A_794 : memref<!tpu.dma_semaphore, #tpu.memory_space<semaphore_mem>>)
      %dma_wait3A_803 = arith.constant 0 : i32
      %dma_wait3A_804 = tpu.memref_slice %arg8[%run_scoped3A_298, %dma_wait3A_803] : memref<2x640xi32, #tpu.memory_space<vmem>> -> memref<1x640xi32, #tpu.memory_space<vmem>>
      %dma_wait3A_805 = tpu.memref_squeeze %dma_wait3A_804 : memref<1x640xi32, #tpu.memory_space<vmem>> -> memref<640xi32, #tpu.memory_space<vmem>>
      %dma_wait3A_806 = tpu.memref_slice %arg3[%mul3A_297] : memref<81920xi32, #tpu.memory_space<hbm>> -> memref<640xi32, #tpu.memory_space<hbm>>
      %dma_wait3A_807 = arith.constant 0 : i32
      %dma_wait3A_808 = tpu.memref_slice %arg8[%run_scoped3A_298, %dma_wait3A_807] : memref<2x640xi32, #tpu.memory_space<vmem>> -> memref<1x640xi32, #tpu.memory_space<vmem>>
      %dma_wait3A_809 = tpu.memref_squeeze %dma_wait3A_808 : memref<1x640xi32, #tpu.memory_space<vmem>> -> memref<640xi32, #tpu.memory_space<vmem>>
      %dma_wait3A_810 = tpu.memref_slice %arg3[%mul3A_297] : memref<81920xi32, #tpu.memory_space<hbm>> -> memref<640xi32, #tpu.memory_space<hbm>>
      tpu.wait_dma2 semaphore(%run_scoped3A_794 : memref<!tpu.dma_semaphore, #tpu.memory_space<semaphore_mem>>) src(%dma_wait3A_810 : memref<640xi32, #tpu.memory_space<hbm>>) dst(%dma_wait3A_809 : memref<640xi32, #tpu.memory_space<vmem>>)
      tpu.yield
    }) : () -> ()
    %dma_start3A_299 = arith.constant 0 : i32
    %dma_start3A_300 = arith.constant 0 : i32
    %dma_start3A_301 = arith.constant 0 : i32
    %dma_start3A_302 = arith.constant 0 : i32
    %dma_start3A_303 = arith.constant 0 : i32
    %dma_start3A_304 = tpu.memref_slice %arg9[%dma_start3A_300, %dma_start3A_302, %dma_start3A_303] : memref<2x128x64xf32, #tpu.memory_space<vmem>> -> memref<1x128x64xf32, #tpu.memory_space<vmem>>
    %dma_start3A_305 = tpu.memref_squeeze %dma_start3A_304 : memref<1x128x64xf32, #tpu.memory_space<vmem>> -> memref<128x64xf32, #tpu.memory_space<vmem>>
    %dma_start3A_306 = arith.constant 0 : i32
    %dma_start3A_307 = tpu.memref_slice %arg7[%dma_start3A_299, %dma_start3A_306] : memref<2x128xi32, #tpu.memory_space<vmem>> -> memref<1x128xi32, #tpu.memory_space<vmem>>
    %dma_start3A_308 = tpu.memref_squeeze %dma_start3A_307 : memref<1x128xi32, #tpu.memory_space<vmem>> -> memref<128xi32, #tpu.memory_space<vmem>>
    %dma_start3A_309 = arith.constant 0 : i32
    %dma_start3A_310 = arith.constant 0 : i32
    %dma_start3A_311 = tpu.memref_slice %arg4[%dma_start3A_309, %dma_start3A_310] : memref<1000000x64xf32, #tpu.memory_space<hbm>> -> memref<1000000x64xf32, #tpu.memory_space<hbm>>
    %dma_start3A_312 = tpu.memref_slice %arg12[%dma_start3A_301] : memref<2x!tpu.dma_semaphore, #tpu.memory_space<semaphore_mem>> -> memref<1x!tpu.dma_semaphore, #tpu.memory_space<semaphore_mem>>
    %dma_start3A_313 = tpu.memref_squeeze %dma_start3A_312 : memref<1x!tpu.dma_semaphore, #tpu.memory_space<semaphore_mem>> -> memref<!tpu.dma_semaphore, #tpu.memory_space<semaphore_mem>>
    tpu.enqueue_indirect_dma source(%dma_start3A_311 : memref<1000000x64xf32, #tpu.memory_space<hbm>>) target(%dma_start3A_305 : memref<128x64xf32, #tpu.memory_space<vmem>>) offsets(%dma_start3A_308 : memref<128xi32, #tpu.memory_space<vmem>>) semaphore(%dma_start3A_313 : memref<!tpu.dma_semaphore, #tpu.memory_space<semaphore_mem>>)
    %dma_start3A_314 = arith.constant 0 : i32
    %dma_start3A_315 = arith.constant 0 : i32
    %dma_start3A_316 = arith.constant 0 : i32
    %dma_start3A_317 = arith.constant 0 : i32
    %dma_start3A_318 = arith.constant 0 : i32
    %dma_start3A_319 = tpu.memref_slice %arg10[%dma_start3A_315, %dma_start3A_317, %dma_start3A_318] : memref<2x640x64xf32, #tpu.memory_space<vmem>> -> memref<1x128x64xf32, #tpu.memory_space<vmem>>
    %dma_start3A_320 = tpu.memref_squeeze %dma_start3A_319 : memref<1x128x64xf32, #tpu.memory_space<vmem>> -> memref<128x64xf32, #tpu.memory_space<vmem>>
    %dma_start3A_321 = arith.constant 0 : i32
    %dma_start3A_322 = tpu.memref_slice %arg8[%dma_start3A_314, %dma_start3A_321] : memref<2x640xi32, #tpu.memory_space<vmem>> -> memref<1x128xi32, #tpu.memory_space<vmem>>
    %dma_start3A_323 = tpu.memref_squeeze %dma_start3A_322 : memref<1x128xi32, #tpu.memory_space<vmem>> -> memref<128xi32, #tpu.memory_space<vmem>>
    %dma_start3A_324 = arith.constant 0 : i32
    %dma_start3A_325 = arith.constant 0 : i32
    %dma_start3A_326 = tpu.memref_slice %arg5[%dma_start3A_324, %dma_start3A_325] : memref<1000000x64xf32, #tpu.memory_space<hbm>> -> memref<1000000x64xf32, #tpu.memory_space<hbm>>
    %dma_start3A_327 = tpu.memref_slice %arg12[%dma_start3A_316] : memref<2x!tpu.dma_semaphore, #tpu.memory_space<semaphore_mem>> -> memref<1x!tpu.dma_semaphore, #tpu.memory_space<semaphore_mem>>
    %dma_start3A_328 = tpu.memref_squeeze %dma_start3A_327 : memref<1x!tpu.dma_semaphore, #tpu.memory_space<semaphore_mem>> -> memref<!tpu.dma_semaphore, #tpu.memory_space<semaphore_mem>>
    tpu.enqueue_indirect_dma source(%dma_start3A_326 : memref<1000000x64xf32, #tpu.memory_space<hbm>>) target(%dma_start3A_320 : memref<128x64xf32, #tpu.memory_space<vmem>>) offsets(%dma_start3A_323 : memref<128xi32, #tpu.memory_space<vmem>>) semaphore(%dma_start3A_328 : memref<!tpu.dma_semaphore, #tpu.memory_space<semaphore_mem>>)
    %dma_start3A_329 = arith.constant 0 : i32
    %dma_start3A_330 = arith.constant 0 : i32
    %dma_start3A_331 = arith.constant 0 : i32
    %dma_start3A_332 = arith.constant 128 : i32
    %dma_start3A_333 = arith.constant 0 : i32
    %dma_start3A_334 = tpu.memref_slice %arg10[%dma_start3A_330, %dma_start3A_332, %dma_start3A_333] : memref<2x640x64xf32, #tpu.memory_space<vmem>> -> memref<1x128x64xf32, #tpu.memory_space<vmem>>
    %dma_start3A_335 = tpu.memref_squeeze %dma_start3A_334 : memref<1x128x64xf32, #tpu.memory_space<vmem>> -> memref<128x64xf32, #tpu.memory_space<vmem>>
    %dma_start3A_336 = arith.constant 128 : i32
    %dma_start3A_337 = tpu.memref_slice %arg8[%dma_start3A_329, %dma_start3A_336] : memref<2x640xi32, #tpu.memory_space<vmem>> -> memref<1x128xi32, #tpu.memory_space<vmem>>
    %dma_start3A_338 = tpu.memref_squeeze %dma_start3A_337 : memref<1x128xi32, #tpu.memory_space<vmem>> -> memref<128xi32, #tpu.memory_space<vmem>>
    %dma_start3A_339 = arith.constant 0 : i32
    %dma_start3A_340 = arith.constant 0 : i32
    %dma_start3A_341 = tpu.memref_slice %arg5[%dma_start3A_339, %dma_start3A_340] : memref<1000000x64xf32, #tpu.memory_space<hbm>> -> memref<1000000x64xf32, #tpu.memory_space<hbm>>
    %dma_start3A_342 = tpu.memref_slice %arg12[%dma_start3A_331] : memref<2x!tpu.dma_semaphore, #tpu.memory_space<semaphore_mem>> -> memref<1x!tpu.dma_semaphore, #tpu.memory_space<semaphore_mem>>
    %dma_start3A_343 = tpu.memref_squeeze %dma_start3A_342 : memref<1x!tpu.dma_semaphore, #tpu.memory_space<semaphore_mem>> -> memref<!tpu.dma_semaphore, #tpu.memory_space<semaphore_mem>>
    tpu.enqueue_indirect_dma source(%dma_start3A_341 : memref<1000000x64xf32, #tpu.memory_space<hbm>>) target(%dma_start3A_335 : memref<128x64xf32, #tpu.memory_space<vmem>>) offsets(%dma_start3A_338 : memref<128xi32, #tpu.memory_space<vmem>>) semaphore(%dma_start3A_343 : memref<!tpu.dma_semaphore, #tpu.memory_space<semaphore_mem>>)
    %dma_start3A_344 = arith.constant 0 : i32
    %dma_start3A_345 = arith.constant 0 : i32
    %dma_start3A_346 = arith.constant 0 : i32
    %dma_start3A_347 = arith.constant 256 : i32
    %dma_start3A_348 = arith.constant 0 : i32
    %dma_start3A_349 = tpu.memref_slice %arg10[%dma_start3A_345, %dma_start3A_347, %dma_start3A_348] : memref<2x640x64xf32, #tpu.memory_space<vmem>> -> memref<1x128x64xf32, #tpu.memory_space<vmem>>
    %dma_start3A_350 = tpu.memref_squeeze %dma_start3A_349 : memref<1x128x64xf32, #tpu.memory_space<vmem>> -> memref<128x64xf32, #tpu.memory_space<vmem>>
    %dma_start3A_351 = arith.constant 256 : i32
    %dma_start3A_352 = tpu.memref_slice %arg8[%dma_start3A_344, %dma_start3A_351] : memref<2x640xi32, #tpu.memory_space<vmem>> -> memref<1x128xi32, #tpu.memory_space<vmem>>
    %dma_start3A_353 = tpu.memref_squeeze %dma_start3A_352 : memref<1x128xi32, #tpu.memory_space<vmem>> -> memref<128xi32, #tpu.memory_space<vmem>>
    %dma_start3A_354 = arith.constant 0 : i32
    %dma_start3A_355 = arith.constant 0 : i32
    %dma_start3A_356 = tpu.memref_slice %arg5[%dma_start3A_354, %dma_start3A_355] : memref<1000000x64xf32, #tpu.memory_space<hbm>> -> memref<1000000x64xf32, #tpu.memory_space<hbm>>
    %dma_start3A_357 = tpu.memref_slice %arg12[%dma_start3A_346] : memref<2x!tpu.dma_semaphore, #tpu.memory_space<semaphore_mem>> -> memref<1x!tpu.dma_semaphore, #tpu.memory_space<semaphore_mem>>
    %dma_start3A_358 = tpu.memref_squeeze %dma_start3A_357 : memref<1x!tpu.dma_semaphore, #tpu.memory_space<semaphore_mem>> -> memref<!tpu.dma_semaphore, #tpu.memory_space<semaphore_mem>>
    tpu.enqueue_indirect_dma source(%dma_start3A_356 : memref<1000000x64xf32, #tpu.memory_space<hbm>>) target(%dma_start3A_350 : memref<128x64xf32, #tpu.memory_space<vmem>>) offsets(%dma_start3A_353 : memref<128xi32, #tpu.memory_space<vmem>>) semaphore(%dma_start3A_358 : memref<!tpu.dma_semaphore, #tpu.memory_space<semaphore_mem>>)
    %dma_start3A_359 = arith.constant 0 : i32
    %dma_start3A_360 = arith.constant 0 : i32
    %dma_start3A_361 = arith.constant 0 : i32
    %dma_start3A_362 = arith.constant 384 : i32
    %dma_start3A_363 = arith.constant 0 : i32
    %dma_start3A_364 = tpu.memref_slice %arg10[%dma_start3A_360, %dma_start3A_362, %dma_start3A_363] : memref<2x640x64xf32, #tpu.memory_space<vmem>> -> memref<1x128x64xf32, #tpu.memory_space<vmem>>
    %dma_start3A_365 = tpu.memref_squeeze %dma_start3A_364 : memref<1x128x64xf32, #tpu.memory_space<vmem>> -> memref<128x64xf32, #tpu.memory_space<vmem>>
    %dma_start3A_366 = arith.constant 384 : i32
    %dma_start3A_367 = tpu.memref_slice %arg8[%dma_start3A_359, %dma_start3A_366] : memref<2x640xi32, #tpu.memory_space<vmem>> -> memref<1x128xi32, #tpu.memory_space<vmem>>
    %dma_start3A_368 = tpu.memref_squeeze %dma_start3A_367 : memref<1x128xi32, #tpu.memory_space<vmem>> -> memref<128xi32, #tpu.memory_space<vmem>>
    %dma_start3A_369 = arith.constant 0 : i32
    %dma_start3A_370 = arith.constant 0 : i32
    %dma_start3A_371 = tpu.memref_slice %arg5[%dma_start3A_369, %dma_start3A_370] : memref<1000000x64xf32, #tpu.memory_space<hbm>> -> memref<1000000x64xf32, #tpu.memory_space<hbm>>
    %dma_start3A_372 = tpu.memref_slice %arg12[%dma_start3A_361] : memref<2x!tpu.dma_semaphore, #tpu.memory_space<semaphore_mem>> -> memref<1x!tpu.dma_semaphore, #tpu.memory_space<semaphore_mem>>
    %dma_start3A_373 = tpu.memref_squeeze %dma_start3A_372 : memref<1x!tpu.dma_semaphore, #tpu.memory_space<semaphore_mem>> -> memref<!tpu.dma_semaphore, #tpu.memory_space<semaphore_mem>>
    tpu.enqueue_indirect_dma source(%dma_start3A_371 : memref<1000000x64xf32, #tpu.memory_space<hbm>>) target(%dma_start3A_365 : memref<128x64xf32, #tpu.memory_space<vmem>>) offsets(%dma_start3A_368 : memref<128xi32, #tpu.memory_space<vmem>>) semaphore(%dma_start3A_373 : memref<!tpu.dma_semaphore, #tpu.memory_space<semaphore_mem>>)
    %dma_start3A_374 = arith.constant 0 : i32
    %dma_start3A_375 = arith.constant 0 : i32
    %dma_start3A_376 = arith.constant 0 : i32
    %dma_start3A_377 = arith.constant 512 : i32
    %dma_start3A_378 = arith.constant 0 : i32
    %dma_start3A_379 = tpu.memref_slice %arg10[%dma_start3A_375, %dma_start3A_377, %dma_start3A_378] : memref<2x640x64xf32, #tpu.memory_space<vmem>> -> memref<1x128x64xf32, #tpu.memory_space<vmem>>
    %dma_start3A_380 = tpu.memref_squeeze %dma_start3A_379 : memref<1x128x64xf32, #tpu.memory_space<vmem>> -> memref<128x64xf32, #tpu.memory_space<vmem>>
    %dma_start3A_381 = arith.constant 512 : i32
    %dma_start3A_382 = tpu.memref_slice %arg8[%dma_start3A_374, %dma_start3A_381] : memref<2x640xi32, #tpu.memory_space<vmem>> -> memref<1x128xi32, #tpu.memory_space<vmem>>
    %dma_start3A_383 = tpu.memref_squeeze %dma_start3A_382 : memref<1x128xi32, #tpu.memory_space<vmem>> -> memref<128xi32, #tpu.memory_space<vmem>>
    %dma_start3A_384 = arith.constant 0 : i32
    %dma_start3A_385 = arith.constant 0 : i32
    %dma_start3A_386 = tpu.memref_slice %arg5[%dma_start3A_384, %dma_start3A_385] : memref<1000000x64xf32, #tpu.memory_space<hbm>> -> memref<1000000x64xf32, #tpu.memory_space<hbm>>
    %dma_start3A_387 = tpu.memref_slice %arg12[%dma_start3A_376] : memref<2x!tpu.dma_semaphore, #tpu.memory_space<semaphore_mem>> -> memref<1x!tpu.dma_semaphore, #tpu.memory_space<semaphore_mem>>
    %dma_start3A_388 = tpu.memref_squeeze %dma_start3A_387 : memref<1x!tpu.dma_semaphore, #tpu.memory_space<semaphore_mem>> -> memref<!tpu.dma_semaphore, #tpu.memory_space<semaphore_mem>>
    tpu.enqueue_indirect_dma source(%dma_start3A_386 : memref<1000000x64xf32, #tpu.memory_space<hbm>>) target(%dma_start3A_380 : memref<128x64xf32, #tpu.memory_space<vmem>>) offsets(%dma_start3A_383 : memref<128xi32, #tpu.memory_space<vmem>>) semaphore(%dma_start3A_388 : memref<!tpu.dma_semaphore, #tpu.memory_space<semaphore_mem>>)
    %add3A_389 = arith.constant 128 : i32
    %add3A_390 = arith.addi %mul3A_2, %add3A_389 : i32
    %dma_wait3A_391 = arith.constant 1 : i32
    %dma_wait3A_392 = arith.constant 1 : i32
    %dma_wait3A_393 = arith.constant 1 : i32
    %dma_wait3A_394 = arith.constant 0 : i32
    %dma_wait3A_395 = arith.constant 0 : i32
    %dma_wait3A_396 = tpu.memref_slice %arg9[%dma_wait3A_392, %dma_wait3A_394, %dma_wait3A_395] : memref<2x128x64xf32, #tpu.memory_space<vmem>> -> memref<1x128x64xf32, #tpu.memory_space<vmem>>
    %dma_wait3A_397 = tpu.memref_squeeze %dma_wait3A_396 : memref<1x128x64xf32, #tpu.memory_space<vmem>> -> memref<128x64xf32, #tpu.memory_space<vmem>>
    %dma_wait3A_398 = arith.constant 0 : i32
    %dma_wait3A_399 = tpu.memref_slice %arg7[%dma_wait3A_391, %dma_wait3A_398] : memref<2x128xi32, #tpu.memory_space<vmem>> -> memref<1x128xi32, #tpu.memory_space<vmem>>
    %dma_wait3A_400 = tpu.memref_squeeze %dma_wait3A_399 : memref<1x128xi32, #tpu.memory_space<vmem>> -> memref<128xi32, #tpu.memory_space<vmem>>
    %dma_wait3A_401 = arith.constant 0 : i32
    %dma_wait3A_402 = arith.constant 0 : i32
    %dma_wait3A_403 = tpu.memref_slice %arg4[%dma_wait3A_401, %dma_wait3A_402] : memref<1000000x64xf32, #tpu.memory_space<hbm>> -> memref<1000000x64xf32, #tpu.memory_space<hbm>>
    %dma_wait3A_404 = tpu.memref_slice %arg12[%dma_wait3A_393] : memref<2x!tpu.dma_semaphore, #tpu.memory_space<semaphore_mem>> -> memref<1x!tpu.dma_semaphore, #tpu.memory_space<semaphore_mem>>
    %dma_wait3A_405 = tpu.memref_squeeze %dma_wait3A_404 : memref<1x!tpu.dma_semaphore, #tpu.memory_space<semaphore_mem>> -> memref<!tpu.dma_semaphore, #tpu.memory_space<semaphore_mem>>
    tpu.wait_indirect_dma semaphore(%dma_wait3A_405 : memref<!tpu.dma_semaphore, #tpu.memory_space<semaphore_mem>>) src(%dma_wait3A_403 : memref<1000000x64xf32, #tpu.memory_space<hbm>>) dst(%dma_wait3A_397 : memref<128x64xf32, #tpu.memory_space<vmem>>)
    %dma_wait3A_406 = arith.constant 1 : i32
    %dma_wait3A_407 = arith.constant 1 : i32
    %dma_wait3A_408 = arith.constant 1 : i32
    %dma_wait3A_409 = arith.constant 0 : i32
    %dma_wait3A_410 = arith.constant 0 : i32
    %dma_wait3A_411 = tpu.memref_slice %arg10[%dma_wait3A_407, %dma_wait3A_409, %dma_wait3A_410] : memref<2x640x64xf32, #tpu.memory_space<vmem>> -> memref<1x128x64xf32, #tpu.memory_space<vmem>>
    %dma_wait3A_412 = tpu.memref_squeeze %dma_wait3A_411 : memref<1x128x64xf32, #tpu.memory_space<vmem>> -> memref<128x64xf32, #tpu.memory_space<vmem>>
    %dma_wait3A_413 = arith.constant 0 : i32
    %dma_wait3A_414 = tpu.memref_slice %arg8[%dma_wait3A_406, %dma_wait3A_413] : memref<2x640xi32, #tpu.memory_space<vmem>> -> memref<1x128xi32, #tpu.memory_space<vmem>>
    %dma_wait3A_415 = tpu.memref_squeeze %dma_wait3A_414 : memref<1x128xi32, #tpu.memory_space<vmem>> -> memref<128xi32, #tpu.memory_space<vmem>>
    %dma_wait3A_416 = arith.constant 0 : i32
    %dma_wait3A_417 = arith.constant 0 : i32
    %dma_wait3A_418 = tpu.memref_slice %arg5[%dma_wait3A_416, %dma_wait3A_417] : memref<1000000x64xf32, #tpu.memory_space<hbm>> -> memref<1000000x64xf32, #tpu.memory_space<hbm>>
    %dma_wait3A_419 = tpu.memref_slice %arg12[%dma_wait3A_408] : memref<2x!tpu.dma_semaphore, #tpu.memory_space<semaphore_mem>> -> memref<1x!tpu.dma_semaphore, #tpu.memory_space<semaphore_mem>>
    %dma_wait3A_420 = tpu.memref_squeeze %dma_wait3A_419 : memref<1x!tpu.dma_semaphore, #tpu.memory_space<semaphore_mem>> -> memref<!tpu.dma_semaphore, #tpu.memory_space<semaphore_mem>>
    tpu.wait_indirect_dma semaphore(%dma_wait3A_420 : memref<!tpu.dma_semaphore, #tpu.memory_space<semaphore_mem>>) src(%dma_wait3A_418 : memref<1000000x64xf32, #tpu.memory_space<hbm>>) dst(%dma_wait3A_412 : memref<128x64xf32, #tpu.memory_space<vmem>>)
    %dma_wait3A_421 = arith.constant 1 : i32
    %dma_wait3A_422 = arith.constant 1 : i32
    %dma_wait3A_423 = arith.constant 1 : i32
    %dma_wait3A_424 = arith.constant 128 : i32
    %dma_wait3A_425 = arith.constant 0 : i32
    %dma_wait3A_426 = tpu.memref_slice %arg10[%dma_wait3A_422, %dma_wait3A_424, %dma_wait3A_425] : memref<2x640x64xf32, #tpu.memory_space<vmem>> -> memref<1x128x64xf32, #tpu.memory_space<vmem>>
    %dma_wait3A_427 = tpu.memref_squeeze %dma_wait3A_426 : memref<1x128x64xf32, #tpu.memory_space<vmem>> -> memref<128x64xf32, #tpu.memory_space<vmem>>
    %dma_wait3A_428 = arith.constant 128 : i32
    %dma_wait3A_429 = tpu.memref_slice %arg8[%dma_wait3A_421, %dma_wait3A_428] : memref<2x640xi32, #tpu.memory_space<vmem>> -> memref<1x128xi32, #tpu.memory_space<vmem>>
    %dma_wait3A_430 = tpu.memref_squeeze %dma_wait3A_429 : memref<1x128xi32, #tpu.memory_space<vmem>> -> memref<128xi32, #tpu.memory_space<vmem>>
    %dma_wait3A_431 = arith.constant 0 : i32
    %dma_wait3A_432 = arith.constant 0 : i32
    %dma_wait3A_433 = tpu.memref_slice %arg5[%dma_wait3A_431, %dma_wait3A_432] : memref<1000000x64xf32, #tpu.memory_space<hbm>> -> memref<1000000x64xf32, #tpu.memory_space<hbm>>
    %dma_wait3A_434 = tpu.memref_slice %arg12[%dma_wait3A_423] : memref<2x!tpu.dma_semaphore, #tpu.memory_space<semaphore_mem>> -> memref<1x!tpu.dma_semaphore, #tpu.memory_space<semaphore_mem>>
    %dma_wait3A_435 = tpu.memref_squeeze %dma_wait3A_434 : memref<1x!tpu.dma_semaphore, #tpu.memory_space<semaphore_mem>> -> memref<!tpu.dma_semaphore, #tpu.memory_space<semaphore_mem>>
    tpu.wait_indirect_dma semaphore(%dma_wait3A_435 : memref<!tpu.dma_semaphore, #tpu.memory_space<semaphore_mem>>) src(%dma_wait3A_433 : memref<1000000x64xf32, #tpu.memory_space<hbm>>) dst(%dma_wait3A_427 : memref<128x64xf32, #tpu.memory_space<vmem>>)
    %dma_wait3A_436 = arith.constant 1 : i32
    %dma_wait3A_437 = arith.constant 1 : i32
    %dma_wait3A_438 = arith.constant 1 : i32
    %dma_wait3A_439 = arith.constant 256 : i32
    %dma_wait3A_440 = arith.constant 0 : i32
    %dma_wait3A_441 = tpu.memref_slice %arg10[%dma_wait3A_437, %dma_wait3A_439, %dma_wait3A_440] : memref<2x640x64xf32, #tpu.memory_space<vmem>> -> memref<1x128x64xf32, #tpu.memory_space<vmem>>
    %dma_wait3A_442 = tpu.memref_squeeze %dma_wait3A_441 : memref<1x128x64xf32, #tpu.memory_space<vmem>> -> memref<128x64xf32, #tpu.memory_space<vmem>>
    %dma_wait3A_443 = arith.constant 256 : i32
    %dma_wait3A_444 = tpu.memref_slice %arg8[%dma_wait3A_436, %dma_wait3A_443] : memref<2x640xi32, #tpu.memory_space<vmem>> -> memref<1x128xi32, #tpu.memory_space<vmem>>
    %dma_wait3A_445 = tpu.memref_squeeze %dma_wait3A_444 : memref<1x128xi32, #tpu.memory_space<vmem>> -> memref<128xi32, #tpu.memory_space<vmem>>
    %dma_wait3A_446 = arith.constant 0 : i32
    %dma_wait3A_447 = arith.constant 0 : i32
    %dma_wait3A_448 = tpu.memref_slice %arg5[%dma_wait3A_446, %dma_wait3A_447] : memref<1000000x64xf32, #tpu.memory_space<hbm>> -> memref<1000000x64xf32, #tpu.memory_space<hbm>>
    %dma_wait3A_449 = tpu.memref_slice %arg12[%dma_wait3A_438] : memref<2x!tpu.dma_semaphore, #tpu.memory_space<semaphore_mem>> -> memref<1x!tpu.dma_semaphore, #tpu.memory_space<semaphore_mem>>
    %dma_wait3A_450 = tpu.memref_squeeze %dma_wait3A_449 : memref<1x!tpu.dma_semaphore, #tpu.memory_space<semaphore_mem>> -> memref<!tpu.dma_semaphore, #tpu.memory_space<semaphore_mem>>
    tpu.wait_indirect_dma semaphore(%dma_wait3A_450 : memref<!tpu.dma_semaphore, #tpu.memory_space<semaphore_mem>>) src(%dma_wait3A_448 : memref<1000000x64xf32, #tpu.memory_space<hbm>>) dst(%dma_wait3A_442 : memref<128x64xf32, #tpu.memory_space<vmem>>)
    %dma_wait3A_451 = arith.constant 1 : i32
    %dma_wait3A_452 = arith.constant 1 : i32
    %dma_wait3A_453 = arith.constant 1 : i32
    %dma_wait3A_454 = arith.constant 384 : i32
    %dma_wait3A_455 = arith.constant 0 : i32
    %dma_wait3A_456 = tpu.memref_slice %arg10[%dma_wait3A_452, %dma_wait3A_454, %dma_wait3A_455] : memref<2x640x64xf32, #tpu.memory_space<vmem>> -> memref<1x128x64xf32, #tpu.memory_space<vmem>>
    %dma_wait3A_457 = tpu.memref_squeeze %dma_wait3A_456 : memref<1x128x64xf32, #tpu.memory_space<vmem>> -> memref<128x64xf32, #tpu.memory_space<vmem>>
    %dma_wait3A_458 = arith.constant 384 : i32
    %dma_wait3A_459 = tpu.memref_slice %arg8[%dma_wait3A_451, %dma_wait3A_458] : memref<2x640xi32, #tpu.memory_space<vmem>> -> memref<1x128xi32, #tpu.memory_space<vmem>>
    %dma_wait3A_460 = tpu.memref_squeeze %dma_wait3A_459 : memref<1x128xi32, #tpu.memory_space<vmem>> -> memref<128xi32, #tpu.memory_space<vmem>>
    %dma_wait3A_461 = arith.constant 0 : i32
    %dma_wait3A_462 = arith.constant 0 : i32
    %dma_wait3A_463 = tpu.memref_slice %arg5[%dma_wait3A_461, %dma_wait3A_462] : memref<1000000x64xf32, #tpu.memory_space<hbm>> -> memref<1000000x64xf32, #tpu.memory_space<hbm>>
    %dma_wait3A_464 = tpu.memref_slice %arg12[%dma_wait3A_453] : memref<2x!tpu.dma_semaphore, #tpu.memory_space<semaphore_mem>> -> memref<1x!tpu.dma_semaphore, #tpu.memory_space<semaphore_mem>>
    %dma_wait3A_465 = tpu.memref_squeeze %dma_wait3A_464 : memref<1x!tpu.dma_semaphore, #tpu.memory_space<semaphore_mem>> -> memref<!tpu.dma_semaphore, #tpu.memory_space<semaphore_mem>>
    tpu.wait_indirect_dma semaphore(%dma_wait3A_465 : memref<!tpu.dma_semaphore, #tpu.memory_space<semaphore_mem>>) src(%dma_wait3A_463 : memref<1000000x64xf32, #tpu.memory_space<hbm>>) dst(%dma_wait3A_457 : memref<128x64xf32, #tpu.memory_space<vmem>>)
    %dma_wait3A_466 = arith.constant 1 : i32
    %dma_wait3A_467 = arith.constant 1 : i32
    %dma_wait3A_468 = arith.constant 1 : i32
    %dma_wait3A_469 = arith.constant 512 : i32
    %dma_wait3A_470 = arith.constant 0 : i32
    %dma_wait3A_471 = tpu.memref_slice %arg10[%dma_wait3A_467, %dma_wait3A_469, %dma_wait3A_470] : memref<2x640x64xf32, #tpu.memory_space<vmem>> -> memref<1x128x64xf32, #tpu.memory_space<vmem>>
    %dma_wait3A_472 = tpu.memref_squeeze %dma_wait3A_471 : memref<1x128x64xf32, #tpu.memory_space<vmem>> -> memref<128x64xf32, #tpu.memory_space<vmem>>
    %dma_wait3A_473 = arith.constant 512 : i32
    %dma_wait3A_474 = tpu.memref_slice %arg8[%dma_wait3A_466, %dma_wait3A_473] : memref<2x640xi32, #tpu.memory_space<vmem>> -> memref<1x128xi32, #tpu.memory_space<vmem>>
    %dma_wait3A_475 = tpu.memref_squeeze %dma_wait3A_474 : memref<1x128xi32, #tpu.memory_space<vmem>> -> memref<128xi32, #tpu.memory_space<vmem>>
    %dma_wait3A_476 = arith.constant 0 : i32
    %dma_wait3A_477 = arith.constant 0 : i32
    %dma_wait3A_478 = tpu.memref_slice %arg5[%dma_wait3A_476, %dma_wait3A_477] : memref<1000000x64xf32, #tpu.memory_space<hbm>> -> memref<1000000x64xf32, #tpu.memory_space<hbm>>
    %dma_wait3A_479 = tpu.memref_slice %arg12[%dma_wait3A_468] : memref<2x!tpu.dma_semaphore, #tpu.memory_space<semaphore_mem>> -> memref<1x!tpu.dma_semaphore, #tpu.memory_space<semaphore_mem>>
    %dma_wait3A_480 = tpu.memref_squeeze %dma_wait3A_479 : memref<1x!tpu.dma_semaphore, #tpu.memory_space<semaphore_mem>> -> memref<!tpu.dma_semaphore, #tpu.memory_space<semaphore_mem>>
    tpu.wait_indirect_dma semaphore(%dma_wait3A_480 : memref<!tpu.dma_semaphore, #tpu.memory_space<semaphore_mem>>) src(%dma_wait3A_478 : memref<1000000x64xf32, #tpu.memory_space<hbm>>) dst(%dma_wait3A_472 : memref<128x64xf32, #tpu.memory_space<vmem>>)
    %iota3A_481 = tpu.iota {dimensions = array<i32: 0>} : vector<16xi32>
    %scan3A_482 = arith.constant 0 : i32
    %scan3A_483 = arith.constant 0 : i32
    %scan3A_484 = arith.constant 8 : i32
    %scan3A_485 = arith.addi %scan3A_483, %scan3A_484 : i32
    %scan3A_486 = arith.constant 1 : i32
    %scan3A_487 = scf.for %scan3A_794 = %scan3A_483 to %scan3A_485 step %scan3A_486 iter_args(%scan3A_795 = %scan3A_482) -> (i32)  : i32 {
      %mul3A_796 = arith.constant 16 : i32
      %mul3A_797 = arith.muli %scan3A_794, %mul3A_796 : i32
      %add3A_798 = vector.broadcast %mul3A_797 : i32 to vector<16xi32>
      %add3A_799 = arith.addi %iota3A_481, %add3A_798 : vector<16xi32>
      %mul3A_800 = arith.constant 5 : i32
      %mul3A_801 = vector.broadcast %mul3A_800 : i32 to vector<16xi32>
      %mul3A_802 = arith.muli %add3A_799, %mul3A_801 : vector<16xi32>
      %broadcast_in_dim3A = arith.constant 0.000000e+00 : f32
      %broadcast_in_dim3A_803 = vector.broadcast %broadcast_in_dim3A : f32 to vector<16xf32>
      %broadcast_in_dim3A_804 = arith.constant 0.000000e+00 : f32
      %broadcast_in_dim3A_805 = vector.broadcast %broadcast_in_dim3A_804 : f32 to vector<16xf32>
      %broadcast_in_dim3A_806 = arith.constant 0.000000e+00 : f32
      %broadcast_in_dim3A_807 = vector.broadcast %broadcast_in_dim3A_806 : f32 to vector<16xf32>
      %broadcast_in_dim3A_808 = arith.constant 0.000000e+00 : f32
      %broadcast_in_dim3A_809 = vector.broadcast %broadcast_in_dim3A_808 : f32 to vector<16xf32>
      %broadcast_in_dim3A_810 = arith.constant 0.000000e+00 : f32
      %broadcast_in_dim3A_811 = vector.broadcast %broadcast_in_dim3A_810 : f32 to vector<16xf32>
      %scan3A_812 = arith.constant 0 : i32
      %scan3A_813 = arith.constant 64 : i32
      %scan3A_814 = arith.addi %scan3A_812, %scan3A_813 : i32
      %scan3A_815 = arith.constant 4 : i32
      %scan3A_816:5 = scf.for %scan3A_853 = %scan3A_812 to %scan3A_814 step %scan3A_815 iter_args(%scan3A_854 = %broadcast_in_dim3A_803, %scan3A_855 = %broadcast_in_dim3A_805, %scan3A_856 = %broadcast_in_dim3A_807, %scan3A_857 = %broadcast_in_dim3A_809, %scan3A_858 = %broadcast_in_dim3A_811) -> (vector<16xf32>, vector<16xf32>, vector<16xf32>, vector<16xf32>, vector<16xf32>)  : i32 {
        %broadcast_in_dim3A_859 = arith.constant 0 : i32
        %broadcast_in_dim3A_860 = vector.broadcast %broadcast_in_dim3A_859 : i32 to vector<16xi32>
        %add3A_861 = vector.broadcast %scan3A_853 : i32 to vector<16xi32>
        %add3A_862 = arith.addi %broadcast_in_dim3A_860, %add3A_861 : vector<16xi32>
        %gather3A = arith.constant 1 : i32
        %gather3A_863 = arith.constant 0 : i32
        %gather3A_864 = arith.constant 0 : i32
        %gather3A_865 = tpu.memref_slice %arg9[%gather3A, %gather3A_863, %gather3A_864] : memref<2x128x64xf32, #tpu.memory_space<vmem>> -> memref<1x128x64xf32, #tpu.memory_space<vmem>>
        %gather3A_866 = tpu.memref_squeeze %gather3A_865 : memref<1x128x64xf32, #tpu.memory_space<vmem>> -> memref<128x64xf32, #tpu.memory_space<vmem>>
        %gather3A_867 = tpu.vector_load_idx %gather3A_866[%add3A_799, %add3A_862] : memref<128x64xf32, #tpu.memory_space<vmem>>[vector<16xi32>, vector<16xi32>], vector<16xf32>,
        %add3A_868 = arith.constant 0 : i32
        %add3A_869 = vector.broadcast %add3A_868 : i32 to vector<16xi32>
        %add3A_870 = arith.addi %mul3A_802, %add3A_869 : vector<16xi32>
        %gather3A_871 = arith.constant 1 : i32
        %gather3A_872 = arith.constant 0 : i32
        %gather3A_873 = arith.constant 0 : i32
        %gather3A_874 = tpu.memref_slice %arg10[%gather3A_871, %gather3A_872, %gather3A_873] : memref<2x640x64xf32, #tpu.memory_space<vmem>> -> memref<1x640x64xf32, #tpu.memory_space<vmem>>
        %gather3A_875 = tpu.memref_squeeze %gather3A_874 : memref<1x640x64xf32, #tpu.memory_space<vmem>> -> memref<640x64xf32, #tpu.memory_space<vmem>>
        %gather3A_876 = tpu.vector_load_idx %gather3A_875[%add3A_870, %add3A_862] : memref<640x64xf32, #tpu.memory_space<vmem>>[vector<16xi32>, vector<16xi32>], vector<16xf32>,
        %mul3A_877 = arith.mulf %gather3A_867, %gather3A_876 : vector<16xf32>
        %add3A_878 = arith.addf %scan3A_854, %mul3A_877 : vector<16xf32>
        %add3A_879 = arith.constant 1 : i32
        %add3A_880 = vector.broadcast %add3A_879 : i32 to vector<16xi32>
        %add3A_881 = arith.addi %mul3A_802, %add3A_880 : vector<16xi32>
        %gather3A_882 = arith.constant 1 : i32
        %gather3A_883 = arith.constant 0 : i32
        %gather3A_884 = arith.constant 0 : i32
        %gather3A_885 = tpu.memref_slice %arg10[%gather3A_882, %gather3A_883, %gather3A_884] : memref<2x640x64xf32, #tpu.memory_space<vmem>> -> memref<1x640x64xf32, #tpu.memory_space<vmem>>
        %gather3A_886 = tpu.memref_squeeze %gather3A_885 : memref<1x640x64xf32, #tpu.memory_space<vmem>> -> memref<640x64xf32, #tpu.memory_space<vmem>>
        %gather3A_887 = tpu.vector_load_idx %gather3A_886[%add3A_881, %add3A_862] : memref<640x64xf32, #tpu.memory_space<vmem>>[vector<16xi32>, vector<16xi32>], vector<16xf32>,
        %mul3A_888 = arith.mulf %gather3A_867, %gather3A_887 : vector<16xf32>
        %add3A_889 = arith.addf %scan3A_855, %mul3A_888 : vector<16xf32>
        %add3A_890 = arith.constant 2 : i32
        %add3A_891 = vector.broadcast %add3A_890 : i32 to vector<16xi32>
        %add3A_892 = arith.addi %mul3A_802, %add3A_891 : vector<16xi32>
        %gather3A_893 = arith.constant 1 : i32
        %gather3A_894 = arith.constant 0 : i32
        %gather3A_895 = arith.constant 0 : i32
        %gather3A_896 = tpu.memref_slice %arg10[%gather3A_893, %gather3A_894, %gather3A_895] : memref<2x640x64xf32, #tpu.memory_space<vmem>> -> memref<1x640x64xf32, #tpu.memory_space<vmem>>
        %gather3A_897 = tpu.memref_squeeze %gather3A_896 : memref<1x640x64xf32, #tpu.memory_space<vmem>> -> memref<640x64xf32, #tpu.memory_space<vmem>>
        %gather3A_898 = tpu.vector_load_idx %gather3A_897[%add3A_892, %add3A_862] : memref<640x64xf32, #tpu.memory_space<vmem>>[vector<16xi32>, vector<16xi32>], vector<16xf32>,
        %mul3A_899 = arith.mulf %gather3A_867, %gather3A_898 : vector<16xf32>
        %add3A_900 = arith.addf %scan3A_856, %mul3A_899 : vector<16xf32>
        %add3A_901 = arith.constant 3 : i32
        %add3A_902 = vector.broadcast %add3A_901 : i32 to vector<16xi32>
        %add3A_903 = arith.addi %mul3A_802, %add3A_902 : vector<16xi32>
        %gather3A_904 = arith.constant 1 : i32
        %gather3A_905 = arith.constant 0 : i32
        %gather3A_906 = arith.constant 0 : i32
        %gather3A_907 = tpu.memref_slice %arg10[%gather3A_904, %gather3A_905, %gather3A_906] : memref<2x640x64xf32, #tpu.memory_space<vmem>> -> memref<1x640x64xf32, #tpu.memory_space<vmem>>
        %gather3A_908 = tpu.memref_squeeze %gather3A_907 : memref<1x640x64xf32, #tpu.memory_space<vmem>> -> memref<640x64xf32, #tpu.memory_space<vmem>>
        %gather3A_909 = tpu.vector_load_idx %gather3A_908[%add3A_903, %add3A_862] : memref<640x64xf32, #tpu.memory_space<vmem>>[vector<16xi32>, vector<16xi32>], vector<16xf32>,
        %mul3A_910 = arith.mulf %gather3A_867, %gather3A_909 : vector<16xf32>
        %add3A_911 = arith.addf %scan3A_857, %mul3A_910 : vector<16xf32>
        %add3A_912 = arith.constant 4 : i32
        %add3A_913 = vector.broadcast %add3A_912 : i32 to vector<16xi32>
        %add3A_914 = arith.addi %mul3A_802, %add3A_913 : vector<16xi32>
        %gather3A_915 = arith.constant 1 : i32
        %gather3A_916 = arith.constant 0 : i32
        %gather3A_917 = arith.constant 0 : i32
        %gather3A_918 = tpu.memref_slice %arg10[%gather3A_915, %gather3A_916, %gather3A_917] : memref<2x640x64xf32, #tpu.memory_space<vmem>> -> memref<1x640x64xf32, #tpu.memory_space<vmem>>
        %gather3A_919 = tpu.memref_squeeze %gather3A_918 : memref<1x640x64xf32, #tpu.memory_space<vmem>> -> memref<640x64xf32, #tpu.memory_space<vmem>>
        %gather3A_920 = tpu.vector_load_idx %gather3A_919[%add3A_914, %add3A_862] : memref<640x64xf32, #tpu.memory_space<vmem>>[vector<16xi32>, vector<16xi32>], vector<16xf32>,
        %mul3A_921 = arith.mulf %gather3A_867, %gather3A_920 : vector<16xf32>
        %add3A_922 = arith.addf %scan3A_858, %mul3A_921 : vector<16xf32>
        %scan3A_923 = arith.constant 1 : i32
        %scan3A_924 = arith.addi %scan3A_853, %scan3A_923 : i32
        %broadcast_in_dim3A_925 = arith.constant 0 : i32
        %broadcast_in_dim3A_926 = vector.broadcast %broadcast_in_dim3A_925 : i32 to vector<16xi32>
        %add3A_927 = vector.broadcast %scan3A_924 : i32 to vector<16xi32>
        %add3A_928 = arith.addi %broadcast_in_dim3A_926, %add3A_927 : vector<16xi32>
        %gather3A_929 = arith.constant 1 : i32
        %gather3A_930 = arith.constant 0 : i32
        %gather3A_931 = arith.constant 0 : i32
        %gather3A_932 = tpu.memref_slice %arg9[%gather3A_929, %gather3A_930, %gather3A_931] : memref<2x128x64xf32, #tpu.memory_space<vmem>> -> memref<1x128x64xf32, #tpu.memory_space<vmem>>
        %gather3A_933 = tpu.memref_squeeze %gather3A_932 : memref<1x128x64xf32, #tpu.memory_space<vmem>> -> memref<128x64xf32, #tpu.memory_space<vmem>>
        %gather3A_934 = tpu.vector_load_idx %gather3A_933[%add3A_799, %add3A_928] : memref<128x64xf32, #tpu.memory_space<vmem>>[vector<16xi32>, vector<16xi32>], vector<16xf32>,
        %add3A_935 = arith.constant 0 : i32
        %add3A_936 = vector.broadcast %add3A_935 : i32 to vector<16xi32>
        %add3A_937 = arith.addi %mul3A_802, %add3A_936 : vector<16xi32>
        %gather3A_938 = arith.constant 1 : i32
        %gather3A_939 = arith.constant 0 : i32
        %gather3A_940 = arith.constant 0 : i32
        %gather3A_941 = tpu.memref_slice %arg10[%gather3A_938, %gather3A_939, %gather3A_940] : memref<2x640x64xf32, #tpu.memory_space<vmem>> -> memref<1x640x64xf32, #tpu.memory_space<vmem>>
        %gather3A_942 = tpu.memref_squeeze %gather3A_941 : memref<1x640x64xf32, #tpu.memory_space<vmem>> -> memref<640x64xf32, #tpu.memory_space<vmem>>
        %gather3A_943 = tpu.vector_load_idx %gather3A_942[%add3A_937, %add3A_928] : memref<640x64xf32, #tpu.memory_space<vmem>>[vector<16xi32>, vector<16xi32>], vector<16xf32>,
        %mul3A_944 = arith.mulf %gather3A_934, %gather3A_943 : vector<16xf32>
        %add3A_945 = arith.addf %add3A_878, %mul3A_944 : vector<16xf32>
        %add3A_946 = arith.constant 1 : i32
        %add3A_947 = vector.broadcast %add3A_946 : i32 to vector<16xi32>
        %add3A_948 = arith.addi %mul3A_802, %add3A_947 : vector<16xi32>
        %gather3A_949 = arith.constant 1 : i32
        %gather3A_950 = arith.constant 0 : i32
        %gather3A_951 = arith.constant 0 : i32
        %gather3A_952 = tpu.memref_slice %arg10[%gather3A_949, %gather3A_950, %gather3A_951] : memref<2x640x64xf32, #tpu.memory_space<vmem>> -> memref<1x640x64xf32, #tpu.memory_space<vmem>>
        %gather3A_953 = tpu.memref_squeeze %gather3A_952 : memref<1x640x64xf32, #tpu.memory_space<vmem>> -> memref<640x64xf32, #tpu.memory_space<vmem>>
        %gather3A_954 = tpu.vector_load_idx %gather3A_953[%add3A_948, %add3A_928] : memref<640x64xf32, #tpu.memory_space<vmem>>[vector<16xi32>, vector<16xi32>], vector<16xf32>,
        %mul3A_955 = arith.mulf %gather3A_934, %gather3A_954 : vector<16xf32>
        %add3A_956 = arith.addf %add3A_889, %mul3A_955 : vector<16xf32>
        %add3A_957 = arith.constant 2 : i32
        %add3A_958 = vector.broadcast %add3A_957 : i32 to vector<16xi32>
        %add3A_959 = arith.addi %mul3A_802, %add3A_958 : vector<16xi32>
        %gather3A_960 = arith.constant 1 : i32
        %gather3A_961 = arith.constant 0 : i32
        %gather3A_962 = arith.constant 0 : i32
        %gather3A_963 = tpu.memref_slice %arg10[%gather3A_960, %gather3A_961, %gather3A_962] : memref<2x640x64xf32, #tpu.memory_space<vmem>> -> memref<1x640x64xf32, #tpu.memory_space<vmem>>
        %gather3A_964 = tpu.memref_squeeze %gather3A_963 : memref<1x640x64xf32, #tpu.memory_space<vmem>> -> memref<640x64xf32, #tpu.memory_space<vmem>>
        %gather3A_965 = tpu.vector_load_idx %gather3A_964[%add3A_959, %add3A_928] : memref<640x64xf32, #tpu.memory_space<vmem>>[vector<16xi32>, vector<16xi32>], vector<16xf32>,
        %mul3A_966 = arith.mulf %gather3A_934, %gather3A_965 : vector<16xf32>
        %add3A_967 = arith.addf %add3A_900, %mul3A_966 : vector<16xf32>
        %add3A_968 = arith.constant 3 : i32
        %add3A_969 = vector.broadcast %add3A_968 : i32 to vector<16xi32>
        %add3A_970 = arith.addi %mul3A_802, %add3A_969 : vector<16xi32>
        %gather3A_971 = arith.constant 1 : i32
        %gather3A_972 = arith.constant 0 : i32
        %gather3A_973 = arith.constant 0 : i32
        %gather3A_974 = tpu.memref_slice %arg10[%gather3A_971, %gather3A_972, %gather3A_973] : memref<2x640x64xf32, #tpu.memory_space<vmem>> -> memref<1x640x64xf32, #tpu.memory_space<vmem>>
        %gather3A_975 = tpu.memref_squeeze %gather3A_974 : memref<1x640x64xf32, #tpu.memory_space<vmem>> -> memref<640x64xf32, #tpu.memory_space<vmem>>
        %gather3A_976 = tpu.vector_load_idx %gather3A_975[%add3A_970, %add3A_928] : memref<640x64xf32, #tpu.memory_space<vmem>>[vector<16xi32>, vector<16xi32>], vector<16xf32>,
        %mul3A_977 = arith.mulf %gather3A_934, %gather3A_976 : vector<16xf32>
        %add3A_978 = arith.addf %add3A_911, %mul3A_977 : vector<16xf32>
        %add3A_979 = arith.constant 4 : i32
        %add3A_980 = vector.broadcast %add3A_979 : i32 to vector<16xi32>
        %add3A_981 = arith.addi %mul3A_802, %add3A_980 : vector<16xi32>
        %gather3A_982 = arith.constant 1 : i32
        %gather3A_983 = arith.constant 0 : i32
        %gather3A_984 = arith.constant 0 : i32
        %gather3A_985 = tpu.memref_slice %arg10[%gather3A_982, %gather3A_983, %gather3A_984] : memref<2x640x64xf32, #tpu.memory_space<vmem>> -> memref<1x640x64xf32, #tpu.memory_space<vmem>>
        %gather3A_986 = tpu.memref_squeeze %gather3A_985 : memref<1x640x64xf32, #tpu.memory_space<vmem>> -> memref<640x64xf32, #tpu.memory_space<vmem>>
        %gather3A_987 = tpu.vector_load_idx %gather3A_986[%add3A_981, %add3A_928] : memref<640x64xf32, #tpu.memory_space<vmem>>[vector<16xi32>, vector<16xi32>], vector<16xf32>,
        %mul3A_988 = arith.mulf %gather3A_934, %gather3A_987 : vector<16xf32>
        %add3A_989 = arith.addf %add3A_922, %mul3A_988 : vector<16xf32>
        %scan3A_990 = arith.constant 2 : i32
        %scan3A_991 = arith.addi %scan3A_853, %scan3A_990 : i32
        %broadcast_in_dim3A_992 = arith.constant 0 : i32
        %broadcast_in_dim3A_993 = vector.broadcast %broadcast_in_dim3A_992 : i32 to vector<16xi32>
        %add3A_994 = vector.broadcast %scan3A_991 : i32 to vector<16xi32>
        %add3A_995 = arith.addi %broadcast_in_dim3A_993, %add3A_994 : vector<16xi32>
        %gather3A_996 = arith.constant 1 : i32
        %gather3A_997 = arith.constant 0 : i32
        %gather3A_998 = arith.constant 0 : i32
        %gather3A_999 = tpu.memref_slice %arg9[%gather3A_996, %gather3A_997, %gather3A_998] : memref<2x128x64xf32, #tpu.memory_space<vmem>> -> memref<1x128x64xf32, #tpu.memory_space<vmem>>
        %gather3A_1000 = tpu.memref_squeeze %gather3A_999 : memref<1x128x64xf32, #tpu.memory_space<vmem>> -> memref<128x64xf32, #tpu.memory_space<vmem>>
        %gather3A_1001 = tpu.vector_load_idx %gather3A_1000[%add3A_799, %add3A_995] : memref<128x64xf32, #tpu.memory_space<vmem>>[vector<16xi32>, vector<16xi32>], vector<16xf32>,
        %add3A_1002 = arith.constant 0 : i32
        %add3A_1003 = vector.broadcast %add3A_1002 : i32 to vector<16xi32>
        %add3A_1004 = arith.addi %mul3A_802, %add3A_1003 : vector<16xi32>
        %gather3A_1005 = arith.constant 1 : i32
        %gather3A_1006 = arith.constant 0 : i32
        %gather3A_1007 = arith.constant 0 : i32
        %gather3A_1008 = tpu.memref_slice %arg10[%gather3A_1005, %gather3A_1006, %gather3A_1007] : memref<2x640x64xf32, #tpu.memory_space<vmem>> -> memref<1x640x64xf32, #tpu.memory_space<vmem>>
        %gather3A_1009 = tpu.memref_squeeze %gather3A_1008 : memref<1x640x64xf32, #tpu.memory_space<vmem>> -> memref<640x64xf32, #tpu.memory_space<vmem>>
        %gather3A_1010 = tpu.vector_load_idx %gather3A_1009[%add3A_1004, %add3A_995] : memref<640x64xf32, #tpu.memory_space<vmem>>[vector<16xi32>, vector<16xi32>], vector<16xf32>,
        %mul3A_1011 = arith.mulf %gather3A_1001, %gather3A_1010 : vector<16xf32>
        %add3A_1012 = arith.addf %add3A_945, %mul3A_1011 : vector<16xf32>
        %add3A_1013 = arith.constant 1 : i32
        %add3A_1014 = vector.broadcast %add3A_1013 : i32 to vector<16xi32>
        %add3A_1015 = arith.addi %mul3A_802, %add3A_1014 : vector<16xi32>
        %gather3A_1016 = arith.constant 1 : i32
        %gather3A_1017 = arith.constant 0 : i32
        %gather3A_1018 = arith.constant 0 : i32
        %gather3A_1019 = tpu.memref_slice %arg10[%gather3A_1016, %gather3A_1017, %gather3A_1018] : memref<2x640x64xf32, #tpu.memory_space<vmem>> -> memref<1x640x64xf32, #tpu.memory_space<vmem>>
        %gather3A_1020 = tpu.memref_squeeze %gather3A_1019 : memref<1x640x64xf32, #tpu.memory_space<vmem>> -> memref<640x64xf32, #tpu.memory_space<vmem>>
        %gather3A_1021 = tpu.vector_load_idx %gather3A_1020[%add3A_1015, %add3A_995] : memref<640x64xf32, #tpu.memory_space<vmem>>[vector<16xi32>, vector<16xi32>], vector<16xf32>,
        %mul3A_1022 = arith.mulf %gather3A_1001, %gather3A_1021 : vector<16xf32>
        %add3A_1023 = arith.addf %add3A_956, %mul3A_1022 : vector<16xf32>
        %add3A_1024 = arith.constant 2 : i32
        %add3A_1025 = vector.broadcast %add3A_1024 : i32 to vector<16xi32>
        %add3A_1026 = arith.addi %mul3A_802, %add3A_1025 : vector<16xi32>
        %gather3A_1027 = arith.constant 1 : i32
        %gather3A_1028 = arith.constant 0 : i32
        %gather3A_1029 = arith.constant 0 : i32
        %gather3A_1030 = tpu.memref_slice %arg10[%gather3A_1027, %gather3A_1028, %gather3A_1029] : memref<2x640x64xf32, #tpu.memory_space<vmem>> -> memref<1x640x64xf32, #tpu.memory_space<vmem>>
        %gather3A_1031 = tpu.memref_squeeze %gather3A_1030 : memref<1x640x64xf32, #tpu.memory_space<vmem>> -> memref<640x64xf32, #tpu.memory_space<vmem>>
        %gather3A_1032 = tpu.vector_load_idx %gather3A_1031[%add3A_1026, %add3A_995] : memref<640x64xf32, #tpu.memory_space<vmem>>[vector<16xi32>, vector<16xi32>], vector<16xf32>,
        %mul3A_1033 = arith.mulf %gather3A_1001, %gather3A_1032 : vector<16xf32>
        %add3A_1034 = arith.addf %add3A_967, %mul3A_1033 : vector<16xf32>
        %add3A_1035 = arith.constant 3 : i32
        %add3A_1036 = vector.broadcast %add3A_1035 : i32 to vector<16xi32>
        %add3A_1037 = arith.addi %mul3A_802, %add3A_1036 : vector<16xi32>
        %gather3A_1038 = arith.constant 1 : i32
        %gather3A_1039 = arith.constant 0 : i32
        %gather3A_1040 = arith.constant 0 : i32
        %gather3A_1041 = tpu.memref_slice %arg10[%gather3A_1038, %gather3A_1039, %gather3A_1040] : memref<2x640x64xf32, #tpu.memory_space<vmem>> -> memref<1x640x64xf32, #tpu.memory_space<vmem>>
        %gather3A_1042 = tpu.memref_squeeze %gather3A_1041 : memref<1x640x64xf32, #tpu.memory_space<vmem>> -> memref<640x64xf32, #tpu.memory_space<vmem>>
        %gather3A_1043 = tpu.vector_load_idx %gather3A_1042[%add3A_1037, %add3A_995] : memref<640x64xf32, #tpu.memory_space<vmem>>[vector<16xi32>, vector<16xi32>], vector<16xf32>,
        %mul3A_1044 = arith.mulf %gather3A_1001, %gather3A_1043 : vector<16xf32>
        %add3A_1045 = arith.addf %add3A_978, %mul3A_1044 : vector<16xf32>
        %add3A_1046 = arith.constant 4 : i32
        %add3A_1047 = vector.broadcast %add3A_1046 : i32 to vector<16xi32>
        %add3A_1048 = arith.addi %mul3A_802, %add3A_1047 : vector<16xi32>
        %gather3A_1049 = arith.constant 1 : i32
        %gather3A_1050 = arith.constant 0 : i32
        %gather3A_1051 = arith.constant 0 : i32
        %gather3A_1052 = tpu.memref_slice %arg10[%gather3A_1049, %gather3A_1050, %gather3A_1051] : memref<2x640x64xf32, #tpu.memory_space<vmem>> -> memref<1x640x64xf32, #tpu.memory_space<vmem>>
        %gather3A_1053 = tpu.memref_squeeze %gather3A_1052 : memref<1x640x64xf32, #tpu.memory_space<vmem>> -> memref<640x64xf32, #tpu.memory_space<vmem>>
        %gather3A_1054 = tpu.vector_load_idx %gather3A_1053[%add3A_1048, %add3A_995] : memref<640x64xf32, #tpu.memory_space<vmem>>[vector<16xi32>, vector<16xi32>], vector<16xf32>,
        %mul3A_1055 = arith.mulf %gather3A_1001, %gather3A_1054 : vector<16xf32>
        %add3A_1056 = arith.addf %add3A_989, %mul3A_1055 : vector<16xf32>
        %scan3A_1057 = arith.constant 3 : i32
        %scan3A_1058 = arith.addi %scan3A_853, %scan3A_1057 : i32
        %broadcast_in_dim3A_1059 = arith.constant 0 : i32
        %broadcast_in_dim3A_1060 = vector.broadcast %broadcast_in_dim3A_1059 : i32 to vector<16xi32>
        %add3A_1061 = vector.broadcast %scan3A_1058 : i32 to vector<16xi32>
        %add3A_1062 = arith.addi %broadcast_in_dim3A_1060, %add3A_1061 : vector<16xi32>
        %gather3A_1063 = arith.constant 1 : i32
        %gather3A_1064 = arith.constant 0 : i32
        %gather3A_1065 = arith.constant 0 : i32
        %gather3A_1066 = tpu.memref_slice %arg9[%gather3A_1063, %gather3A_1064, %gather3A_1065] : memref<2x128x64xf32, #tpu.memory_space<vmem>> -> memref<1x128x64xf32, #tpu.memory_space<vmem>>
        %gather3A_1067 = tpu.memref_squeeze %gather3A_1066 : memref<1x128x64xf32, #tpu.memory_space<vmem>> -> memref<128x64xf32, #tpu.memory_space<vmem>>
        %gather3A_1068 = tpu.vector_load_idx %gather3A_1067[%add3A_799, %add3A_1062] : memref<128x64xf32, #tpu.memory_space<vmem>>[vector<16xi32>, vector<16xi32>], vector<16xf32>,
        %add3A_1069 = arith.constant 0 : i32
        %add3A_1070 = vector.broadcast %add3A_1069 : i32 to vector<16xi32>
        %add3A_1071 = arith.addi %mul3A_802, %add3A_1070 : vector<16xi32>
        %gather3A_1072 = arith.constant 1 : i32
        %gather3A_1073 = arith.constant 0 : i32
        %gather3A_1074 = arith.constant 0 : i32
        %gather3A_1075 = tpu.memref_slice %arg10[%gather3A_1072, %gather3A_1073, %gather3A_1074] : memref<2x640x64xf32, #tpu.memory_space<vmem>> -> memref<1x640x64xf32, #tpu.memory_space<vmem>>
        %gather3A_1076 = tpu.memref_squeeze %gather3A_1075 : memref<1x640x64xf32, #tpu.memory_space<vmem>> -> memref<640x64xf32, #tpu.memory_space<vmem>>
        %gather3A_1077 = tpu.vector_load_idx %gather3A_1076[%add3A_1071, %add3A_1062] : memref<640x64xf32, #tpu.memory_space<vmem>>[vector<16xi32>, vector<16xi32>], vector<16xf32>,
        %mul3A_1078 = arith.mulf %gather3A_1068, %gather3A_1077 : vector<16xf32>
        %add3A_1079 = arith.addf %add3A_1012, %mul3A_1078 : vector<16xf32>
        %add3A_1080 = arith.constant 1 : i32
        %add3A_1081 = vector.broadcast %add3A_1080 : i32 to vector<16xi32>
        %add3A_1082 = arith.addi %mul3A_802, %add3A_1081 : vector<16xi32>
        %gather3A_1083 = arith.constant 1 : i32
        %gather3A_1084 = arith.constant 0 : i32
        %gather3A_1085 = arith.constant 0 : i32
        %gather3A_1086 = tpu.memref_slice %arg10[%gather3A_1083, %gather3A_1084, %gather3A_1085] : memref<2x640x64xf32, #tpu.memory_space<vmem>> -> memref<1x640x64xf32, #tpu.memory_space<vmem>>
        %gather3A_1087 = tpu.memref_squeeze %gather3A_1086 : memref<1x640x64xf32, #tpu.memory_space<vmem>> -> memref<640x64xf32, #tpu.memory_space<vmem>>
        %gather3A_1088 = tpu.vector_load_idx %gather3A_1087[%add3A_1082, %add3A_1062] : memref<640x64xf32, #tpu.memory_space<vmem>>[vector<16xi32>, vector<16xi32>], vector<16xf32>,
        %mul3A_1089 = arith.mulf %gather3A_1068, %gather3A_1088 : vector<16xf32>
        %add3A_1090 = arith.addf %add3A_1023, %mul3A_1089 : vector<16xf32>
        %add3A_1091 = arith.constant 2 : i32
        %add3A_1092 = vector.broadcast %add3A_1091 : i32 to vector<16xi32>
        %add3A_1093 = arith.addi %mul3A_802, %add3A_1092 : vector<16xi32>
        %gather3A_1094 = arith.constant 1 : i32
        %gather3A_1095 = arith.constant 0 : i32
        %gather3A_1096 = arith.constant 0 : i32
        %gather3A_1097 = tpu.memref_slice %arg10[%gather3A_1094, %gather3A_1095, %gather3A_1096] : memref<2x640x64xf32, #tpu.memory_space<vmem>> -> memref<1x640x64xf32, #tpu.memory_space<vmem>>
        %gather3A_1098 = tpu.memref_squeeze %gather3A_1097 : memref<1x640x64xf32, #tpu.memory_space<vmem>> -> memref<640x64xf32, #tpu.memory_space<vmem>>
        %gather3A_1099 = tpu.vector_load_idx %gather3A_1098[%add3A_1093, %add3A_1062] : memref<640x64xf32, #tpu.memory_space<vmem>>[vector<16xi32>, vector<16xi32>], vector<16xf32>,
        %mul3A_1100 = arith.mulf %gather3A_1068, %gather3A_1099 : vector<16xf32>
        %add3A_1101 = arith.addf %add3A_1034, %mul3A_1100 : vector<16xf32>
        %add3A_1102 = arith.constant 3 : i32
        %add3A_1103 = vector.broadcast %add3A_1102 : i32 to vector<16xi32>
        %add3A_1104 = arith.addi %mul3A_802, %add3A_1103 : vector<16xi32>
        %gather3A_1105 = arith.constant 1 : i32
        %gather3A_1106 = arith.constant 0 : i32
        %gather3A_1107 = arith.constant 0 : i32
        %gather3A_1108 = tpu.memref_slice %arg10[%gather3A_1105, %gather3A_1106, %gather3A_1107] : memref<2x640x64xf32, #tpu.memory_space<vmem>> -> memref<1x640x64xf32, #tpu.memory_space<vmem>>
        %gather3A_1109 = tpu.memref_squeeze %gather3A_1108 : memref<1x640x64xf32, #tpu.memory_space<vmem>> -> memref<640x64xf32, #tpu.memory_space<vmem>>
        %gather3A_1110 = tpu.vector_load_idx %gather3A_1109[%add3A_1104, %add3A_1062] : memref<640x64xf32, #tpu.memory_space<vmem>>[vector<16xi32>, vector<16xi32>], vector<16xf32>,
        %mul3A_1111 = arith.mulf %gather3A_1068, %gather3A_1110 : vector<16xf32>
        %add3A_1112 = arith.addf %add3A_1045, %mul3A_1111 : vector<16xf32>
        %add3A_1113 = arith.constant 4 : i32
        %add3A_1114 = vector.broadcast %add3A_1113 : i32 to vector<16xi32>
        %add3A_1115 = arith.addi %mul3A_802, %add3A_1114 : vector<16xi32>
        %gather3A_1116 = arith.constant 1 : i32
        %gather3A_1117 = arith.constant 0 : i32
        %gather3A_1118 = arith.constant 0 : i32
        %gather3A_1119 = tpu.memref_slice %arg10[%gather3A_1116, %gather3A_1117, %gather3A_1118] : memref<2x640x64xf32, #tpu.memory_space<vmem>> -> memref<1x640x64xf32, #tpu.memory_space<vmem>>
        %gather3A_1120 = tpu.memref_squeeze %gather3A_1119 : memref<1x640x64xf32, #tpu.memory_space<vmem>> -> memref<640x64xf32, #tpu.memory_space<vmem>>
        %gather3A_1121 = tpu.vector_load_idx %gather3A_1120[%add3A_1115, %add3A_1062] : memref<640x64xf32, #tpu.memory_space<vmem>>[vector<16xi32>, vector<16xi32>], vector<16xf32>,
        %mul3A_1122 = arith.mulf %gather3A_1068, %gather3A_1121 : vector<16xf32>
        %add3A_1123 = arith.addf %add3A_1056, %mul3A_1122 : vector<16xf32>
        scf.yield %add3A_1079, %add3A_1090, %add3A_1101, %add3A_1112, %add3A_1123 : vector<16xf32>, vector<16xf32>, vector<16xf32>, vector<16xf32>, vector<16xf32>
      }
      %scan3A_817 = arith.constant 64 : i32
      %add3A_818 = arith.constant 0 : i32
      %add3A_819 = vector.broadcast %add3A_818 : i32 to vector<16xi32>
      %add3A_820 = arith.addi %mul3A_802, %add3A_819 : vector<16xi32>
      %scatter3A = arith.constant 1 : i32
      %scatter3A_821 = arith.constant 0 : i32
      %scatter3A_822 = tpu.memref_slice %arg11[%scatter3A, %scatter3A_821] : memref<2x640xf32, #tpu.memory_space<vmem>> -> memref<1x640xf32, #tpu.memory_space<vmem>>
      %scatter3A_823 = tpu.memref_squeeze %scatter3A_822 : memref<1x640xf32, #tpu.memory_space<vmem>> -> memref<640xf32, #tpu.memory_space<vmem>>
      tpu.vector_store_idx %scatter3A_823[%add3A_820], %scan3A_816#0 : memref<640xf32, #tpu.memory_space<vmem>>[vector<16xi32>], vector<16xf32>,
      %add3A_824 = arith.constant 1 : i32
      %add3A_825 = vector.broadcast %add3A_824 : i32 to vector<16xi32>
      %add3A_826 = arith.addi %mul3A_802, %add3A_825 : vector<16xi32>
      %scatter3A_827 = arith.constant 1 : i32
      %scatter3A_828 = arith.constant 0 : i32
      %scatter3A_829 = tpu.memref_slice %arg11[%scatter3A_827, %scatter3A_828] : memref<2x640xf32, #tpu.memory_space<vmem>> -> memref<1x640xf32, #tpu.memory_space<vmem>>
      %scatter3A_830 = tpu.memref_squeeze %scatter3A_829 : memref<1x640xf32, #tpu.memory_space<vmem>> -> memref<640xf32, #tpu.memory_space<vmem>>
      tpu.vector_store_idx %scatter3A_830[%add3A_826], %scan3A_816#1 : memref<640xf32, #tpu.memory_space<vmem>>[vector<16xi32>], vector<16xf32>,
      %add3A_831 = arith.constant 2 : i32
      %add3A_832 = vector.broadcast %add3A_831 : i32 to vector<16xi32>
      %add3A_833 = arith.addi %mul3A_802, %add3A_832 : vector<16xi32>
      %scatter3A_834 = arith.constant 1 : i32
      %scatter3A_835 = arith.constant 0 : i32
      %scatter3A_836 = tpu.memref_slice %arg11[%scatter3A_834, %scatter3A_835] : memref<2x640xf32, #tpu.memory_space<vmem>> -> memref<1x640xf32, #tpu.memory_space<vmem>>
      %scatter3A_837 = tpu.memref_squeeze %scatter3A_836 : memref<1x640xf32, #tpu.memory_space<vmem>> -> memref<640xf32, #tpu.memory_space<vmem>>
      tpu.vector_store_idx %scatter3A_837[%add3A_833], %scan3A_816#2 : memref<640xf32, #tpu.memory_space<vmem>>[vector<16xi32>], vector<16xf32>,
      %add3A_838 = arith.constant 3 : i32
      %add3A_839 = vector.broadcast %add3A_838 : i32 to vector<16xi32>
      %add3A_840 = arith.addi %mul3A_802, %add3A_839 : vector<16xi32>
      %scatter3A_841 = arith.constant 1 : i32
      %scatter3A_842 = arith.constant 0 : i32
      %scatter3A_843 = tpu.memref_slice %arg11[%scatter3A_841, %scatter3A_842] : memref<2x640xf32, #tpu.memory_space<vmem>> -> memref<1x640xf32, #tpu.memory_space<vmem>>
      %scatter3A_844 = tpu.memref_squeeze %scatter3A_843 : memref<1x640xf32, #tpu.memory_space<vmem>> -> memref<640xf32, #tpu.memory_space<vmem>>
      tpu.vector_store_idx %scatter3A_844[%add3A_840], %scan3A_816#3 : memref<640xf32, #tpu.memory_space<vmem>>[vector<16xi32>], vector<16xf32>,
      %add3A_845 = arith.constant 4 : i32
      %add3A_846 = vector.broadcast %add3A_845 : i32 to vector<16xi32>
      %add3A_847 = arith.addi %mul3A_802, %add3A_846 : vector<16xi32>
      %scatter3A_848 = arith.constant 1 : i32
      %scatter3A_849 = arith.constant 0 : i32
      %scatter3A_850 = tpu.memref_slice %arg11[%scatter3A_848, %scatter3A_849] : memref<2x640xf32, #tpu.memory_space<vmem>> -> memref<1x640xf32, #tpu.memory_space<vmem>>
      %scatter3A_851 = tpu.memref_squeeze %scatter3A_850 : memref<1x640xf32, #tpu.memory_space<vmem>> -> memref<640xf32, #tpu.memory_space<vmem>>
      tpu.vector_store_idx %scatter3A_851[%add3A_847], %scan3A_816#4 : memref<640xf32, #tpu.memory_space<vmem>>[vector<16xi32>], vector<16xf32>,
      %scan3A_852 = arith.constant 0 : i32
      scf.yield %scan3A_852 : i32
    }
    %scan3A_488 = arith.constant 8 : i32
    %mul3A_489 = arith.constant 5 : i32
    %mul3A_490 = arith.muli %add3A_390, %mul3A_489 : i32
    %run_scoped3A_491 = arith.constant 1 : i32
    "tpu.region"() ({
      %run_scoped3A_794 = tpu.sem_alloc : memref<!tpu.dma_semaphore, #tpu.memory_space<semaphore_mem>>
      %dma_start3A_795 = arith.constant 0 : i32
      %dma_start3A_796 = tpu.memref_slice %arg11[%run_scoped3A_491, %dma_start3A_795] : memref<2x640xf32, #tpu.memory_space<vmem>> -> memref<1x640xf32, #tpu.memory_space<vmem>>
      %dma_start3A_797 = tpu.memref_squeeze %dma_start3A_796 : memref<1x640xf32, #tpu.memory_space<vmem>> -> memref<640xf32, #tpu.memory_space<vmem>>
      %dma_start3A_798 = tpu.memref_slice %arg6[%mul3A_490] : memref<81920xf32, #tpu.memory_space<hbm>> -> memref<640xf32, #tpu.memory_space<hbm>>
      %dma_start3A_799 = tpu.memref_slice %arg6[%mul3A_490] : memref<81920xf32, #tpu.memory_space<hbm>> -> memref<640xf32, #tpu.memory_space<hbm>>
      %dma_start3A_800 = arith.constant 0 : i32
      %dma_start3A_801 = tpu.memref_slice %arg11[%run_scoped3A_491, %dma_start3A_800] : memref<2x640xf32, #tpu.memory_space<vmem>> -> memref<1x640xf32, #tpu.memory_space<vmem>>
      %dma_start3A_802 = tpu.memref_squeeze %dma_start3A_801 : memref<1x640xf32, #tpu.memory_space<vmem>> -> memref<640xf32, #tpu.memory_space<vmem>>
      tpu.enqueue_dma source(%dma_start3A_802 : memref<640xf32, #tpu.memory_space<vmem>>) target(%dma_start3A_799 : memref<640xf32, #tpu.memory_space<hbm>>) target_semaphore(%run_scoped3A_794 : memref<!tpu.dma_semaphore, #tpu.memory_space<semaphore_mem>>)
      %dma_wait3A_803 = arith.constant 0 : i32
      %dma_wait3A_804 = tpu.memref_slice %arg11[%run_scoped3A_491, %dma_wait3A_803] : memref<2x640xf32, #tpu.memory_space<vmem>> -> memref<1x640xf32, #tpu.memory_space<vmem>>
      %dma_wait3A_805 = tpu.memref_squeeze %dma_wait3A_804 : memref<1x640xf32, #tpu.memory_space<vmem>> -> memref<640xf32, #tpu.memory_space<vmem>>
      %dma_wait3A_806 = tpu.memref_slice %arg6[%mul3A_490] : memref<81920xf32, #tpu.memory_space<hbm>> -> memref<640xf32, #tpu.memory_space<hbm>>
      %dma_wait3A_807 = tpu.memref_slice %arg6[%mul3A_490] : memref<81920xf32, #tpu.memory_space<hbm>> -> memref<640xf32, #tpu.memory_space<hbm>>
      %dma_wait3A_808 = arith.constant 0 : i32
      %dma_wait3A_809 = tpu.memref_slice %arg11[%run_scoped3A_491, %dma_wait3A_808] : memref<2x640xf32, #tpu.memory_space<vmem>> -> memref<1x640xf32, #tpu.memory_space<vmem>>
      %dma_wait3A_810 = tpu.memref_squeeze %dma_wait3A_809 : memref<1x640xf32, #tpu.memory_space<vmem>> -> memref<640xf32, #tpu.memory_space<vmem>>
      tpu.wait_dma2 semaphore(%run_scoped3A_794 : memref<!tpu.dma_semaphore, #tpu.memory_space<semaphore_mem>>) src(%dma_wait3A_810 : memref<640xf32, #tpu.memory_space<vmem>>) dst(%dma_wait3A_807 : memref<640xf32, #tpu.memory_space<hbm>>)
      tpu.yield
    }) : () -> ()
    %add3A_492 = arith.constant 384 : i32
    %add3A_493 = arith.addi %mul3A_2, %add3A_492 : i32
    %run_scoped3A_494 = arith.constant 1 : i32
    "tpu.region"() ({
      %run_scoped3A_794 = tpu.sem_alloc : memref<!tpu.dma_semaphore, #tpu.memory_space<semaphore_mem>>
      %dma_start3A_795 = arith.constant 0 : i32
      %dma_start3A_796 = tpu.memref_slice %arg7[%run_scoped3A_494, %dma_start3A_795] : memref<2x128xi32, #tpu.memory_space<vmem>> -> memref<1x128xi32, #tpu.memory_space<vmem>>
      %dma_start3A_797 = tpu.memref_squeeze %dma_start3A_796 : memref<1x128xi32, #tpu.memory_space<vmem>> -> memref<128xi32, #tpu.memory_space<vmem>>
      %dma_start3A_798 = tpu.memref_slice %arg2[%add3A_493] : memref<16384xi32, #tpu.memory_space<hbm>> -> memref<128xi32, #tpu.memory_space<hbm>>
      %dma_start3A_799 = arith.constant 0 : i32
      %dma_start3A_800 = tpu.memref_slice %arg7[%run_scoped3A_494, %dma_start3A_799] : memref<2x128xi32, #tpu.memory_space<vmem>> -> memref<1x128xi32, #tpu.memory_space<vmem>>
      %dma_start3A_801 = tpu.memref_squeeze %dma_start3A_800 : memref<1x128xi32, #tpu.memory_space<vmem>> -> memref<128xi32, #tpu.memory_space<vmem>>
      %dma_start3A_802 = tpu.memref_slice %arg2[%add3A_493] : memref<16384xi32, #tpu.memory_space<hbm>> -> memref<128xi32, #tpu.memory_space<hbm>>
      tpu.enqueue_dma source(%dma_start3A_802 : memref<128xi32, #tpu.memory_space<hbm>>) target(%dma_start3A_801 : memref<128xi32, #tpu.memory_space<vmem>>) target_semaphore(%run_scoped3A_794 : memref<!tpu.dma_semaphore, #tpu.memory_space<semaphore_mem>>)
      %dma_wait3A_803 = arith.constant 0 : i32
      %dma_wait3A_804 = tpu.memref_slice %arg7[%run_scoped3A_494, %dma_wait3A_803] : memref<2x128xi32, #tpu.memory_space<vmem>> -> memref<1x128xi32, #tpu.memory_space<vmem>>
      %dma_wait3A_805 = tpu.memref_squeeze %dma_wait3A_804 : memref<1x128xi32, #tpu.memory_space<vmem>> -> memref<128xi32, #tpu.memory_space<vmem>>
      %dma_wait3A_806 = tpu.memref_slice %arg2[%add3A_493] : memref<16384xi32, #tpu.memory_space<hbm>> -> memref<128xi32, #tpu.memory_space<hbm>>
      %dma_wait3A_807 = arith.constant 0 : i32
      %dma_wait3A_808 = tpu.memref_slice %arg7[%run_scoped3A_494, %dma_wait3A_807] : memref<2x128xi32, #tpu.memory_space<vmem>> -> memref<1x128xi32, #tpu.memory_space<vmem>>
      %dma_wait3A_809 = tpu.memref_squeeze %dma_wait3A_808 : memref<1x128xi32, #tpu.memory_space<vmem>> -> memref<128xi32, #tpu.memory_space<vmem>>
      %dma_wait3A_810 = tpu.memref_slice %arg2[%add3A_493] : memref<16384xi32, #tpu.memory_space<hbm>> -> memref<128xi32, #tpu.memory_space<hbm>>
      tpu.wait_dma2 semaphore(%run_scoped3A_794 : memref<!tpu.dma_semaphore, #tpu.memory_space<semaphore_mem>>) src(%dma_wait3A_810 : memref<128xi32, #tpu.memory_space<hbm>>) dst(%dma_wait3A_809 : memref<128xi32, #tpu.memory_space<vmem>>)
      tpu.yield
    }) : () -> ()
    %mul3A_495 = arith.constant 5 : i32
    %mul3A_496 = arith.muli %add3A_493, %mul3A_495 : i32
    %run_scoped3A_497 = arith.constant 1 : i32
    "tpu.region"() ({
      %run_scoped3A_794 = tpu.sem_alloc : memref<!tpu.dma_semaphore, #tpu.memory_space<semaphore_mem>>
      %dma_start3A_795 = arith.constant 0 : i32
      %dma_start3A_796 = tpu.memref_slice %arg8[%run_scoped3A_497, %dma_start3A_795] : memref<2x640xi32, #tpu.memory_space<vmem>> -> memref<1x640xi32, #tpu.memory_space<vmem>>
      %dma_start3A_797 = tpu.memref_squeeze %dma_start3A_796 : memref<1x640xi32, #tpu.memory_space<vmem>> -> memref<640xi32, #tpu.memory_space<vmem>>
      %dma_start3A_798 = tpu.memref_slice %arg3[%mul3A_496] : memref<81920xi32, #tpu.memory_space<hbm>> -> memref<640xi32, #tpu.memory_space<hbm>>
      %dma_start3A_799 = arith.constant 0 : i32
      %dma_start3A_800 = tpu.memref_slice %arg8[%run_scoped3A_497, %dma_start3A_799] : memref<2x640xi32, #tpu.memory_space<vmem>> -> memref<1x640xi32, #tpu.memory_space<vmem>>
      %dma_start3A_801 = tpu.memref_squeeze %dma_start3A_800 : memref<1x640xi32, #tpu.memory_space<vmem>> -> memref<640xi32, #tpu.memory_space<vmem>>
      %dma_start3A_802 = tpu.memref_slice %arg3[%mul3A_496] : memref<81920xi32, #tpu.memory_space<hbm>> -> memref<640xi32, #tpu.memory_space<hbm>>
      tpu.enqueue_dma source(%dma_start3A_802 : memref<640xi32, #tpu.memory_space<hbm>>) target(%dma_start3A_801 : memref<640xi32, #tpu.memory_space<vmem>>) target_semaphore(%run_scoped3A_794 : memref<!tpu.dma_semaphore, #tpu.memory_space<semaphore_mem>>)
      %dma_wait3A_803 = arith.constant 0 : i32
      %dma_wait3A_804 = tpu.memref_slice %arg8[%run_scoped3A_497, %dma_wait3A_803] : memref<2x640xi32, #tpu.memory_space<vmem>> -> memref<1x640xi32, #tpu.memory_space<vmem>>
      %dma_wait3A_805 = tpu.memref_squeeze %dma_wait3A_804 : memref<1x640xi32, #tpu.memory_space<vmem>> -> memref<640xi32, #tpu.memory_space<vmem>>
      %dma_wait3A_806 = tpu.memref_slice %arg3[%mul3A_496] : memref<81920xi32, #tpu.memory_space<hbm>> -> memref<640xi32, #tpu.memory_space<hbm>>
      %dma_wait3A_807 = arith.constant 0 : i32
      %dma_wait3A_808 = tpu.memref_slice %arg8[%run_scoped3A_497, %dma_wait3A_807] : memref<2x640xi32, #tpu.memory_space<vmem>> -> memref<1x640xi32, #tpu.memory_space<vmem>>
      %dma_wait3A_809 = tpu.memref_squeeze %dma_wait3A_808 : memref<1x640xi32, #tpu.memory_space<vmem>> -> memref<640xi32, #tpu.memory_space<vmem>>
      %dma_wait3A_810 = tpu.memref_slice %arg3[%mul3A_496] : memref<81920xi32, #tpu.memory_space<hbm>> -> memref<640xi32, #tpu.memory_space<hbm>>
      tpu.wait_dma2 semaphore(%run_scoped3A_794 : memref<!tpu.dma_semaphore, #tpu.memory_space<semaphore_mem>>) src(%dma_wait3A_810 : memref<640xi32, #tpu.memory_space<hbm>>) dst(%dma_wait3A_809 : memref<640xi32, #tpu.memory_space<vmem>>)
      tpu.yield
    }) : () -> ()
    %dma_start3A_498 = arith.constant 1 : i32
    %dma_start3A_499 = arith.constant 1 : i32
    %dma_start3A_500 = arith.constant 1 : i32
    %dma_start3A_501 = arith.constant 0 : i32
    %dma_start3A_502 = arith.constant 0 : i32
    %dma_start3A_503 = tpu.memref_slice %arg9[%dma_start3A_499, %dma_start3A_501, %dma_start3A_502] : memref<2x128x64xf32, #tpu.memory_space<vmem>> -> memref<1x128x64xf32, #tpu.memory_space<vmem>>
    %dma_start3A_504 = tpu.memref_squeeze %dma_start3A_503 : memref<1x128x64xf32, #tpu.memory_space<vmem>> -> memref<128x64xf32, #tpu.memory_space<vmem>>
    %dma_start3A_505 = arith.constant 0 : i32
    %dma_start3A_506 = tpu.memref_slice %arg7[%dma_start3A_498, %dma_start3A_505] : memref<2x128xi32, #tpu.memory_space<vmem>> -> memref<1x128xi32, #tpu.memory_space<vmem>>
    %dma_start3A_507 = tpu.memref_squeeze %dma_start3A_506 : memref<1x128xi32, #tpu.memory_space<vmem>> -> memref<128xi32, #tpu.memory_space<vmem>>
    %dma_start3A_508 = arith.constant 0 : i32
    %dma_start3A_509 = arith.constant 0 : i32
    %dma_start3A_510 = tpu.memref_slice %arg4[%dma_start3A_508, %dma_start3A_509] : memref<1000000x64xf32, #tpu.memory_space<hbm>> -> memref<1000000x64xf32, #tpu.memory_space<hbm>>
    %dma_start3A_511 = tpu.memref_slice %arg12[%dma_start3A_500] : memref<2x!tpu.dma_semaphore, #tpu.memory_space<semaphore_mem>> -> memref<1x!tpu.dma_semaphore, #tpu.memory_space<semaphore_mem>>
    %dma_start3A_512 = tpu.memref_squeeze %dma_start3A_511 : memref<1x!tpu.dma_semaphore, #tpu.memory_space<semaphore_mem>> -> memref<!tpu.dma_semaphore, #tpu.memory_space<semaphore_mem>>
    tpu.enqueue_indirect_dma source(%dma_start3A_510 : memref<1000000x64xf32, #tpu.memory_space<hbm>>) target(%dma_start3A_504 : memref<128x64xf32, #tpu.memory_space<vmem>>) offsets(%dma_start3A_507 : memref<128xi32, #tpu.memory_space<vmem>>) semaphore(%dma_start3A_512 : memref<!tpu.dma_semaphore, #tpu.memory_space<semaphore_mem>>)
    %dma_start3A_513 = arith.constant 1 : i32
    %dma_start3A_514 = arith.constant 1 : i32
    %dma_start3A_515 = arith.constant 1 : i32
    %dma_start3A_516 = arith.constant 0 : i32
    %dma_start3A_517 = arith.constant 0 : i32
    %dma_start3A_518 = tpu.memref_slice %arg10[%dma_start3A_514, %dma_start3A_516, %dma_start3A_517] : memref<2x640x64xf32, #tpu.memory_space<vmem>> -> memref<1x128x64xf32, #tpu.memory_space<vmem>>
    %dma_start3A_519 = tpu.memref_squeeze %dma_start3A_518 : memref<1x128x64xf32, #tpu.memory_space<vmem>> -> memref<128x64xf32, #tpu.memory_space<vmem>>
    %dma_start3A_520 = arith.constant 0 : i32
    %dma_start3A_521 = tpu.memref_slice %arg8[%dma_start3A_513, %dma_start3A_520] : memref<2x640xi32, #tpu.memory_space<vmem>> -> memref<1x128xi32, #tpu.memory_space<vmem>>
    %dma_start3A_522 = tpu.memref_squeeze %dma_start3A_521 : memref<1x128xi32, #tpu.memory_space<vmem>> -> memref<128xi32, #tpu.memory_space<vmem>>
    %dma_start3A_523 = arith.constant 0 : i32
    %dma_start3A_524 = arith.constant 0 : i32
    %dma_start3A_525 = tpu.memref_slice %arg5[%dma_start3A_523, %dma_start3A_524] : memref<1000000x64xf32, #tpu.memory_space<hbm>> -> memref<1000000x64xf32, #tpu.memory_space<hbm>>
    %dma_start3A_526 = tpu.memref_slice %arg12[%dma_start3A_515] : memref<2x!tpu.dma_semaphore, #tpu.memory_space<semaphore_mem>> -> memref<1x!tpu.dma_semaphore, #tpu.memory_space<semaphore_mem>>
    %dma_start3A_527 = tpu.memref_squeeze %dma_start3A_526 : memref<1x!tpu.dma_semaphore, #tpu.memory_space<semaphore_mem>> -> memref<!tpu.dma_semaphore, #tpu.memory_space<semaphore_mem>>
    tpu.enqueue_indirect_dma source(%dma_start3A_525 : memref<1000000x64xf32, #tpu.memory_space<hbm>>) target(%dma_start3A_519 : memref<128x64xf32, #tpu.memory_space<vmem>>) offsets(%dma_start3A_522 : memref<128xi32, #tpu.memory_space<vmem>>) semaphore(%dma_start3A_527 : memref<!tpu.dma_semaphore, #tpu.memory_space<semaphore_mem>>)
    %dma_start3A_528 = arith.constant 1 : i32
    %dma_start3A_529 = arith.constant 1 : i32
    %dma_start3A_530 = arith.constant 1 : i32
    %dma_start3A_531 = arith.constant 128 : i32
    %dma_start3A_532 = arith.constant 0 : i32
    %dma_start3A_533 = tpu.memref_slice %arg10[%dma_start3A_529, %dma_start3A_531, %dma_start3A_532] : memref<2x640x64xf32, #tpu.memory_space<vmem>> -> memref<1x128x64xf32, #tpu.memory_space<vmem>>
    %dma_start3A_534 = tpu.memref_squeeze %dma_start3A_533 : memref<1x128x64xf32, #tpu.memory_space<vmem>> -> memref<128x64xf32, #tpu.memory_space<vmem>>
    %dma_start3A_535 = arith.constant 128 : i32
    %dma_start3A_536 = tpu.memref_slice %arg8[%dma_start3A_528, %dma_start3A_535] : memref<2x640xi32, #tpu.memory_space<vmem>> -> memref<1x128xi32, #tpu.memory_space<vmem>>
    %dma_start3A_537 = tpu.memref_squeeze %dma_start3A_536 : memref<1x128xi32, #tpu.memory_space<vmem>> -> memref<128xi32, #tpu.memory_space<vmem>>
    %dma_start3A_538 = arith.constant 0 : i32
    %dma_start3A_539 = arith.constant 0 : i32
    %dma_start3A_540 = tpu.memref_slice %arg5[%dma_start3A_538, %dma_start3A_539] : memref<1000000x64xf32, #tpu.memory_space<hbm>> -> memref<1000000x64xf32, #tpu.memory_space<hbm>>
    %dma_start3A_541 = tpu.memref_slice %arg12[%dma_start3A_530] : memref<2x!tpu.dma_semaphore, #tpu.memory_space<semaphore_mem>> -> memref<1x!tpu.dma_semaphore, #tpu.memory_space<semaphore_mem>>
    %dma_start3A_542 = tpu.memref_squeeze %dma_start3A_541 : memref<1x!tpu.dma_semaphore, #tpu.memory_space<semaphore_mem>> -> memref<!tpu.dma_semaphore, #tpu.memory_space<semaphore_mem>>
    tpu.enqueue_indirect_dma source(%dma_start3A_540 : memref<1000000x64xf32, #tpu.memory_space<hbm>>) target(%dma_start3A_534 : memref<128x64xf32, #tpu.memory_space<vmem>>) offsets(%dma_start3A_537 : memref<128xi32, #tpu.memory_space<vmem>>) semaphore(%dma_start3A_542 : memref<!tpu.dma_semaphore, #tpu.memory_space<semaphore_mem>>)
    %dma_start3A_543 = arith.constant 1 : i32
    %dma_start3A_544 = arith.constant 1 : i32
    %dma_start3A_545 = arith.constant 1 : i32
    %dma_start3A_546 = arith.constant 256 : i32
    %dma_start3A_547 = arith.constant 0 : i32
    %dma_start3A_548 = tpu.memref_slice %arg10[%dma_start3A_544, %dma_start3A_546, %dma_start3A_547] : memref<2x640x64xf32, #tpu.memory_space<vmem>> -> memref<1x128x64xf32, #tpu.memory_space<vmem>>
    %dma_start3A_549 = tpu.memref_squeeze %dma_start3A_548 : memref<1x128x64xf32, #tpu.memory_space<vmem>> -> memref<128x64xf32, #tpu.memory_space<vmem>>
    %dma_start3A_550 = arith.constant 256 : i32
    %dma_start3A_551 = tpu.memref_slice %arg8[%dma_start3A_543, %dma_start3A_550] : memref<2x640xi32, #tpu.memory_space<vmem>> -> memref<1x128xi32, #tpu.memory_space<vmem>>
    %dma_start3A_552 = tpu.memref_squeeze %dma_start3A_551 : memref<1x128xi32, #tpu.memory_space<vmem>> -> memref<128xi32, #tpu.memory_space<vmem>>
    %dma_start3A_553 = arith.constant 0 : i32
    %dma_start3A_554 = arith.constant 0 : i32
    %dma_start3A_555 = tpu.memref_slice %arg5[%dma_start3A_553, %dma_start3A_554] : memref<1000000x64xf32, #tpu.memory_space<hbm>> -> memref<1000000x64xf32, #tpu.memory_space<hbm>>
    %dma_start3A_556 = tpu.memref_slice %arg12[%dma_start3A_545] : memref<2x!tpu.dma_semaphore, #tpu.memory_space<semaphore_mem>> -> memref<1x!tpu.dma_semaphore, #tpu.memory_space<semaphore_mem>>
    %dma_start3A_557 = tpu.memref_squeeze %dma_start3A_556 : memref<1x!tpu.dma_semaphore, #tpu.memory_space<semaphore_mem>> -> memref<!tpu.dma_semaphore, #tpu.memory_space<semaphore_mem>>
    tpu.enqueue_indirect_dma source(%dma_start3A_555 : memref<1000000x64xf32, #tpu.memory_space<hbm>>) target(%dma_start3A_549 : memref<128x64xf32, #tpu.memory_space<vmem>>) offsets(%dma_start3A_552 : memref<128xi32, #tpu.memory_space<vmem>>) semaphore(%dma_start3A_557 : memref<!tpu.dma_semaphore, #tpu.memory_space<semaphore_mem>>)
    %dma_start3A_558 = arith.constant 1 : i32
    %dma_start3A_559 = arith.constant 1 : i32
    %dma_start3A_560 = arith.constant 1 : i32
    %dma_start3A_561 = arith.constant 384 : i32
    %dma_start3A_562 = arith.constant 0 : i32
    %dma_start3A_563 = tpu.memref_slice %arg10[%dma_start3A_559, %dma_start3A_561, %dma_start3A_562] : memref<2x640x64xf32, #tpu.memory_space<vmem>> -> memref<1x128x64xf32, #tpu.memory_space<vmem>>
    %dma_start3A_564 = tpu.memref_squeeze %dma_start3A_563 : memref<1x128x64xf32, #tpu.memory_space<vmem>> -> memref<128x64xf32, #tpu.memory_space<vmem>>
    %dma_start3A_565 = arith.constant 384 : i32
    %dma_start3A_566 = tpu.memref_slice %arg8[%dma_start3A_558, %dma_start3A_565] : memref<2x640xi32, #tpu.memory_space<vmem>> -> memref<1x128xi32, #tpu.memory_space<vmem>>
    %dma_start3A_567 = tpu.memref_squeeze %dma_start3A_566 : memref<1x128xi32, #tpu.memory_space<vmem>> -> memref<128xi32, #tpu.memory_space<vmem>>
    %dma_start3A_568 = arith.constant 0 : i32
    %dma_start3A_569 = arith.constant 0 : i32
    %dma_start3A_570 = tpu.memref_slice %arg5[%dma_start3A_568, %dma_start3A_569] : memref<1000000x64xf32, #tpu.memory_space<hbm>> -> memref<1000000x64xf32, #tpu.memory_space<hbm>>
    %dma_start3A_571 = tpu.memref_slice %arg12[%dma_start3A_560] : memref<2x!tpu.dma_semaphore, #tpu.memory_space<semaphore_mem>> -> memref<1x!tpu.dma_semaphore, #tpu.memory_space<semaphore_mem>>
    %dma_start3A_572 = tpu.memref_squeeze %dma_start3A_571 : memref<1x!tpu.dma_semaphore, #tpu.memory_space<semaphore_mem>> -> memref<!tpu.dma_semaphore, #tpu.memory_space<semaphore_mem>>
    tpu.enqueue_indirect_dma source(%dma_start3A_570 : memref<1000000x64xf32, #tpu.memory_space<hbm>>) target(%dma_start3A_564 : memref<128x64xf32, #tpu.memory_space<vmem>>) offsets(%dma_start3A_567 : memref<128xi32, #tpu.memory_space<vmem>>) semaphore(%dma_start3A_572 : memref<!tpu.dma_semaphore, #tpu.memory_space<semaphore_mem>>)
    %dma_start3A_573 = arith.constant 1 : i32
    %dma_start3A_574 = arith.constant 1 : i32
    %dma_start3A_575 = arith.constant 1 : i32
    %dma_start3A_576 = arith.constant 512 : i32
    %dma_start3A_577 = arith.constant 0 : i32
    %dma_start3A_578 = tpu.memref_slice %arg10[%dma_start3A_574, %dma_start3A_576, %dma_start3A_577] : memref<2x640x64xf32, #tpu.memory_space<vmem>> -> memref<1x128x64xf32, #tpu.memory_space<vmem>>
    %dma_start3A_579 = tpu.memref_squeeze %dma_start3A_578 : memref<1x128x64xf32, #tpu.memory_space<vmem>> -> memref<128x64xf32, #tpu.memory_space<vmem>>
    %dma_start3A_580 = arith.constant 512 : i32
    %dma_start3A_581 = tpu.memref_slice %arg8[%dma_start3A_573, %dma_start3A_580] : memref<2x640xi32, #tpu.memory_space<vmem>> -> memref<1x128xi32, #tpu.memory_space<vmem>>
    %dma_start3A_582 = tpu.memref_squeeze %dma_start3A_581 : memref<1x128xi32, #tpu.memory_space<vmem>> -> memref<128xi32, #tpu.memory_space<vmem>>
    %dma_start3A_583 = arith.constant 0 : i32
    %dma_start3A_584 = arith.constant 0 : i32
    %dma_start3A_585 = tpu.memref_slice %arg5[%dma_start3A_583, %dma_start3A_584] : memref<1000000x64xf32, #tpu.memory_space<hbm>> -> memref<1000000x64xf32, #tpu.memory_space<hbm>>
    %dma_start3A_586 = tpu.memref_slice %arg12[%dma_start3A_575] : memref<2x!tpu.dma_semaphore, #tpu.memory_space<semaphore_mem>> -> memref<1x!tpu.dma_semaphore, #tpu.memory_space<semaphore_mem>>
    %dma_start3A_587 = tpu.memref_squeeze %dma_start3A_586 : memref<1x!tpu.dma_semaphore, #tpu.memory_space<semaphore_mem>> -> memref<!tpu.dma_semaphore, #tpu.memory_space<semaphore_mem>>
    tpu.enqueue_indirect_dma source(%dma_start3A_585 : memref<1000000x64xf32, #tpu.memory_space<hbm>>) target(%dma_start3A_579 : memref<128x64xf32, #tpu.memory_space<vmem>>) offsets(%dma_start3A_582 : memref<128xi32, #tpu.memory_space<vmem>>) semaphore(%dma_start3A_587 : memref<!tpu.dma_semaphore, #tpu.memory_space<semaphore_mem>>)
    %add3A_588 = arith.constant 256 : i32
    %add3A_589 = arith.addi %mul3A_2, %add3A_588 : i32
    %dma_wait3A_590 = arith.constant 0 : i32
    %dma_wait3A_591 = arith.constant 0 : i32
    %dma_wait3A_592 = arith.constant 0 : i32
    %dma_wait3A_593 = arith.constant 0 : i32
    %dma_wait3A_594 = arith.constant 0 : i32
    %dma_wait3A_595 = tpu.memref_slice %arg9[%dma_wait3A_591, %dma_wait3A_593, %dma_wait3A_594] : memref<2x128x64xf32, #tpu.memory_space<vmem>> -> memref<1x128x64xf32, #tpu.memory_space<vmem>>
    %dma_wait3A_596 = tpu.memref_squeeze %dma_wait3A_595 : memref<1x128x64xf32, #tpu.memory_space<vmem>> -> memref<128x64xf32, #tpu.memory_space<vmem>>
    %dma_wait3A_597 = arith.constant 0 : i32
    %dma_wait3A_598 = tpu.memref_slice %arg7[%dma_wait3A_590, %dma_wait3A_597] : memref<2x128xi32, #tpu.memory_space<vmem>> -> memref<1x128xi32, #tpu.memory_space<vmem>>
    %dma_wait3A_599 = tpu.memref_squeeze %dma_wait3A_598 : memref<1x128xi32, #tpu.memory_space<vmem>> -> memref<128xi32, #tpu.memory_space<vmem>>
    %dma_wait3A_600 = arith.constant 0 : i32
    %dma_wait3A_601 = arith.constant 0 : i32
    %dma_wait3A_602 = tpu.memref_slice %arg4[%dma_wait3A_600, %dma_wait3A_601] : memref<1000000x64xf32, #tpu.memory_space<hbm>> -> memref<1000000x64xf32, #tpu.memory_space<hbm>>
    %dma_wait3A_603 = tpu.memref_slice %arg12[%dma_wait3A_592] : memref<2x!tpu.dma_semaphore, #tpu.memory_space<semaphore_mem>> -> memref<1x!tpu.dma_semaphore, #tpu.memory_space<semaphore_mem>>
    %dma_wait3A_604 = tpu.memref_squeeze %dma_wait3A_603 : memref<1x!tpu.dma_semaphore, #tpu.memory_space<semaphore_mem>> -> memref<!tpu.dma_semaphore, #tpu.memory_space<semaphore_mem>>
    tpu.wait_indirect_dma semaphore(%dma_wait3A_604 : memref<!tpu.dma_semaphore, #tpu.memory_space<semaphore_mem>>) src(%dma_wait3A_602 : memref<1000000x64xf32, #tpu.memory_space<hbm>>) dst(%dma_wait3A_596 : memref<128x64xf32, #tpu.memory_space<vmem>>)
    %dma_wait3A_605 = arith.constant 0 : i32
    %dma_wait3A_606 = arith.constant 0 : i32
    %dma_wait3A_607 = arith.constant 0 : i32
    %dma_wait3A_608 = arith.constant 0 : i32
    %dma_wait3A_609 = arith.constant 0 : i32
    %dma_wait3A_610 = tpu.memref_slice %arg10[%dma_wait3A_606, %dma_wait3A_608, %dma_wait3A_609] : memref<2x640x64xf32, #tpu.memory_space<vmem>> -> memref<1x128x64xf32, #tpu.memory_space<vmem>>
    %dma_wait3A_611 = tpu.memref_squeeze %dma_wait3A_610 : memref<1x128x64xf32, #tpu.memory_space<vmem>> -> memref<128x64xf32, #tpu.memory_space<vmem>>
    %dma_wait3A_612 = arith.constant 0 : i32
    %dma_wait3A_613 = tpu.memref_slice %arg8[%dma_wait3A_605, %dma_wait3A_612] : memref<2x640xi32, #tpu.memory_space<vmem>> -> memref<1x128xi32, #tpu.memory_space<vmem>>
    %dma_wait3A_614 = tpu.memref_squeeze %dma_wait3A_613 : memref<1x128xi32, #tpu.memory_space<vmem>> -> memref<128xi32, #tpu.memory_space<vmem>>
    %dma_wait3A_615 = arith.constant 0 : i32
    %dma_wait3A_616 = arith.constant 0 : i32
    %dma_wait3A_617 = tpu.memref_slice %arg5[%dma_wait3A_615, %dma_wait3A_616] : memref<1000000x64xf32, #tpu.memory_space<hbm>> -> memref<1000000x64xf32, #tpu.memory_space<hbm>>
    %dma_wait3A_618 = tpu.memref_slice %arg12[%dma_wait3A_607] : memref<2x!tpu.dma_semaphore, #tpu.memory_space<semaphore_mem>> -> memref<1x!tpu.dma_semaphore, #tpu.memory_space<semaphore_mem>>
    %dma_wait3A_619 = tpu.memref_squeeze %dma_wait3A_618 : memref<1x!tpu.dma_semaphore, #tpu.memory_space<semaphore_mem>> -> memref<!tpu.dma_semaphore, #tpu.memory_space<semaphore_mem>>
    tpu.wait_indirect_dma semaphore(%dma_wait3A_619 : memref<!tpu.dma_semaphore, #tpu.memory_space<semaphore_mem>>) src(%dma_wait3A_617 : memref<1000000x64xf32, #tpu.memory_space<hbm>>) dst(%dma_wait3A_611 : memref<128x64xf32, #tpu.memory_space<vmem>>)
    %dma_wait3A_620 = arith.constant 0 : i32
    %dma_wait3A_621 = arith.constant 0 : i32
    %dma_wait3A_622 = arith.constant 0 : i32
    %dma_wait3A_623 = arith.constant 128 : i32
    %dma_wait3A_624 = arith.constant 0 : i32
    %dma_wait3A_625 = tpu.memref_slice %arg10[%dma_wait3A_621, %dma_wait3A_623, %dma_wait3A_624] : memref<2x640x64xf32, #tpu.memory_space<vmem>> -> memref<1x128x64xf32, #tpu.memory_space<vmem>>
    %dma_wait3A_626 = tpu.memref_squeeze %dma_wait3A_625 : memref<1x128x64xf32, #tpu.memory_space<vmem>> -> memref<128x64xf32, #tpu.memory_space<vmem>>
    %dma_wait3A_627 = arith.constant 128 : i32
    %dma_wait3A_628 = tpu.memref_slice %arg8[%dma_wait3A_620, %dma_wait3A_627] : memref<2x640xi32, #tpu.memory_space<vmem>> -> memref<1x128xi32, #tpu.memory_space<vmem>>
    %dma_wait3A_629 = tpu.memref_squeeze %dma_wait3A_628 : memref<1x128xi32, #tpu.memory_space<vmem>> -> memref<128xi32, #tpu.memory_space<vmem>>
    %dma_wait3A_630 = arith.constant 0 : i32
    %dma_wait3A_631 = arith.constant 0 : i32
    %dma_wait3A_632 = tpu.memref_slice %arg5[%dma_wait3A_630, %dma_wait3A_631] : memref<1000000x64xf32, #tpu.memory_space<hbm>> -> memref<1000000x64xf32, #tpu.memory_space<hbm>>
    %dma_wait3A_633 = tpu.memref_slice %arg12[%dma_wait3A_622] : memref<2x!tpu.dma_semaphore, #tpu.memory_space<semaphore_mem>> -> memref<1x!tpu.dma_semaphore, #tpu.memory_space<semaphore_mem>>
    %dma_wait3A_634 = tpu.memref_squeeze %dma_wait3A_633 : memref<1x!tpu.dma_semaphore, #tpu.memory_space<semaphore_mem>> -> memref<!tpu.dma_semaphore, #tpu.memory_space<semaphore_mem>>
    tpu.wait_indirect_dma semaphore(%dma_wait3A_634 : memref<!tpu.dma_semaphore, #tpu.memory_space<semaphore_mem>>) src(%dma_wait3A_632 : memref<1000000x64xf32, #tpu.memory_space<hbm>>) dst(%dma_wait3A_626 : memref<128x64xf32, #tpu.memory_space<vmem>>)
    %dma_wait3A_635 = arith.constant 0 : i32
    %dma_wait3A_636 = arith.constant 0 : i32
    %dma_wait3A_637 = arith.constant 0 : i32
    %dma_wait3A_638 = arith.constant 256 : i32
    %dma_wait3A_639 = arith.constant 0 : i32
    %dma_wait3A_640 = tpu.memref_slice %arg10[%dma_wait3A_636, %dma_wait3A_638, %dma_wait3A_639] : memref<2x640x64xf32, #tpu.memory_space<vmem>> -> memref<1x128x64xf32, #tpu.memory_space<vmem>>
    %dma_wait3A_641 = tpu.memref_squeeze %dma_wait3A_640 : memref<1x128x64xf32, #tpu.memory_space<vmem>> -> memref<128x64xf32, #tpu.memory_space<vmem>>
    %dma_wait3A_642 = arith.constant 256 : i32
    %dma_wait3A_643 = tpu.memref_slice %arg8[%dma_wait3A_635, %dma_wait3A_642] : memref<2x640xi32, #tpu.memory_space<vmem>> -> memref<1x128xi32, #tpu.memory_space<vmem>>
    %dma_wait3A_644 = tpu.memref_squeeze %dma_wait3A_643 : memref<1x128xi32, #tpu.memory_space<vmem>> -> memref<128xi32, #tpu.memory_space<vmem>>
    %dma_wait3A_645 = arith.constant 0 : i32
    %dma_wait3A_646 = arith.constant 0 : i32
    %dma_wait3A_647 = tpu.memref_slice %arg5[%dma_wait3A_645, %dma_wait3A_646] : memref<1000000x64xf32, #tpu.memory_space<hbm>> -> memref<1000000x64xf32, #tpu.memory_space<hbm>>
    %dma_wait3A_648 = tpu.memref_slice %arg12[%dma_wait3A_637] : memref<2x!tpu.dma_semaphore, #tpu.memory_space<semaphore_mem>> -> memref<1x!tpu.dma_semaphore, #tpu.memory_space<semaphore_mem>>
    %dma_wait3A_649 = tpu.memref_squeeze %dma_wait3A_648 : memref<1x!tpu.dma_semaphore, #tpu.memory_space<semaphore_mem>> -> memref<!tpu.dma_semaphore, #tpu.memory_space<semaphore_mem>>
    tpu.wait_indirect_dma semaphore(%dma_wait3A_649 : memref<!tpu.dma_semaphore, #tpu.memory_space<semaphore_mem>>) src(%dma_wait3A_647 : memref<1000000x64xf32, #tpu.memory_space<hbm>>) dst(%dma_wait3A_641 : memref<128x64xf32, #tpu.memory_space<vmem>>)
    %dma_wait3A_650 = arith.constant 0 : i32
    %dma_wait3A_651 = arith.constant 0 : i32
    %dma_wait3A_652 = arith.constant 0 : i32
    %dma_wait3A_653 = arith.constant 384 : i32
    %dma_wait3A_654 = arith.constant 0 : i32
    %dma_wait3A_655 = tpu.memref_slice %arg10[%dma_wait3A_651, %dma_wait3A_653, %dma_wait3A_654] : memref<2x640x64xf32, #tpu.memory_space<vmem>> -> memref<1x128x64xf32, #tpu.memory_space<vmem>>
    %dma_wait3A_656 = tpu.memref_squeeze %dma_wait3A_655 : memref<1x128x64xf32, #tpu.memory_space<vmem>> -> memref<128x64xf32, #tpu.memory_space<vmem>>
    %dma_wait3A_657 = arith.constant 384 : i32
    %dma_wait3A_658 = tpu.memref_slice %arg8[%dma_wait3A_650, %dma_wait3A_657] : memref<2x640xi32, #tpu.memory_space<vmem>> -> memref<1x128xi32, #tpu.memory_space<vmem>>
    %dma_wait3A_659 = tpu.memref_squeeze %dma_wait3A_658 : memref<1x128xi32, #tpu.memory_space<vmem>> -> memref<128xi32, #tpu.memory_space<vmem>>
    %dma_wait3A_660 = arith.constant 0 : i32
    %dma_wait3A_661 = arith.constant 0 : i32
    %dma_wait3A_662 = tpu.memref_slice %arg5[%dma_wait3A_660, %dma_wait3A_661] : memref<1000000x64xf32, #tpu.memory_space<hbm>> -> memref<1000000x64xf32, #tpu.memory_space<hbm>>
    %dma_wait3A_663 = tpu.memref_slice %arg12[%dma_wait3A_652] : memref<2x!tpu.dma_semaphore, #tpu.memory_space<semaphore_mem>> -> memref<1x!tpu.dma_semaphore, #tpu.memory_space<semaphore_mem>>
    %dma_wait3A_664 = tpu.memref_squeeze %dma_wait3A_663 : memref<1x!tpu.dma_semaphore, #tpu.memory_space<semaphore_mem>> -> memref<!tpu.dma_semaphore, #tpu.memory_space<semaphore_mem>>
    tpu.wait_indirect_dma semaphore(%dma_wait3A_664 : memref<!tpu.dma_semaphore, #tpu.memory_space<semaphore_mem>>) src(%dma_wait3A_662 : memref<1000000x64xf32, #tpu.memory_space<hbm>>) dst(%dma_wait3A_656 : memref<128x64xf32, #tpu.memory_space<vmem>>)
    %dma_wait3A_665 = arith.constant 0 : i32
    %dma_wait3A_666 = arith.constant 0 : i32
    %dma_wait3A_667 = arith.constant 0 : i32
    %dma_wait3A_668 = arith.constant 512 : i32
    %dma_wait3A_669 = arith.constant 0 : i32
    %dma_wait3A_670 = tpu.memref_slice %arg10[%dma_wait3A_666, %dma_wait3A_668, %dma_wait3A_669] : memref<2x640x64xf32, #tpu.memory_space<vmem>> -> memref<1x128x64xf32, #tpu.memory_space<vmem>>
    %dma_wait3A_671 = tpu.memref_squeeze %dma_wait3A_670 : memref<1x128x64xf32, #tpu.memory_space<vmem>> -> memref<128x64xf32, #tpu.memory_space<vmem>>
    %dma_wait3A_672 = arith.constant 512 : i32
    %dma_wait3A_673 = tpu.memref_slice %arg8[%dma_wait3A_665, %dma_wait3A_672] : memref<2x640xi32, #tpu.memory_space<vmem>> -> memref<1x128xi32, #tpu.memory_space<vmem>>
    %dma_wait3A_674 = tpu.memref_squeeze %dma_wait3A_673 : memref<1x128xi32, #tpu.memory_space<vmem>> -> memref<128xi32, #tpu.memory_space<vmem>>
    %dma_wait3A_675 = arith.constant 0 : i32
    %dma_wait3A_676 = arith.constant 0 : i32
    %dma_wait3A_677 = tpu.memref_slice %arg5[%dma_wait3A_675, %dma_wait3A_676] : memref<1000000x64xf32, #tpu.memory_space<hbm>> -> memref<1000000x64xf32, #tpu.memory_space<hbm>>
    %dma_wait3A_678 = tpu.memref_slice %arg12[%dma_wait3A_667] : memref<2x!tpu.dma_semaphore, #tpu.memory_space<semaphore_mem>> -> memref<1x!tpu.dma_semaphore, #tpu.memory_space<semaphore_mem>>
    %dma_wait3A_679 = tpu.memref_squeeze %dma_wait3A_678 : memref<1x!tpu.dma_semaphore, #tpu.memory_space<semaphore_mem>> -> memref<!tpu.dma_semaphore, #tpu.memory_space<semaphore_mem>>
    tpu.wait_indirect_dma semaphore(%dma_wait3A_679 : memref<!tpu.dma_semaphore, #tpu.memory_space<semaphore_mem>>) src(%dma_wait3A_677 : memref<1000000x64xf32, #tpu.memory_space<hbm>>) dst(%dma_wait3A_671 : memref<128x64xf32, #tpu.memory_space<vmem>>)
    %iota3A_680 = tpu.iota {dimensions = array<i32: 0>} : vector<16xi32>
    %scan3A_681 = arith.constant 0 : i32
    %scan3A_682 = arith.constant 0 : i32
    %scan3A_683 = arith.constant 8 : i32
    %scan3A_684 = arith.addi %scan3A_682, %scan3A_683 : i32
    %scan3A_685 = arith.constant 1 : i32
    %scan3A_686 = scf.for %scan3A_794 = %scan3A_682 to %scan3A_684 step %scan3A_685 iter_args(%scan3A_795 = %scan3A_681) -> (i32)  : i32 {
      %mul3A_796 = arith.constant 16 : i32
      %mul3A_797 = arith.muli %scan3A_794, %mul3A_796 : i32
      %add3A_798 = vector.broadcast %mul3A_797 : i32 to vector<16xi32>
      %add3A_799 = arith.addi %iota3A_680, %add3A_798 : vector<16xi32>
      %mul3A_800 = arith.constant 5 : i32
      %mul3A_801 = vector.broadcast %mul3A_800 : i32 to vector<16xi32>
      %mul3A_802 = arith.muli %add3A_799, %mul3A_801 : vector<16xi32>
      %broadcast_in_dim3A = arith.constant 0.000000e+00 : f32
      %broadcast_in_dim3A_803 = vector.broadcast %broadcast_in_dim3A : f32 to vector<16xf32>
      %broadcast_in_dim3A_804 = arith.constant 0.000000e+00 : f32
      %broadcast_in_dim3A_805 = vector.broadcast %broadcast_in_dim3A_804 : f32 to vector<16xf32>
      %broadcast_in_dim3A_806 = arith.constant 0.000000e+00 : f32
      %broadcast_in_dim3A_807 = vector.broadcast %broadcast_in_dim3A_806 : f32 to vector<16xf32>
      %broadcast_in_dim3A_808 = arith.constant 0.000000e+00 : f32
      %broadcast_in_dim3A_809 = vector.broadcast %broadcast_in_dim3A_808 : f32 to vector<16xf32>
      %broadcast_in_dim3A_810 = arith.constant 0.000000e+00 : f32
      %broadcast_in_dim3A_811 = vector.broadcast %broadcast_in_dim3A_810 : f32 to vector<16xf32>
      %scan3A_812 = arith.constant 0 : i32
      %scan3A_813 = arith.constant 64 : i32
      %scan3A_814 = arith.addi %scan3A_812, %scan3A_813 : i32
      %scan3A_815 = arith.constant 4 : i32
      %scan3A_816:5 = scf.for %scan3A_853 = %scan3A_812 to %scan3A_814 step %scan3A_815 iter_args(%scan3A_854 = %broadcast_in_dim3A_803, %scan3A_855 = %broadcast_in_dim3A_805, %scan3A_856 = %broadcast_in_dim3A_807, %scan3A_857 = %broadcast_in_dim3A_809, %scan3A_858 = %broadcast_in_dim3A_811) -> (vector<16xf32>, vector<16xf32>, vector<16xf32>, vector<16xf32>, vector<16xf32>)  : i32 {
        %broadcast_in_dim3A_859 = arith.constant 0 : i32
        %broadcast_in_dim3A_860 = vector.broadcast %broadcast_in_dim3A_859 : i32 to vector<16xi32>
        %add3A_861 = vector.broadcast %scan3A_853 : i32 to vector<16xi32>
        %add3A_862 = arith.addi %broadcast_in_dim3A_860, %add3A_861 : vector<16xi32>
        %gather3A = arith.constant 0 : i32
        %gather3A_863 = arith.constant 0 : i32
        %gather3A_864 = arith.constant 0 : i32
        %gather3A_865 = tpu.memref_slice %arg9[%gather3A, %gather3A_863, %gather3A_864] : memref<2x128x64xf32, #tpu.memory_space<vmem>> -> memref<1x128x64xf32, #tpu.memory_space<vmem>>
        %gather3A_866 = tpu.memref_squeeze %gather3A_865 : memref<1x128x64xf32, #tpu.memory_space<vmem>> -> memref<128x64xf32, #tpu.memory_space<vmem>>
        %gather3A_867 = tpu.vector_load_idx %gather3A_866[%add3A_799, %add3A_862] : memref<128x64xf32, #tpu.memory_space<vmem>>[vector<16xi32>, vector<16xi32>], vector<16xf32>,
        %add3A_868 = arith.constant 0 : i32
        %add3A_869 = vector.broadcast %add3A_868 : i32 to vector<16xi32>
        %add3A_870 = arith.addi %mul3A_802, %add3A_869 : vector<16xi32>
        %gather3A_871 = arith.constant 0 : i32
        %gather3A_872 = arith.constant 0 : i32
        %gather3A_873 = arith.constant 0 : i32
        %gather3A_874 = tpu.memref_slice %arg10[%gather3A_871, %gather3A_872, %gather3A_873] : memref<2x640x64xf32, #tpu.memory_space<vmem>> -> memref<1x640x64xf32, #tpu.memory_space<vmem>>
        %gather3A_875 = tpu.memref_squeeze %gather3A_874 : memref<1x640x64xf32, #tpu.memory_space<vmem>> -> memref<640x64xf32, #tpu.memory_space<vmem>>
        %gather3A_876 = tpu.vector_load_idx %gather3A_875[%add3A_870, %add3A_862] : memref<640x64xf32, #tpu.memory_space<vmem>>[vector<16xi32>, vector<16xi32>], vector<16xf32>,
        %mul3A_877 = arith.mulf %gather3A_867, %gather3A_876 : vector<16xf32>
        %add3A_878 = arith.addf %scan3A_854, %mul3A_877 : vector<16xf32>
        %add3A_879 = arith.constant 1 : i32
        %add3A_880 = vector.broadcast %add3A_879 : i32 to vector<16xi32>
        %add3A_881 = arith.addi %mul3A_802, %add3A_880 : vector<16xi32>
        %gather3A_882 = arith.constant 0 : i32
        %gather3A_883 = arith.constant 0 : i32
        %gather3A_884 = arith.constant 0 : i32
        %gather3A_885 = tpu.memref_slice %arg10[%gather3A_882, %gather3A_883, %gather3A_884] : memref<2x640x64xf32, #tpu.memory_space<vmem>> -> memref<1x640x64xf32, #tpu.memory_space<vmem>>
        %gather3A_886 = tpu.memref_squeeze %gather3A_885 : memref<1x640x64xf32, #tpu.memory_space<vmem>> -> memref<640x64xf32, #tpu.memory_space<vmem>>
        %gather3A_887 = tpu.vector_load_idx %gather3A_886[%add3A_881, %add3A_862] : memref<640x64xf32, #tpu.memory_space<vmem>>[vector<16xi32>, vector<16xi32>], vector<16xf32>,
        %mul3A_888 = arith.mulf %gather3A_867, %gather3A_887 : vector<16xf32>
        %add3A_889 = arith.addf %scan3A_855, %mul3A_888 : vector<16xf32>
        %add3A_890 = arith.constant 2 : i32
        %add3A_891 = vector.broadcast %add3A_890 : i32 to vector<16xi32>
        %add3A_892 = arith.addi %mul3A_802, %add3A_891 : vector<16xi32>
        %gather3A_893 = arith.constant 0 : i32
        %gather3A_894 = arith.constant 0 : i32
        %gather3A_895 = arith.constant 0 : i32
        %gather3A_896 = tpu.memref_slice %arg10[%gather3A_893, %gather3A_894, %gather3A_895] : memref<2x640x64xf32, #tpu.memory_space<vmem>> -> memref<1x640x64xf32, #tpu.memory_space<vmem>>
        %gather3A_897 = tpu.memref_squeeze %gather3A_896 : memref<1x640x64xf32, #tpu.memory_space<vmem>> -> memref<640x64xf32, #tpu.memory_space<vmem>>
        %gather3A_898 = tpu.vector_load_idx %gather3A_897[%add3A_892, %add3A_862] : memref<640x64xf32, #tpu.memory_space<vmem>>[vector<16xi32>, vector<16xi32>], vector<16xf32>,
        %mul3A_899 = arith.mulf %gather3A_867, %gather3A_898 : vector<16xf32>
        %add3A_900 = arith.addf %scan3A_856, %mul3A_899 : vector<16xf32>
        %add3A_901 = arith.constant 3 : i32
        %add3A_902 = vector.broadcast %add3A_901 : i32 to vector<16xi32>
        %add3A_903 = arith.addi %mul3A_802, %add3A_902 : vector<16xi32>
        %gather3A_904 = arith.constant 0 : i32
        %gather3A_905 = arith.constant 0 : i32
        %gather3A_906 = arith.constant 0 : i32
        %gather3A_907 = tpu.memref_slice %arg10[%gather3A_904, %gather3A_905, %gather3A_906] : memref<2x640x64xf32, #tpu.memory_space<vmem>> -> memref<1x640x64xf32, #tpu.memory_space<vmem>>
        %gather3A_908 = tpu.memref_squeeze %gather3A_907 : memref<1x640x64xf32, #tpu.memory_space<vmem>> -> memref<640x64xf32, #tpu.memory_space<vmem>>
        %gather3A_909 = tpu.vector_load_idx %gather3A_908[%add3A_903, %add3A_862] : memref<640x64xf32, #tpu.memory_space<vmem>>[vector<16xi32>, vector<16xi32>], vector<16xf32>,
        %mul3A_910 = arith.mulf %gather3A_867, %gather3A_909 : vector<16xf32>
        %add3A_911 = arith.addf %scan3A_857, %mul3A_910 : vector<16xf32>
        %add3A_912 = arith.constant 4 : i32
        %add3A_913 = vector.broadcast %add3A_912 : i32 to vector<16xi32>
        %add3A_914 = arith.addi %mul3A_802, %add3A_913 : vector<16xi32>
        %gather3A_915 = arith.constant 0 : i32
        %gather3A_916 = arith.constant 0 : i32
        %gather3A_917 = arith.constant 0 : i32
        %gather3A_918 = tpu.memref_slice %arg10[%gather3A_915, %gather3A_916, %gather3A_917] : memref<2x640x64xf32, #tpu.memory_space<vmem>> -> memref<1x640x64xf32, #tpu.memory_space<vmem>>
        %gather3A_919 = tpu.memref_squeeze %gather3A_918 : memref<1x640x64xf32, #tpu.memory_space<vmem>> -> memref<640x64xf32, #tpu.memory_space<vmem>>
        %gather3A_920 = tpu.vector_load_idx %gather3A_919[%add3A_914, %add3A_862] : memref<640x64xf32, #tpu.memory_space<vmem>>[vector<16xi32>, vector<16xi32>], vector<16xf32>,
        %mul3A_921 = arith.mulf %gather3A_867, %gather3A_920 : vector<16xf32>
        %add3A_922 = arith.addf %scan3A_858, %mul3A_921 : vector<16xf32>
        %scan3A_923 = arith.constant 1 : i32
        %scan3A_924 = arith.addi %scan3A_853, %scan3A_923 : i32
        %broadcast_in_dim3A_925 = arith.constant 0 : i32
        %broadcast_in_dim3A_926 = vector.broadcast %broadcast_in_dim3A_925 : i32 to vector<16xi32>
        %add3A_927 = vector.broadcast %scan3A_924 : i32 to vector<16xi32>
        %add3A_928 = arith.addi %broadcast_in_dim3A_926, %add3A_927 : vector<16xi32>
        %gather3A_929 = arith.constant 0 : i32
        %gather3A_930 = arith.constant 0 : i32
        %gather3A_931 = arith.constant 0 : i32
        %gather3A_932 = tpu.memref_slice %arg9[%gather3A_929, %gather3A_930, %gather3A_931] : memref<2x128x64xf32, #tpu.memory_space<vmem>> -> memref<1x128x64xf32, #tpu.memory_space<vmem>>
        %gather3A_933 = tpu.memref_squeeze %gather3A_932 : memref<1x128x64xf32, #tpu.memory_space<vmem>> -> memref<128x64xf32, #tpu.memory_space<vmem>>
        %gather3A_934 = tpu.vector_load_idx %gather3A_933[%add3A_799, %add3A_928] : memref<128x64xf32, #tpu.memory_space<vmem>>[vector<16xi32>, vector<16xi32>], vector<16xf32>,
        %add3A_935 = arith.constant 0 : i32
        %add3A_936 = vector.broadcast %add3A_935 : i32 to vector<16xi32>
        %add3A_937 = arith.addi %mul3A_802, %add3A_936 : vector<16xi32>
        %gather3A_938 = arith.constant 0 : i32
        %gather3A_939 = arith.constant 0 : i32
        %gather3A_940 = arith.constant 0 : i32
        %gather3A_941 = tpu.memref_slice %arg10[%gather3A_938, %gather3A_939, %gather3A_940] : memref<2x640x64xf32, #tpu.memory_space<vmem>> -> memref<1x640x64xf32, #tpu.memory_space<vmem>>
        %gather3A_942 = tpu.memref_squeeze %gather3A_941 : memref<1x640x64xf32, #tpu.memory_space<vmem>> -> memref<640x64xf32, #tpu.memory_space<vmem>>
        %gather3A_943 = tpu.vector_load_idx %gather3A_942[%add3A_937, %add3A_928] : memref<640x64xf32, #tpu.memory_space<vmem>>[vector<16xi32>, vector<16xi32>], vector<16xf32>,
        %mul3A_944 = arith.mulf %gather3A_934, %gather3A_943 : vector<16xf32>
        %add3A_945 = arith.addf %add3A_878, %mul3A_944 : vector<16xf32>
        %add3A_946 = arith.constant 1 : i32
        %add3A_947 = vector.broadcast %add3A_946 : i32 to vector<16xi32>
        %add3A_948 = arith.addi %mul3A_802, %add3A_947 : vector<16xi32>
        %gather3A_949 = arith.constant 0 : i32
        %gather3A_950 = arith.constant 0 : i32
        %gather3A_951 = arith.constant 0 : i32
        %gather3A_952 = tpu.memref_slice %arg10[%gather3A_949, %gather3A_950, %gather3A_951] : memref<2x640x64xf32, #tpu.memory_space<vmem>> -> memref<1x640x64xf32, #tpu.memory_space<vmem>>
        %gather3A_953 = tpu.memref_squeeze %gather3A_952 : memref<1x640x64xf32, #tpu.memory_space<vmem>> -> memref<640x64xf32, #tpu.memory_space<vmem>>
        %gather3A_954 = tpu.vector_load_idx %gather3A_953[%add3A_948, %add3A_928] : memref<640x64xf32, #tpu.memory_space<vmem>>[vector<16xi32>, vector<16xi32>], vector<16xf32>,
        %mul3A_955 = arith.mulf %gather3A_934, %gather3A_954 : vector<16xf32>
        %add3A_956 = arith.addf %add3A_889, %mul3A_955 : vector<16xf32>
        %add3A_957 = arith.constant 2 : i32
        %add3A_958 = vector.broadcast %add3A_957 : i32 to vector<16xi32>
        %add3A_959 = arith.addi %mul3A_802, %add3A_958 : vector<16xi32>
        %gather3A_960 = arith.constant 0 : i32
        %gather3A_961 = arith.constant 0 : i32
        %gather3A_962 = arith.constant 0 : i32
        %gather3A_963 = tpu.memref_slice %arg10[%gather3A_960, %gather3A_961, %gather3A_962] : memref<2x640x64xf32, #tpu.memory_space<vmem>> -> memref<1x640x64xf32, #tpu.memory_space<vmem>>
        %gather3A_964 = tpu.memref_squeeze %gather3A_963 : memref<1x640x64xf32, #tpu.memory_space<vmem>> -> memref<640x64xf32, #tpu.memory_space<vmem>>
        %gather3A_965 = tpu.vector_load_idx %gather3A_964[%add3A_959, %add3A_928] : memref<640x64xf32, #tpu.memory_space<vmem>>[vector<16xi32>, vector<16xi32>], vector<16xf32>,
        %mul3A_966 = arith.mulf %gather3A_934, %gather3A_965 : vector<16xf32>
        %add3A_967 = arith.addf %add3A_900, %mul3A_966 : vector<16xf32>
        %add3A_968 = arith.constant 3 : i32
        %add3A_969 = vector.broadcast %add3A_968 : i32 to vector<16xi32>
        %add3A_970 = arith.addi %mul3A_802, %add3A_969 : vector<16xi32>
        %gather3A_971 = arith.constant 0 : i32
        %gather3A_972 = arith.constant 0 : i32
        %gather3A_973 = arith.constant 0 : i32
        %gather3A_974 = tpu.memref_slice %arg10[%gather3A_971, %gather3A_972, %gather3A_973] : memref<2x640x64xf32, #tpu.memory_space<vmem>> -> memref<1x640x64xf32, #tpu.memory_space<vmem>>
        %gather3A_975 = tpu.memref_squeeze %gather3A_974 : memref<1x640x64xf32, #tpu.memory_space<vmem>> -> memref<640x64xf32, #tpu.memory_space<vmem>>
        %gather3A_976 = tpu.vector_load_idx %gather3A_975[%add3A_970, %add3A_928] : memref<640x64xf32, #tpu.memory_space<vmem>>[vector<16xi32>, vector<16xi32>], vector<16xf32>,
        %mul3A_977 = arith.mulf %gather3A_934, %gather3A_976 : vector<16xf32>
        %add3A_978 = arith.addf %add3A_911, %mul3A_977 : vector<16xf32>
        %add3A_979 = arith.constant 4 : i32
        %add3A_980 = vector.broadcast %add3A_979 : i32 to vector<16xi32>
        %add3A_981 = arith.addi %mul3A_802, %add3A_980 : vector<16xi32>
        %gather3A_982 = arith.constant 0 : i32
        %gather3A_983 = arith.constant 0 : i32
        %gather3A_984 = arith.constant 0 : i32
        %gather3A_985 = tpu.memref_slice %arg10[%gather3A_982, %gather3A_983, %gather3A_984] : memref<2x640x64xf32, #tpu.memory_space<vmem>> -> memref<1x640x64xf32, #tpu.memory_space<vmem>>
        %gather3A_986 = tpu.memref_squeeze %gather3A_985 : memref<1x640x64xf32, #tpu.memory_space<vmem>> -> memref<640x64xf32, #tpu.memory_space<vmem>>
        %gather3A_987 = tpu.vector_load_idx %gather3A_986[%add3A_981, %add3A_928] : memref<640x64xf32, #tpu.memory_space<vmem>>[vector<16xi32>, vector<16xi32>], vector<16xf32>,
        %mul3A_988 = arith.mulf %gather3A_934, %gather3A_987 : vector<16xf32>
        %add3A_989 = arith.addf %add3A_922, %mul3A_988 : vector<16xf32>
        %scan3A_990 = arith.constant 2 : i32
        %scan3A_991 = arith.addi %scan3A_853, %scan3A_990 : i32
        %broadcast_in_dim3A_992 = arith.constant 0 : i32
        %broadcast_in_dim3A_993 = vector.broadcast %broadcast_in_dim3A_992 : i32 to vector<16xi32>
        %add3A_994 = vector.broadcast %scan3A_991 : i32 to vector<16xi32>
        %add3A_995 = arith.addi %broadcast_in_dim3A_993, %add3A_994 : vector<16xi32>
        %gather3A_996 = arith.constant 0 : i32
        %gather3A_997 = arith.constant 0 : i32
        %gather3A_998 = arith.constant 0 : i32
        %gather3A_999 = tpu.memref_slice %arg9[%gather3A_996, %gather3A_997, %gather3A_998] : memref<2x128x64xf32, #tpu.memory_space<vmem>> -> memref<1x128x64xf32, #tpu.memory_space<vmem>>
        %gather3A_1000 = tpu.memref_squeeze %gather3A_999 : memref<1x128x64xf32, #tpu.memory_space<vmem>> -> memref<128x64xf32, #tpu.memory_space<vmem>>
        %gather3A_1001 = tpu.vector_load_idx %gather3A_1000[%add3A_799, %add3A_995] : memref<128x64xf32, #tpu.memory_space<vmem>>[vector<16xi32>, vector<16xi32>], vector<16xf32>,
        %add3A_1002 = arith.constant 0 : i32
        %add3A_1003 = vector.broadcast %add3A_1002 : i32 to vector<16xi32>
        %add3A_1004 = arith.addi %mul3A_802, %add3A_1003 : vector<16xi32>
        %gather3A_1005 = arith.constant 0 : i32
        %gather3A_1006 = arith.constant 0 : i32
        %gather3A_1007 = arith.constant 0 : i32
        %gather3A_1008 = tpu.memref_slice %arg10[%gather3A_1005, %gather3A_1006, %gather3A_1007] : memref<2x640x64xf32, #tpu.memory_space<vmem>> -> memref<1x640x64xf32, #tpu.memory_space<vmem>>
        %gather3A_1009 = tpu.memref_squeeze %gather3A_1008 : memref<1x640x64xf32, #tpu.memory_space<vmem>> -> memref<640x64xf32, #tpu.memory_space<vmem>>
        %gather3A_1010 = tpu.vector_load_idx %gather3A_1009[%add3A_1004, %add3A_995] : memref<640x64xf32, #tpu.memory_space<vmem>>[vector<16xi32>, vector<16xi32>], vector<16xf32>,
        %mul3A_1011 = arith.mulf %gather3A_1001, %gather3A_1010 : vector<16xf32>
        %add3A_1012 = arith.addf %add3A_945, %mul3A_1011 : vector<16xf32>
        %add3A_1013 = arith.constant 1 : i32
        %add3A_1014 = vector.broadcast %add3A_1013 : i32 to vector<16xi32>
        %add3A_1015 = arith.addi %mul3A_802, %add3A_1014 : vector<16xi32>
        %gather3A_1016 = arith.constant 0 : i32
        %gather3A_1017 = arith.constant 0 : i32
        %gather3A_1018 = arith.constant 0 : i32
        %gather3A_1019 = tpu.memref_slice %arg10[%gather3A_1016, %gather3A_1017, %gather3A_1018] : memref<2x640x64xf32, #tpu.memory_space<vmem>> -> memref<1x640x64xf32, #tpu.memory_space<vmem>>
        %gather3A_1020 = tpu.memref_squeeze %gather3A_1019 : memref<1x640x64xf32, #tpu.memory_space<vmem>> -> memref<640x64xf32, #tpu.memory_space<vmem>>
        %gather3A_1021 = tpu.vector_load_idx %gather3A_1020[%add3A_1015, %add3A_995] : memref<640x64xf32, #tpu.memory_space<vmem>>[vector<16xi32>, vector<16xi32>], vector<16xf32>,
        %mul3A_1022 = arith.mulf %gather3A_1001, %gather3A_1021 : vector<16xf32>
        %add3A_1023 = arith.addf %add3A_956, %mul3A_1022 : vector<16xf32>
        %add3A_1024 = arith.constant 2 : i32
        %add3A_1025 = vector.broadcast %add3A_1024 : i32 to vector<16xi32>
        %add3A_1026 = arith.addi %mul3A_802, %add3A_1025 : vector<16xi32>
        %gather3A_1027 = arith.constant 0 : i32
        %gather3A_1028 = arith.constant 0 : i32
        %gather3A_1029 = arith.constant 0 : i32
        %gather3A_1030 = tpu.memref_slice %arg10[%gather3A_1027, %gather3A_1028, %gather3A_1029] : memref<2x640x64xf32, #tpu.memory_space<vmem>> -> memref<1x640x64xf32, #tpu.memory_space<vmem>>
        %gather3A_1031 = tpu.memref_squeeze %gather3A_1030 : memref<1x640x64xf32, #tpu.memory_space<vmem>> -> memref<640x64xf32, #tpu.memory_space<vmem>>
        %gather3A_1032 = tpu.vector_load_idx %gather3A_1031[%add3A_1026, %add3A_995] : memref<640x64xf32, #tpu.memory_space<vmem>>[vector<16xi32>, vector<16xi32>], vector<16xf32>,
        %mul3A_1033 = arith.mulf %gather3A_1001, %gather3A_1032 : vector<16xf32>
        %add3A_1034 = arith.addf %add3A_967, %mul3A_1033 : vector<16xf32>
        %add3A_1035 = arith.constant 3 : i32
        %add3A_1036 = vector.broadcast %add3A_1035 : i32 to vector<16xi32>
        %add3A_1037 = arith.addi %mul3A_802, %add3A_1036 : vector<16xi32>
        %gather3A_1038 = arith.constant 0 : i32
        %gather3A_1039 = arith.constant 0 : i32
        %gather3A_1040 = arith.constant 0 : i32
        %gather3A_1041 = tpu.memref_slice %arg10[%gather3A_1038, %gather3A_1039, %gather3A_1040] : memref<2x640x64xf32, #tpu.memory_space<vmem>> -> memref<1x640x64xf32, #tpu.memory_space<vmem>>
        %gather3A_1042 = tpu.memref_squeeze %gather3A_1041 : memref<1x640x64xf32, #tpu.memory_space<vmem>> -> memref<640x64xf32, #tpu.memory_space<vmem>>
        %gather3A_1043 = tpu.vector_load_idx %gather3A_1042[%add3A_1037, %add3A_995] : memref<640x64xf32, #tpu.memory_space<vmem>>[vector<16xi32>, vector<16xi32>], vector<16xf32>,
        %mul3A_1044 = arith.mulf %gather3A_1001, %gather3A_1043 : vector<16xf32>
        %add3A_1045 = arith.addf %add3A_978, %mul3A_1044 : vector<16xf32>
        %add3A_1046 = arith.constant 4 : i32
        %add3A_1047 = vector.broadcast %add3A_1046 : i32 to vector<16xi32>
        %add3A_1048 = arith.addi %mul3A_802, %add3A_1047 : vector<16xi32>
        %gather3A_1049 = arith.constant 0 : i32
        %gather3A_1050 = arith.constant 0 : i32
        %gather3A_1051 = arith.constant 0 : i32
        %gather3A_1052 = tpu.memref_slice %arg10[%gather3A_1049, %gather3A_1050, %gather3A_1051] : memref<2x640x64xf32, #tpu.memory_space<vmem>> -> memref<1x640x64xf32, #tpu.memory_space<vmem>>
        %gather3A_1053 = tpu.memref_squeeze %gather3A_1052 : memref<1x640x64xf32, #tpu.memory_space<vmem>> -> memref<640x64xf32, #tpu.memory_space<vmem>>
        %gather3A_1054 = tpu.vector_load_idx %gather3A_1053[%add3A_1048, %add3A_995] : memref<640x64xf32, #tpu.memory_space<vmem>>[vector<16xi32>, vector<16xi32>], vector<16xf32>,
        %mul3A_1055 = arith.mulf %gather3A_1001, %gather3A_1054 : vector<16xf32>
        %add3A_1056 = arith.addf %add3A_989, %mul3A_1055 : vector<16xf32>
        %scan3A_1057 = arith.constant 3 : i32
        %scan3A_1058 = arith.addi %scan3A_853, %scan3A_1057 : i32
        %broadcast_in_dim3A_1059 = arith.constant 0 : i32
        %broadcast_in_dim3A_1060 = vector.broadcast %broadcast_in_dim3A_1059 : i32 to vector<16xi32>
        %add3A_1061 = vector.broadcast %scan3A_1058 : i32 to vector<16xi32>
        %add3A_1062 = arith.addi %broadcast_in_dim3A_1060, %add3A_1061 : vector<16xi32>
        %gather3A_1063 = arith.constant 0 : i32
        %gather3A_1064 = arith.constant 0 : i32
        %gather3A_1065 = arith.constant 0 : i32
        %gather3A_1066 = tpu.memref_slice %arg9[%gather3A_1063, %gather3A_1064, %gather3A_1065] : memref<2x128x64xf32, #tpu.memory_space<vmem>> -> memref<1x128x64xf32, #tpu.memory_space<vmem>>
        %gather3A_1067 = tpu.memref_squeeze %gather3A_1066 : memref<1x128x64xf32, #tpu.memory_space<vmem>> -> memref<128x64xf32, #tpu.memory_space<vmem>>
        %gather3A_1068 = tpu.vector_load_idx %gather3A_1067[%add3A_799, %add3A_1062] : memref<128x64xf32, #tpu.memory_space<vmem>>[vector<16xi32>, vector<16xi32>], vector<16xf32>,
        %add3A_1069 = arith.constant 0 : i32
        %add3A_1070 = vector.broadcast %add3A_1069 : i32 to vector<16xi32>
        %add3A_1071 = arith.addi %mul3A_802, %add3A_1070 : vector<16xi32>
        %gather3A_1072 = arith.constant 0 : i32
        %gather3A_1073 = arith.constant 0 : i32
        %gather3A_1074 = arith.constant 0 : i32
        %gather3A_1075 = tpu.memref_slice %arg10[%gather3A_1072, %gather3A_1073, %gather3A_1074] : memref<2x640x64xf32, #tpu.memory_space<vmem>> -> memref<1x640x64xf32, #tpu.memory_space<vmem>>
        %gather3A_1076 = tpu.memref_squeeze %gather3A_1075 : memref<1x640x64xf32, #tpu.memory_space<vmem>> -> memref<640x64xf32, #tpu.memory_space<vmem>>
        %gather3A_1077 = tpu.vector_load_idx %gather3A_1076[%add3A_1071, %add3A_1062] : memref<640x64xf32, #tpu.memory_space<vmem>>[vector<16xi32>, vector<16xi32>], vector<16xf32>,
        %mul3A_1078 = arith.mulf %gather3A_1068, %gather3A_1077 : vector<16xf32>
        %add3A_1079 = arith.addf %add3A_1012, %mul3A_1078 : vector<16xf32>
        %add3A_1080 = arith.constant 1 : i32
        %add3A_1081 = vector.broadcast %add3A_1080 : i32 to vector<16xi32>
        %add3A_1082 = arith.addi %mul3A_802, %add3A_1081 : vector<16xi32>
        %gather3A_1083 = arith.constant 0 : i32
        %gather3A_1084 = arith.constant 0 : i32
        %gather3A_1085 = arith.constant 0 : i32
        %gather3A_1086 = tpu.memref_slice %arg10[%gather3A_1083, %gather3A_1084, %gather3A_1085] : memref<2x640x64xf32, #tpu.memory_space<vmem>> -> memref<1x640x64xf32, #tpu.memory_space<vmem>>
        %gather3A_1087 = tpu.memref_squeeze %gather3A_1086 : memref<1x640x64xf32, #tpu.memory_space<vmem>> -> memref<640x64xf32, #tpu.memory_space<vmem>>
        %gather3A_1088 = tpu.vector_load_idx %gather3A_1087[%add3A_1082, %add3A_1062] : memref<640x64xf32, #tpu.memory_space<vmem>>[vector<16xi32>, vector<16xi32>], vector<16xf32>,
        %mul3A_1089 = arith.mulf %gather3A_1068, %gather3A_1088 : vector<16xf32>
        %add3A_1090 = arith.addf %add3A_1023, %mul3A_1089 : vector<16xf32>
        %add3A_1091 = arith.constant 2 : i32
        %add3A_1092 = vector.broadcast %add3A_1091 : i32 to vector<16xi32>
        %add3A_1093 = arith.addi %mul3A_802, %add3A_1092 : vector<16xi32>
        %gather3A_1094 = arith.constant 0 : i32
        %gather3A_1095 = arith.constant 0 : i32
        %gather3A_1096 = arith.constant 0 : i32
        %gather3A_1097 = tpu.memref_slice %arg10[%gather3A_1094, %gather3A_1095, %gather3A_1096] : memref<2x640x64xf32, #tpu.memory_space<vmem>> -> memref<1x640x64xf32, #tpu.memory_space<vmem>>
        %gather3A_1098 = tpu.memref_squeeze %gather3A_1097 : memref<1x640x64xf32, #tpu.memory_space<vmem>> -> memref<640x64xf32, #tpu.memory_space<vmem>>
        %gather3A_1099 = tpu.vector_load_idx %gather3A_1098[%add3A_1093, %add3A_1062] : memref<640x64xf32, #tpu.memory_space<vmem>>[vector<16xi32>, vector<16xi32>], vector<16xf32>,
        %mul3A_1100 = arith.mulf %gather3A_1068, %gather3A_1099 : vector<16xf32>
        %add3A_1101 = arith.addf %add3A_1034, %mul3A_1100 : vector<16xf32>
        %add3A_1102 = arith.constant 3 : i32
        %add3A_1103 = vector.broadcast %add3A_1102 : i32 to vector<16xi32>
        %add3A_1104 = arith.addi %mul3A_802, %add3A_1103 : vector<16xi32>
        %gather3A_1105 = arith.constant 0 : i32
        %gather3A_1106 = arith.constant 0 : i32
        %gather3A_1107 = arith.constant 0 : i32
        %gather3A_1108 = tpu.memref_slice %arg10[%gather3A_1105, %gather3A_1106, %gather3A_1107] : memref<2x640x64xf32, #tpu.memory_space<vmem>> -> memref<1x640x64xf32, #tpu.memory_space<vmem>>
        %gather3A_1109 = tpu.memref_squeeze %gather3A_1108 : memref<1x640x64xf32, #tpu.memory_space<vmem>> -> memref<640x64xf32, #tpu.memory_space<vmem>>
        %gather3A_1110 = tpu.vector_load_idx %gather3A_1109[%add3A_1104, %add3A_1062] : memref<640x64xf32, #tpu.memory_space<vmem>>[vector<16xi32>, vector<16xi32>], vector<16xf32>,
        %mul3A_1111 = arith.mulf %gather3A_1068, %gather3A_1110 : vector<16xf32>
        %add3A_1112 = arith.addf %add3A_1045, %mul3A_1111 : vector<16xf32>
        %add3A_1113 = arith.constant 4 : i32
        %add3A_1114 = vector.broadcast %add3A_1113 : i32 to vector<16xi32>
        %add3A_1115 = arith.addi %mul3A_802, %add3A_1114 : vector<16xi32>
        %gather3A_1116 = arith.constant 0 : i32
        %gather3A_1117 = arith.constant 0 : i32
        %gather3A_1118 = arith.constant 0 : i32
        %gather3A_1119 = tpu.memref_slice %arg10[%gather3A_1116, %gather3A_1117, %gather3A_1118] : memref<2x640x64xf32, #tpu.memory_space<vmem>> -> memref<1x640x64xf32, #tpu.memory_space<vmem>>
        %gather3A_1120 = tpu.memref_squeeze %gather3A_1119 : memref<1x640x64xf32, #tpu.memory_space<vmem>> -> memref<640x64xf32, #tpu.memory_space<vmem>>
        %gather3A_1121 = tpu.vector_load_idx %gather3A_1120[%add3A_1115, %add3A_1062] : memref<640x64xf32, #tpu.memory_space<vmem>>[vector<16xi32>, vector<16xi32>], vector<16xf32>,
        %mul3A_1122 = arith.mulf %gather3A_1068, %gather3A_1121 : vector<16xf32>
        %add3A_1123 = arith.addf %add3A_1056, %mul3A_1122 : vector<16xf32>
        scf.yield %add3A_1079, %add3A_1090, %add3A_1101, %add3A_1112, %add3A_1123 : vector<16xf32>, vector<16xf32>, vector<16xf32>, vector<16xf32>, vector<16xf32>
      }
      %scan3A_817 = arith.constant 64 : i32
      %add3A_818 = arith.constant 0 : i32
      %add3A_819 = vector.broadcast %add3A_818 : i32 to vector<16xi32>
      %add3A_820 = arith.addi %mul3A_802, %add3A_819 : vector<16xi32>
      %scatter3A = arith.constant 0 : i32
      %scatter3A_821 = arith.constant 0 : i32
      %scatter3A_822 = tpu.memref_slice %arg11[%scatter3A, %scatter3A_821] : memref<2x640xf32, #tpu.memory_space<vmem>> -> memref<1x640xf32, #tpu.memory_space<vmem>>
      %scatter3A_823 = tpu.memref_squeeze %scatter3A_822 : memref<1x640xf32, #tpu.memory_space<vmem>> -> memref<640xf32, #tpu.memory_space<vmem>>
      tpu.vector_store_idx %scatter3A_823[%add3A_820], %scan3A_816#0 : memref<640xf32, #tpu.memory_space<vmem>>[vector<16xi32>], vector<16xf32>,
      %add3A_824 = arith.constant 1 : i32
      %add3A_825 = vector.broadcast %add3A_824 : i32 to vector<16xi32>
      %add3A_826 = arith.addi %mul3A_802, %add3A_825 : vector<16xi32>
      %scatter3A_827 = arith.constant 0 : i32
      %scatter3A_828 = arith.constant 0 : i32
      %scatter3A_829 = tpu.memref_slice %arg11[%scatter3A_827, %scatter3A_828] : memref<2x640xf32, #tpu.memory_space<vmem>> -> memref<1x640xf32, #tpu.memory_space<vmem>>
      %scatter3A_830 = tpu.memref_squeeze %scatter3A_829 : memref<1x640xf32, #tpu.memory_space<vmem>> -> memref<640xf32, #tpu.memory_space<vmem>>
      tpu.vector_store_idx %scatter3A_830[%add3A_826], %scan3A_816#1 : memref<640xf32, #tpu.memory_space<vmem>>[vector<16xi32>], vector<16xf32>,
      %add3A_831 = arith.constant 2 : i32
      %add3A_832 = vector.broadcast %add3A_831 : i32 to vector<16xi32>
      %add3A_833 = arith.addi %mul3A_802, %add3A_832 : vector<16xi32>
      %scatter3A_834 = arith.constant 0 : i32
      %scatter3A_835 = arith.constant 0 : i32
      %scatter3A_836 = tpu.memref_slice %arg11[%scatter3A_834, %scatter3A_835] : memref<2x640xf32, #tpu.memory_space<vmem>> -> memref<1x640xf32, #tpu.memory_space<vmem>>
      %scatter3A_837 = tpu.memref_squeeze %scatter3A_836 : memref<1x640xf32, #tpu.memory_space<vmem>> -> memref<640xf32, #tpu.memory_space<vmem>>
      tpu.vector_store_idx %scatter3A_837[%add3A_833], %scan3A_816#2 : memref<640xf32, #tpu.memory_space<vmem>>[vector<16xi32>], vector<16xf32>,
      %add3A_838 = arith.constant 3 : i32
      %add3A_839 = vector.broadcast %add3A_838 : i32 to vector<16xi32>
      %add3A_840 = arith.addi %mul3A_802, %add3A_839 : vector<16xi32>
      %scatter3A_841 = arith.constant 0 : i32
      %scatter3A_842 = arith.constant 0 : i32
      %scatter3A_843 = tpu.memref_slice %arg11[%scatter3A_841, %scatter3A_842] : memref<2x640xf32, #tpu.memory_space<vmem>> -> memref<1x640xf32, #tpu.memory_space<vmem>>
      %scatter3A_844 = tpu.memref_squeeze %scatter3A_843 : memref<1x640xf32, #tpu.memory_space<vmem>> -> memref<640xf32, #tpu.memory_space<vmem>>
      tpu.vector_store_idx %scatter3A_844[%add3A_840], %scan3A_816#3 : memref<640xf32, #tpu.memory_space<vmem>>[vector<16xi32>], vector<16xf32>,
      %add3A_845 = arith.constant 4 : i32
      %add3A_846 = vector.broadcast %add3A_845 : i32 to vector<16xi32>
      %add3A_847 = arith.addi %mul3A_802, %add3A_846 : vector<16xi32>
      %scatter3A_848 = arith.constant 0 : i32
      %scatter3A_849 = arith.constant 0 : i32
      %scatter3A_850 = tpu.memref_slice %arg11[%scatter3A_848, %scatter3A_849] : memref<2x640xf32, #tpu.memory_space<vmem>> -> memref<1x640xf32, #tpu.memory_space<vmem>>
      %scatter3A_851 = tpu.memref_squeeze %scatter3A_850 : memref<1x640xf32, #tpu.memory_space<vmem>> -> memref<640xf32, #tpu.memory_space<vmem>>
      tpu.vector_store_idx %scatter3A_851[%add3A_847], %scan3A_816#4 : memref<640xf32, #tpu.memory_space<vmem>>[vector<16xi32>], vector<16xf32>,
      %scan3A_852 = arith.constant 0 : i32
      scf.yield %scan3A_852 : i32
    }
    %scan3A_687 = arith.constant 8 : i32
    %mul3A_688 = arith.constant 5 : i32
    %mul3A_689 = arith.muli %add3A_589, %mul3A_688 : i32
    %run_scoped3A_690 = arith.constant 0 : i32
    "tpu.region"() ({
      %run_scoped3A_794 = tpu.sem_alloc : memref<!tpu.dma_semaphore, #tpu.memory_space<semaphore_mem>>
      %dma_start3A_795 = arith.constant 0 : i32
      %dma_start3A_796 = tpu.memref_slice %arg11[%run_scoped3A_690, %dma_start3A_795] : memref<2x640xf32, #tpu.memory_space<vmem>> -> memref<1x640xf32, #tpu.memory_space<vmem>>
      %dma_start3A_797 = tpu.memref_squeeze %dma_start3A_796 : memref<1x640xf32, #tpu.memory_space<vmem>> -> memref<640xf32, #tpu.memory_space<vmem>>
      %dma_start3A_798 = tpu.memref_slice %arg6[%mul3A_689] : memref<81920xf32, #tpu.memory_space<hbm>> -> memref<640xf32, #tpu.memory_space<hbm>>
      %dma_start3A_799 = tpu.memref_slice %arg6[%mul3A_689] : memref<81920xf32, #tpu.memory_space<hbm>> -> memref<640xf32, #tpu.memory_space<hbm>>
      %dma_start3A_800 = arith.constant 0 : i32
      %dma_start3A_801 = tpu.memref_slice %arg11[%run_scoped3A_690, %dma_start3A_800] : memref<2x640xf32, #tpu.memory_space<vmem>> -> memref<1x640xf32, #tpu.memory_space<vmem>>
      %dma_start3A_802 = tpu.memref_squeeze %dma_start3A_801 : memref<1x640xf32, #tpu.memory_space<vmem>> -> memref<640xf32, #tpu.memory_space<vmem>>
      tpu.enqueue_dma source(%dma_start3A_802 : memref<640xf32, #tpu.memory_space<vmem>>) target(%dma_start3A_799 : memref<640xf32, #tpu.memory_space<hbm>>) target_semaphore(%run_scoped3A_794 : memref<!tpu.dma_semaphore, #tpu.memory_space<semaphore_mem>>)
      %dma_wait3A_803 = arith.constant 0 : i32
      %dma_wait3A_804 = tpu.memref_slice %arg11[%run_scoped3A_690, %dma_wait3A_803] : memref<2x640xf32, #tpu.memory_space<vmem>> -> memref<1x640xf32, #tpu.memory_space<vmem>>
      %dma_wait3A_805 = tpu.memref_squeeze %dma_wait3A_804 : memref<1x640xf32, #tpu.memory_space<vmem>> -> memref<640xf32, #tpu.memory_space<vmem>>
      %dma_wait3A_806 = tpu.memref_slice %arg6[%mul3A_689] : memref<81920xf32, #tpu.memory_space<hbm>> -> memref<640xf32, #tpu.memory_space<hbm>>
      %dma_wait3A_807 = tpu.memref_slice %arg6[%mul3A_689] : memref<81920xf32, #tpu.memory_space<hbm>> -> memref<640xf32, #tpu.memory_space<hbm>>
      %dma_wait3A_808 = arith.constant 0 : i32
      %dma_wait3A_809 = tpu.memref_slice %arg11[%run_scoped3A_690, %dma_wait3A_808] : memref<2x640xf32, #tpu.memory_space<vmem>> -> memref<1x640xf32, #tpu.memory_space<vmem>>
      %dma_wait3A_810 = tpu.memref_squeeze %dma_wait3A_809 : memref<1x640xf32, #tpu.memory_space<vmem>> -> memref<640xf32, #tpu.memory_space<vmem>>
      tpu.wait_dma2 semaphore(%run_scoped3A_794 : memref<!tpu.dma_semaphore, #tpu.memory_space<semaphore_mem>>) src(%dma_wait3A_810 : memref<640xf32, #tpu.memory_space<vmem>>) dst(%dma_wait3A_807 : memref<640xf32, #tpu.memory_space<hbm>>)
      tpu.yield
    }) : () -> ()
    %add3A_691 = arith.constant 384 : i32
    %add3A_692 = arith.addi %mul3A_2, %add3A_691 : i32
    %dma_wait3A_693 = arith.constant 1 : i32
    %dma_wait3A_694 = arith.constant 1 : i32
    %dma_wait3A_695 = arith.constant 1 : i32
    %dma_wait3A_696 = arith.constant 0 : i32
    %dma_wait3A_697 = arith.constant 0 : i32
    %dma_wait3A_698 = tpu.memref_slice %arg9[%dma_wait3A_694, %dma_wait3A_696, %dma_wait3A_697] : memref<2x128x64xf32, #tpu.memory_space<vmem>> -> memref<1x128x64xf32, #tpu.memory_space<vmem>>
    %dma_wait3A_699 = tpu.memref_squeeze %dma_wait3A_698 : memref<1x128x64xf32, #tpu.memory_space<vmem>> -> memref<128x64xf32, #tpu.memory_space<vmem>>
    %dma_wait3A_700 = arith.constant 0 : i32
    %dma_wait3A_701 = tpu.memref_slice %arg7[%dma_wait3A_693, %dma_wait3A_700] : memref<2x128xi32, #tpu.memory_space<vmem>> -> memref<1x128xi32, #tpu.memory_space<vmem>>
    %dma_wait3A_702 = tpu.memref_squeeze %dma_wait3A_701 : memref<1x128xi32, #tpu.memory_space<vmem>> -> memref<128xi32, #tpu.memory_space<vmem>>
    %dma_wait3A_703 = arith.constant 0 : i32
    %dma_wait3A_704 = arith.constant 0 : i32
    %dma_wait3A_705 = tpu.memref_slice %arg4[%dma_wait3A_703, %dma_wait3A_704] : memref<1000000x64xf32, #tpu.memory_space<hbm>> -> memref<1000000x64xf32, #tpu.memory_space<hbm>>
    %dma_wait3A_706 = tpu.memref_slice %arg12[%dma_wait3A_695] : memref<2x!tpu.dma_semaphore, #tpu.memory_space<semaphore_mem>> -> memref<1x!tpu.dma_semaphore, #tpu.memory_space<semaphore_mem>>
    %dma_wait3A_707 = tpu.memref_squeeze %dma_wait3A_706 : memref<1x!tpu.dma_semaphore, #tpu.memory_space<semaphore_mem>> -> memref<!tpu.dma_semaphore, #tpu.memory_space<semaphore_mem>>
    tpu.wait_indirect_dma semaphore(%dma_wait3A_707 : memref<!tpu.dma_semaphore, #tpu.memory_space<semaphore_mem>>) src(%dma_wait3A_705 : memref<1000000x64xf32, #tpu.memory_space<hbm>>) dst(%dma_wait3A_699 : memref<128x64xf32, #tpu.memory_space<vmem>>)
    %dma_wait3A_708 = arith.constant 1 : i32
    %dma_wait3A_709 = arith.constant 1 : i32
    %dma_wait3A_710 = arith.constant 1 : i32
    %dma_wait3A_711 = arith.constant 0 : i32
    %dma_wait3A_712 = arith.constant 0 : i32
    %dma_wait3A_713 = tpu.memref_slice %arg10[%dma_wait3A_709, %dma_wait3A_711, %dma_wait3A_712] : memref<2x640x64xf32, #tpu.memory_space<vmem>> -> memref<1x128x64xf32, #tpu.memory_space<vmem>>
    %dma_wait3A_714 = tpu.memref_squeeze %dma_wait3A_713 : memref<1x128x64xf32, #tpu.memory_space<vmem>> -> memref<128x64xf32, #tpu.memory_space<vmem>>
    %dma_wait3A_715 = arith.constant 0 : i32
    %dma_wait3A_716 = tpu.memref_slice %arg8[%dma_wait3A_708, %dma_wait3A_715] : memref<2x640xi32, #tpu.memory_space<vmem>> -> memref<1x128xi32, #tpu.memory_space<vmem>>
    %dma_wait3A_717 = tpu.memref_squeeze %dma_wait3A_716 : memref<1x128xi32, #tpu.memory_space<vmem>> -> memref<128xi32, #tpu.memory_space<vmem>>
    %dma_wait3A_718 = arith.constant 0 : i32
    %dma_wait3A_719 = arith.constant 0 : i32
    %dma_wait3A_720 = tpu.memref_slice %arg5[%dma_wait3A_718, %dma_wait3A_719] : memref<1000000x64xf32, #tpu.memory_space<hbm>> -> memref<1000000x64xf32, #tpu.memory_space<hbm>>
    %dma_wait3A_721 = tpu.memref_slice %arg12[%dma_wait3A_710] : memref<2x!tpu.dma_semaphore, #tpu.memory_space<semaphore_mem>> -> memref<1x!tpu.dma_semaphore, #tpu.memory_space<semaphore_mem>>
    %dma_wait3A_722 = tpu.memref_squeeze %dma_wait3A_721 : memref<1x!tpu.dma_semaphore, #tpu.memory_space<semaphore_mem>> -> memref<!tpu.dma_semaphore, #tpu.memory_space<semaphore_mem>>
    tpu.wait_indirect_dma semaphore(%dma_wait3A_722 : memref<!tpu.dma_semaphore, #tpu.memory_space<semaphore_mem>>) src(%dma_wait3A_720 : memref<1000000x64xf32, #tpu.memory_space<hbm>>) dst(%dma_wait3A_714 : memref<128x64xf32, #tpu.memory_space<vmem>>)
    %dma_wait3A_723 = arith.constant 1 : i32
    %dma_wait3A_724 = arith.constant 1 : i32
    %dma_wait3A_725 = arith.constant 1 : i32
    %dma_wait3A_726 = arith.constant 128 : i32
    %dma_wait3A_727 = arith.constant 0 : i32
    %dma_wait3A_728 = tpu.memref_slice %arg10[%dma_wait3A_724, %dma_wait3A_726, %dma_wait3A_727] : memref<2x640x64xf32, #tpu.memory_space<vmem>> -> memref<1x128x64xf32, #tpu.memory_space<vmem>>
    %dma_wait3A_729 = tpu.memref_squeeze %dma_wait3A_728 : memref<1x128x64xf32, #tpu.memory_space<vmem>> -> memref<128x64xf32, #tpu.memory_space<vmem>>
    %dma_wait3A_730 = arith.constant 128 : i32
    %dma_wait3A_731 = tpu.memref_slice %arg8[%dma_wait3A_723, %dma_wait3A_730] : memref<2x640xi32, #tpu.memory_space<vmem>> -> memref<1x128xi32, #tpu.memory_space<vmem>>
    %dma_wait3A_732 = tpu.memref_squeeze %dma_wait3A_731 : memref<1x128xi32, #tpu.memory_space<vmem>> -> memref<128xi32, #tpu.memory_space<vmem>>
    %dma_wait3A_733 = arith.constant 0 : i32
    %dma_wait3A_734 = arith.constant 0 : i32
    %dma_wait3A_735 = tpu.memref_slice %arg5[%dma_wait3A_733, %dma_wait3A_734] : memref<1000000x64xf32, #tpu.memory_space<hbm>> -> memref<1000000x64xf32, #tpu.memory_space<hbm>>
    %dma_wait3A_736 = tpu.memref_slice %arg12[%dma_wait3A_725] : memref<2x!tpu.dma_semaphore, #tpu.memory_space<semaphore_mem>> -> memref<1x!tpu.dma_semaphore, #tpu.memory_space<semaphore_mem>>
    %dma_wait3A_737 = tpu.memref_squeeze %dma_wait3A_736 : memref<1x!tpu.dma_semaphore, #tpu.memory_space<semaphore_mem>> -> memref<!tpu.dma_semaphore, #tpu.memory_space<semaphore_mem>>
    tpu.wait_indirect_dma semaphore(%dma_wait3A_737 : memref<!tpu.dma_semaphore, #tpu.memory_space<semaphore_mem>>) src(%dma_wait3A_735 : memref<1000000x64xf32, #tpu.memory_space<hbm>>) dst(%dma_wait3A_729 : memref<128x64xf32, #tpu.memory_space<vmem>>)
    %dma_wait3A_738 = arith.constant 1 : i32
    %dma_wait3A_739 = arith.constant 1 : i32
    %dma_wait3A_740 = arith.constant 1 : i32
    %dma_wait3A_741 = arith.constant 256 : i32
    %dma_wait3A_742 = arith.constant 0 : i32
    %dma_wait3A_743 = tpu.memref_slice %arg10[%dma_wait3A_739, %dma_wait3A_741, %dma_wait3A_742] : memref<2x640x64xf32, #tpu.memory_space<vmem>> -> memref<1x128x64xf32, #tpu.memory_space<vmem>>
    %dma_wait3A_744 = tpu.memref_squeeze %dma_wait3A_743 : memref<1x128x64xf32, #tpu.memory_space<vmem>> -> memref<128x64xf32, #tpu.memory_space<vmem>>
    %dma_wait3A_745 = arith.constant 256 : i32
    %dma_wait3A_746 = tpu.memref_slice %arg8[%dma_wait3A_738, %dma_wait3A_745] : memref<2x640xi32, #tpu.memory_space<vmem>> -> memref<1x128xi32, #tpu.memory_space<vmem>>
    %dma_wait3A_747 = tpu.memref_squeeze %dma_wait3A_746 : memref<1x128xi32, #tpu.memory_space<vmem>> -> memref<128xi32, #tpu.memory_space<vmem>>
    %dma_wait3A_748 = arith.constant 0 : i32
    %dma_wait3A_749 = arith.constant 0 : i32
    %dma_wait3A_750 = tpu.memref_slice %arg5[%dma_wait3A_748, %dma_wait3A_749] : memref<1000000x64xf32, #tpu.memory_space<hbm>> -> memref<1000000x64xf32, #tpu.memory_space<hbm>>
    %dma_wait3A_751 = tpu.memref_slice %arg12[%dma_wait3A_740] : memref<2x!tpu.dma_semaphore, #tpu.memory_space<semaphore_mem>> -> memref<1x!tpu.dma_semaphore, #tpu.memory_space<semaphore_mem>>
    %dma_wait3A_752 = tpu.memref_squeeze %dma_wait3A_751 : memref<1x!tpu.dma_semaphore, #tpu.memory_space<semaphore_mem>> -> memref<!tpu.dma_semaphore, #tpu.memory_space<semaphore_mem>>
    tpu.wait_indirect_dma semaphore(%dma_wait3A_752 : memref<!tpu.dma_semaphore, #tpu.memory_space<semaphore_mem>>) src(%dma_wait3A_750 : memref<1000000x64xf32, #tpu.memory_space<hbm>>) dst(%dma_wait3A_744 : memref<128x64xf32, #tpu.memory_space<vmem>>)
    %dma_wait3A_753 = arith.constant 1 : i32
    %dma_wait3A_754 = arith.constant 1 : i32
    %dma_wait3A_755 = arith.constant 1 : i32
    %dma_wait3A_756 = arith.constant 384 : i32
    %dma_wait3A_757 = arith.constant 0 : i32
    %dma_wait3A_758 = tpu.memref_slice %arg10[%dma_wait3A_754, %dma_wait3A_756, %dma_wait3A_757] : memref<2x640x64xf32, #tpu.memory_space<vmem>> -> memref<1x128x64xf32, #tpu.memory_space<vmem>>
    %dma_wait3A_759 = tpu.memref_squeeze %dma_wait3A_758 : memref<1x128x64xf32, #tpu.memory_space<vmem>> -> memref<128x64xf32, #tpu.memory_space<vmem>>
    %dma_wait3A_760 = arith.constant 384 : i32
    %dma_wait3A_761 = tpu.memref_slice %arg8[%dma_wait3A_753, %dma_wait3A_760] : memref<2x640xi32, #tpu.memory_space<vmem>> -> memref<1x128xi32, #tpu.memory_space<vmem>>
    %dma_wait3A_762 = tpu.memref_squeeze %dma_wait3A_761 : memref<1x128xi32, #tpu.memory_space<vmem>> -> memref<128xi32, #tpu.memory_space<vmem>>
    %dma_wait3A_763 = arith.constant 0 : i32
    %dma_wait3A_764 = arith.constant 0 : i32
    %dma_wait3A_765 = tpu.memref_slice %arg5[%dma_wait3A_763, %dma_wait3A_764] : memref<1000000x64xf32, #tpu.memory_space<hbm>> -> memref<1000000x64xf32, #tpu.memory_space<hbm>>
    %dma_wait3A_766 = tpu.memref_slice %arg12[%dma_wait3A_755] : memref<2x!tpu.dma_semaphore, #tpu.memory_space<semaphore_mem>> -> memref<1x!tpu.dma_semaphore, #tpu.memory_space<semaphore_mem>>
    %dma_wait3A_767 = tpu.memref_squeeze %dma_wait3A_766 : memref<1x!tpu.dma_semaphore, #tpu.memory_space<semaphore_mem>> -> memref<!tpu.dma_semaphore, #tpu.memory_space<semaphore_mem>>
    tpu.wait_indirect_dma semaphore(%dma_wait3A_767 : memref<!tpu.dma_semaphore, #tpu.memory_space<semaphore_mem>>) src(%dma_wait3A_765 : memref<1000000x64xf32, #tpu.memory_space<hbm>>) dst(%dma_wait3A_759 : memref<128x64xf32, #tpu.memory_space<vmem>>)
    %dma_wait3A_768 = arith.constant 1 : i32
    %dma_wait3A_769 = arith.constant 1 : i32
    %dma_wait3A_770 = arith.constant 1 : i32
    %dma_wait3A_771 = arith.constant 512 : i32
    %dma_wait3A_772 = arith.constant 0 : i32
    %dma_wait3A_773 = tpu.memref_slice %arg10[%dma_wait3A_769, %dma_wait3A_771, %dma_wait3A_772] : memref<2x640x64xf32, #tpu.memory_space<vmem>> -> memref<1x128x64xf32, #tpu.memory_space<vmem>>
    %dma_wait3A_774 = tpu.memref_squeeze %dma_wait3A_773 : memref<1x128x64xf32, #tpu.memory_space<vmem>> -> memref<128x64xf32, #tpu.memory_space<vmem>>
    %dma_wait3A_775 = arith.constant 512 : i32
    %dma_wait3A_776 = tpu.memref_slice %arg8[%dma_wait3A_768, %dma_wait3A_775] : memref<2x640xi32, #tpu.memory_space<vmem>> -> memref<1x128xi32, #tpu.memory_space<vmem>>
    %dma_wait3A_777 = tpu.memref_squeeze %dma_wait3A_776 : memref<1x128xi32, #tpu.memory_space<vmem>> -> memref<128xi32, #tpu.memory_space<vmem>>
    %dma_wait3A_778 = arith.constant 0 : i32
    %dma_wait3A_779 = arith.constant 0 : i32
    %dma_wait3A_780 = tpu.memref_slice %arg5[%dma_wait3A_778, %dma_wait3A_779] : memref<1000000x64xf32, #tpu.memory_space<hbm>> -> memref<1000000x64xf32, #tpu.memory_space<hbm>>
    %dma_wait3A_781 = tpu.memref_slice %arg12[%dma_wait3A_770] : memref<2x!tpu.dma_semaphore, #tpu.memory_space<semaphore_mem>> -> memref<1x!tpu.dma_semaphore, #tpu.memory_space<semaphore_mem>>
    %dma_wait3A_782 = tpu.memref_squeeze %dma_wait3A_781 : memref<1x!tpu.dma_semaphore, #tpu.memory_space<semaphore_mem>> -> memref<!tpu.dma_semaphore, #tpu.memory_space<semaphore_mem>>
    tpu.wait_indirect_dma semaphore(%dma_wait3A_782 : memref<!tpu.dma_semaphore, #tpu.memory_space<semaphore_mem>>) src(%dma_wait3A_780 : memref<1000000x64xf32, #tpu.memory_space<hbm>>) dst(%dma_wait3A_774 : memref<128x64xf32, #tpu.memory_space<vmem>>)
    %iota3A_783 = tpu.iota {dimensions = array<i32: 0>} : vector<16xi32>
    %scan3A_784 = arith.constant 0 : i32
    %scan3A_785 = arith.constant 0 : i32
    %scan3A_786 = arith.constant 8 : i32
    %scan3A_787 = arith.addi %scan3A_785, %scan3A_786 : i32
    %scan3A_788 = arith.constant 1 : i32
    %scan3A_789 = scf.for %scan3A_794 = %scan3A_785 to %scan3A_787 step %scan3A_788 iter_args(%scan3A_795 = %scan3A_784) -> (i32)  : i32 {
      %mul3A_796 = arith.constant 16 : i32
      %mul3A_797 = arith.muli %scan3A_794, %mul3A_796 : i32
      %add3A_798 = vector.broadcast %mul3A_797 : i32 to vector<16xi32>
      %add3A_799 = arith.addi %iota3A_783, %add3A_798 : vector<16xi32>
      %mul3A_800 = arith.constant 5 : i32
      %mul3A_801 = vector.broadcast %mul3A_800 : i32 to vector<16xi32>
      %mul3A_802 = arith.muli %add3A_799, %mul3A_801 : vector<16xi32>
      %broadcast_in_dim3A = arith.constant 0.000000e+00 : f32
      %broadcast_in_dim3A_803 = vector.broadcast %broadcast_in_dim3A : f32 to vector<16xf32>
      %broadcast_in_dim3A_804 = arith.constant 0.000000e+00 : f32
      %broadcast_in_dim3A_805 = vector.broadcast %broadcast_in_dim3A_804 : f32 to vector<16xf32>
      %broadcast_in_dim3A_806 = arith.constant 0.000000e+00 : f32
      %broadcast_in_dim3A_807 = vector.broadcast %broadcast_in_dim3A_806 : f32 to vector<16xf32>
      %broadcast_in_dim3A_808 = arith.constant 0.000000e+00 : f32
      %broadcast_in_dim3A_809 = vector.broadcast %broadcast_in_dim3A_808 : f32 to vector<16xf32>
      %broadcast_in_dim3A_810 = arith.constant 0.000000e+00 : f32
      %broadcast_in_dim3A_811 = vector.broadcast %broadcast_in_dim3A_810 : f32 to vector<16xf32>
      %scan3A_812 = arith.constant 0 : i32
      %scan3A_813 = arith.constant 64 : i32
      %scan3A_814 = arith.addi %scan3A_812, %scan3A_813 : i32
      %scan3A_815 = arith.constant 4 : i32
      %scan3A_816:5 = scf.for %scan3A_853 = %scan3A_812 to %scan3A_814 step %scan3A_815 iter_args(%scan3A_854 = %broadcast_in_dim3A_803, %scan3A_855 = %broadcast_in_dim3A_805, %scan3A_856 = %broadcast_in_dim3A_807, %scan3A_857 = %broadcast_in_dim3A_809, %scan3A_858 = %broadcast_in_dim3A_811) -> (vector<16xf32>, vector<16xf32>, vector<16xf32>, vector<16xf32>, vector<16xf32>)  : i32 {
        %broadcast_in_dim3A_859 = arith.constant 0 : i32
        %broadcast_in_dim3A_860 = vector.broadcast %broadcast_in_dim3A_859 : i32 to vector<16xi32>
        %add3A_861 = vector.broadcast %scan3A_853 : i32 to vector<16xi32>
        %add3A_862 = arith.addi %broadcast_in_dim3A_860, %add3A_861 : vector<16xi32>
        %gather3A = arith.constant 1 : i32
        %gather3A_863 = arith.constant 0 : i32
        %gather3A_864 = arith.constant 0 : i32
        %gather3A_865 = tpu.memref_slice %arg9[%gather3A, %gather3A_863, %gather3A_864] : memref<2x128x64xf32, #tpu.memory_space<vmem>> -> memref<1x128x64xf32, #tpu.memory_space<vmem>>
        %gather3A_866 = tpu.memref_squeeze %gather3A_865 : memref<1x128x64xf32, #tpu.memory_space<vmem>> -> memref<128x64xf32, #tpu.memory_space<vmem>>
        %gather3A_867 = tpu.vector_load_idx %gather3A_866[%add3A_799, %add3A_862] : memref<128x64xf32, #tpu.memory_space<vmem>>[vector<16xi32>, vector<16xi32>], vector<16xf32>,
        %add3A_868 = arith.constant 0 : i32
        %add3A_869 = vector.broadcast %add3A_868 : i32 to vector<16xi32>
        %add3A_870 = arith.addi %mul3A_802, %add3A_869 : vector<16xi32>
        %gather3A_871 = arith.constant 1 : i32
        %gather3A_872 = arith.constant 0 : i32
        %gather3A_873 = arith.constant 0 : i32
        %gather3A_874 = tpu.memref_slice %arg10[%gather3A_871, %gather3A_872, %gather3A_873] : memref<2x640x64xf32, #tpu.memory_space<vmem>> -> memref<1x640x64xf32, #tpu.memory_space<vmem>>
        %gather3A_875 = tpu.memref_squeeze %gather3A_874 : memref<1x640x64xf32, #tpu.memory_space<vmem>> -> memref<640x64xf32, #tpu.memory_space<vmem>>
        %gather3A_876 = tpu.vector_load_idx %gather3A_875[%add3A_870, %add3A_862] : memref<640x64xf32, #tpu.memory_space<vmem>>[vector<16xi32>, vector<16xi32>], vector<16xf32>,
        %mul3A_877 = arith.mulf %gather3A_867, %gather3A_876 : vector<16xf32>
        %add3A_878 = arith.addf %scan3A_854, %mul3A_877 : vector<16xf32>
        %add3A_879 = arith.constant 1 : i32
        %add3A_880 = vector.broadcast %add3A_879 : i32 to vector<16xi32>
        %add3A_881 = arith.addi %mul3A_802, %add3A_880 : vector<16xi32>
        %gather3A_882 = arith.constant 1 : i32
        %gather3A_883 = arith.constant 0 : i32
        %gather3A_884 = arith.constant 0 : i32
        %gather3A_885 = tpu.memref_slice %arg10[%gather3A_882, %gather3A_883, %gather3A_884] : memref<2x640x64xf32, #tpu.memory_space<vmem>> -> memref<1x640x64xf32, #tpu.memory_space<vmem>>
        %gather3A_886 = tpu.memref_squeeze %gather3A_885 : memref<1x640x64xf32, #tpu.memory_space<vmem>> -> memref<640x64xf32, #tpu.memory_space<vmem>>
        %gather3A_887 = tpu.vector_load_idx %gather3A_886[%add3A_881, %add3A_862] : memref<640x64xf32, #tpu.memory_space<vmem>>[vector<16xi32>, vector<16xi32>], vector<16xf32>,
        %mul3A_888 = arith.mulf %gather3A_867, %gather3A_887 : vector<16xf32>
        %add3A_889 = arith.addf %scan3A_855, %mul3A_888 : vector<16xf32>
        %add3A_890 = arith.constant 2 : i32
        %add3A_891 = vector.broadcast %add3A_890 : i32 to vector<16xi32>
        %add3A_892 = arith.addi %mul3A_802, %add3A_891 : vector<16xi32>
        %gather3A_893 = arith.constant 1 : i32
        %gather3A_894 = arith.constant 0 : i32
        %gather3A_895 = arith.constant 0 : i32
        %gather3A_896 = tpu.memref_slice %arg10[%gather3A_893, %gather3A_894, %gather3A_895] : memref<2x640x64xf32, #tpu.memory_space<vmem>> -> memref<1x640x64xf32, #tpu.memory_space<vmem>>
        %gather3A_897 = tpu.memref_squeeze %gather3A_896 : memref<1x640x64xf32, #tpu.memory_space<vmem>> -> memref<640x64xf32, #tpu.memory_space<vmem>>
        %gather3A_898 = tpu.vector_load_idx %gather3A_897[%add3A_892, %add3A_862] : memref<640x64xf32, #tpu.memory_space<vmem>>[vector<16xi32>, vector<16xi32>], vector<16xf32>,
        %mul3A_899 = arith.mulf %gather3A_867, %gather3A_898 : vector<16xf32>
        %add3A_900 = arith.addf %scan3A_856, %mul3A_899 : vector<16xf32>
        %add3A_901 = arith.constant 3 : i32
        %add3A_902 = vector.broadcast %add3A_901 : i32 to vector<16xi32>
        %add3A_903 = arith.addi %mul3A_802, %add3A_902 : vector<16xi32>
        %gather3A_904 = arith.constant 1 : i32
        %gather3A_905 = arith.constant 0 : i32
        %gather3A_906 = arith.constant 0 : i32
        %gather3A_907 = tpu.memref_slice %arg10[%gather3A_904, %gather3A_905, %gather3A_906] : memref<2x640x64xf32, #tpu.memory_space<vmem>> -> memref<1x640x64xf32, #tpu.memory_space<vmem>>
        %gather3A_908 = tpu.memref_squeeze %gather3A_907 : memref<1x640x64xf32, #tpu.memory_space<vmem>> -> memref<640x64xf32, #tpu.memory_space<vmem>>
        %gather3A_909 = tpu.vector_load_idx %gather3A_908[%add3A_903, %add3A_862] : memref<640x64xf32, #tpu.memory_space<vmem>>[vector<16xi32>, vector<16xi32>], vector<16xf32>,
        %mul3A_910 = arith.mulf %gather3A_867, %gather3A_909 : vector<16xf32>
        %add3A_911 = arith.addf %scan3A_857, %mul3A_910 : vector<16xf32>
        %add3A_912 = arith.constant 4 : i32
        %add3A_913 = vector.broadcast %add3A_912 : i32 to vector<16xi32>
        %add3A_914 = arith.addi %mul3A_802, %add3A_913 : vector<16xi32>
        %gather3A_915 = arith.constant 1 : i32
        %gather3A_916 = arith.constant 0 : i32
        %gather3A_917 = arith.constant 0 : i32
        %gather3A_918 = tpu.memref_slice %arg10[%gather3A_915, %gather3A_916, %gather3A_917] : memref<2x640x64xf32, #tpu.memory_space<vmem>> -> memref<1x640x64xf32, #tpu.memory_space<vmem>>
        %gather3A_919 = tpu.memref_squeeze %gather3A_918 : memref<1x640x64xf32, #tpu.memory_space<vmem>> -> memref<640x64xf32, #tpu.memory_space<vmem>>
        %gather3A_920 = tpu.vector_load_idx %gather3A_919[%add3A_914, %add3A_862] : memref<640x64xf32, #tpu.memory_space<vmem>>[vector<16xi32>, vector<16xi32>], vector<16xf32>,
        %mul3A_921 = arith.mulf %gather3A_867, %gather3A_920 : vector<16xf32>
        %add3A_922 = arith.addf %scan3A_858, %mul3A_921 : vector<16xf32>
        %scan3A_923 = arith.constant 1 : i32
        %scan3A_924 = arith.addi %scan3A_853, %scan3A_923 : i32
        %broadcast_in_dim3A_925 = arith.constant 0 : i32
        %broadcast_in_dim3A_926 = vector.broadcast %broadcast_in_dim3A_925 : i32 to vector<16xi32>
        %add3A_927 = vector.broadcast %scan3A_924 : i32 to vector<16xi32>
        %add3A_928 = arith.addi %broadcast_in_dim3A_926, %add3A_927 : vector<16xi32>
        %gather3A_929 = arith.constant 1 : i32
        %gather3A_930 = arith.constant 0 : i32
        %gather3A_931 = arith.constant 0 : i32
        %gather3A_932 = tpu.memref_slice %arg9[%gather3A_929, %gather3A_930, %gather3A_931] : memref<2x128x64xf32, #tpu.memory_space<vmem>> -> memref<1x128x64xf32, #tpu.memory_space<vmem>>
        %gather3A_933 = tpu.memref_squeeze %gather3A_932 : memref<1x128x64xf32, #tpu.memory_space<vmem>> -> memref<128x64xf32, #tpu.memory_space<vmem>>
        %gather3A_934 = tpu.vector_load_idx %gather3A_933[%add3A_799, %add3A_928] : memref<128x64xf32, #tpu.memory_space<vmem>>[vector<16xi32>, vector<16xi32>], vector<16xf32>,
        %add3A_935 = arith.constant 0 : i32
        %add3A_936 = vector.broadcast %add3A_935 : i32 to vector<16xi32>
        %add3A_937 = arith.addi %mul3A_802, %add3A_936 : vector<16xi32>
        %gather3A_938 = arith.constant 1 : i32
        %gather3A_939 = arith.constant 0 : i32
        %gather3A_940 = arith.constant 0 : i32
        %gather3A_941 = tpu.memref_slice %arg10[%gather3A_938, %gather3A_939, %gather3A_940] : memref<2x640x64xf32, #tpu.memory_space<vmem>> -> memref<1x640x64xf32, #tpu.memory_space<vmem>>
        %gather3A_942 = tpu.memref_squeeze %gather3A_941 : memref<1x640x64xf32, #tpu.memory_space<vmem>> -> memref<640x64xf32, #tpu.memory_space<vmem>>
        %gather3A_943 = tpu.vector_load_idx %gather3A_942[%add3A_937, %add3A_928] : memref<640x64xf32, #tpu.memory_space<vmem>>[vector<16xi32>, vector<16xi32>], vector<16xf32>,
        %mul3A_944 = arith.mulf %gather3A_934, %gather3A_943 : vector<16xf32>
        %add3A_945 = arith.addf %add3A_878, %mul3A_944 : vector<16xf32>
        %add3A_946 = arith.constant 1 : i32
        %add3A_947 = vector.broadcast %add3A_946 : i32 to vector<16xi32>
        %add3A_948 = arith.addi %mul3A_802, %add3A_947 : vector<16xi32>
        %gather3A_949 = arith.constant 1 : i32
        %gather3A_950 = arith.constant 0 : i32
        %gather3A_951 = arith.constant 0 : i32
        %gather3A_952 = tpu.memref_slice %arg10[%gather3A_949, %gather3A_950, %gather3A_951] : memref<2x640x64xf32, #tpu.memory_space<vmem>> -> memref<1x640x64xf32, #tpu.memory_space<vmem>>
        %gather3A_953 = tpu.memref_squeeze %gather3A_952 : memref<1x640x64xf32, #tpu.memory_space<vmem>> -> memref<640x64xf32, #tpu.memory_space<vmem>>
        %gather3A_954 = tpu.vector_load_idx %gather3A_953[%add3A_948, %add3A_928] : memref<640x64xf32, #tpu.memory_space<vmem>>[vector<16xi32>, vector<16xi32>], vector<16xf32>,
        %mul3A_955 = arith.mulf %gather3A_934, %gather3A_954 : vector<16xf32>
        %add3A_956 = arith.addf %add3A_889, %mul3A_955 : vector<16xf32>
        %add3A_957 = arith.constant 2 : i32
        %add3A_958 = vector.broadcast %add3A_957 : i32 to vector<16xi32>
        %add3A_959 = arith.addi %mul3A_802, %add3A_958 : vector<16xi32>
        %gather3A_960 = arith.constant 1 : i32
        %gather3A_961 = arith.constant 0 : i32
        %gather3A_962 = arith.constant 0 : i32
        %gather3A_963 = tpu.memref_slice %arg10[%gather3A_960, %gather3A_961, %gather3A_962] : memref<2x640x64xf32, #tpu.memory_space<vmem>> -> memref<1x640x64xf32, #tpu.memory_space<vmem>>
        %gather3A_964 = tpu.memref_squeeze %gather3A_963 : memref<1x640x64xf32, #tpu.memory_space<vmem>> -> memref<640x64xf32, #tpu.memory_space<vmem>>
        %gather3A_965 = tpu.vector_load_idx %gather3A_964[%add3A_959, %add3A_928] : memref<640x64xf32, #tpu.memory_space<vmem>>[vector<16xi32>, vector<16xi32>], vector<16xf32>,
        %mul3A_966 = arith.mulf %gather3A_934, %gather3A_965 : vector<16xf32>
        %add3A_967 = arith.addf %add3A_900, %mul3A_966 : vector<16xf32>
        %add3A_968 = arith.constant 3 : i32
        %add3A_969 = vector.broadcast %add3A_968 : i32 to vector<16xi32>
        %add3A_970 = arith.addi %mul3A_802, %add3A_969 : vector<16xi32>
        %gather3A_971 = arith.constant 1 : i32
        %gather3A_972 = arith.constant 0 : i32
        %gather3A_973 = arith.constant 0 : i32
        %gather3A_974 = tpu.memref_slice %arg10[%gather3A_971, %gather3A_972, %gather3A_973] : memref<2x640x64xf32, #tpu.memory_space<vmem>> -> memref<1x640x64xf32, #tpu.memory_space<vmem>>
        %gather3A_975 = tpu.memref_squeeze %gather3A_974 : memref<1x640x64xf32, #tpu.memory_space<vmem>> -> memref<640x64xf32, #tpu.memory_space<vmem>>
        %gather3A_976 = tpu.vector_load_idx %gather3A_975[%add3A_970, %add3A_928] : memref<640x64xf32, #tpu.memory_space<vmem>>[vector<16xi32>, vector<16xi32>], vector<16xf32>,
        %mul3A_977 = arith.mulf %gather3A_934, %gather3A_976 : vector<16xf32>
        %add3A_978 = arith.addf %add3A_911, %mul3A_977 : vector<16xf32>
        %add3A_979 = arith.constant 4 : i32
        %add3A_980 = vector.broadcast %add3A_979 : i32 to vector<16xi32>
        %add3A_981 = arith.addi %mul3A_802, %add3A_980 : vector<16xi32>
        %gather3A_982 = arith.constant 1 : i32
        %gather3A_983 = arith.constant 0 : i32
        %gather3A_984 = arith.constant 0 : i32
        %gather3A_985 = tpu.memref_slice %arg10[%gather3A_982, %gather3A_983, %gather3A_984] : memref<2x640x64xf32, #tpu.memory_space<vmem>> -> memref<1x640x64xf32, #tpu.memory_space<vmem>>
        %gather3A_986 = tpu.memref_squeeze %gather3A_985 : memref<1x640x64xf32, #tpu.memory_space<vmem>> -> memref<640x64xf32, #tpu.memory_space<vmem>>
        %gather3A_987 = tpu.vector_load_idx %gather3A_986[%add3A_981, %add3A_928] : memref<640x64xf32, #tpu.memory_space<vmem>>[vector<16xi32>, vector<16xi32>], vector<16xf32>,
        %mul3A_988 = arith.mulf %gather3A_934, %gather3A_987 : vector<16xf32>
        %add3A_989 = arith.addf %add3A_922, %mul3A_988 : vector<16xf32>
        %scan3A_990 = arith.constant 2 : i32
        %scan3A_991 = arith.addi %scan3A_853, %scan3A_990 : i32
        %broadcast_in_dim3A_992 = arith.constant 0 : i32
        %broadcast_in_dim3A_993 = vector.broadcast %broadcast_in_dim3A_992 : i32 to vector<16xi32>
        %add3A_994 = vector.broadcast %scan3A_991 : i32 to vector<16xi32>
        %add3A_995 = arith.addi %broadcast_in_dim3A_993, %add3A_994 : vector<16xi32>
        %gather3A_996 = arith.constant 1 : i32
        %gather3A_997 = arith.constant 0 : i32
        %gather3A_998 = arith.constant 0 : i32
        %gather3A_999 = tpu.memref_slice %arg9[%gather3A_996, %gather3A_997, %gather3A_998] : memref<2x128x64xf32, #tpu.memory_space<vmem>> -> memref<1x128x64xf32, #tpu.memory_space<vmem>>
        %gather3A_1000 = tpu.memref_squeeze %gather3A_999 : memref<1x128x64xf32, #tpu.memory_space<vmem>> -> memref<128x64xf32, #tpu.memory_space<vmem>>
        %gather3A_1001 = tpu.vector_load_idx %gather3A_1000[%add3A_799, %add3A_995] : memref<128x64xf32, #tpu.memory_space<vmem>>[vector<16xi32>, vector<16xi32>], vector<16xf32>,
        %add3A_1002 = arith.constant 0 : i32
        %add3A_1003 = vector.broadcast %add3A_1002 : i32 to vector<16xi32>
        %add3A_1004 = arith.addi %mul3A_802, %add3A_1003 : vector<16xi32>
        %gather3A_1005 = arith.constant 1 : i32
        %gather3A_1006 = arith.constant 0 : i32
        %gather3A_1007 = arith.constant 0 : i32
        %gather3A_1008 = tpu.memref_slice %arg10[%gather3A_1005, %gather3A_1006, %gather3A_1007] : memref<2x640x64xf32, #tpu.memory_space<vmem>> -> memref<1x640x64xf32, #tpu.memory_space<vmem>>
        %gather3A_1009 = tpu.memref_squeeze %gather3A_1008 : memref<1x640x64xf32, #tpu.memory_space<vmem>> -> memref<640x64xf32, #tpu.memory_space<vmem>>
        %gather3A_1010 = tpu.vector_load_idx %gather3A_1009[%add3A_1004, %add3A_995] : memref<640x64xf32, #tpu.memory_space<vmem>>[vector<16xi32>, vector<16xi32>], vector<16xf32>,
        %mul3A_1011 = arith.mulf %gather3A_1001, %gather3A_1010 : vector<16xf32>
        %add3A_1012 = arith.addf %add3A_945, %mul3A_1011 : vector<16xf32>
        %add3A_1013 = arith.constant 1 : i32
        %add3A_1014 = vector.broadcast %add3A_1013 : i32 to vector<16xi32>
        %add3A_1015 = arith.addi %mul3A_802, %add3A_1014 : vector<16xi32>
        %gather3A_1016 = arith.constant 1 : i32
        %gather3A_1017 = arith.constant 0 : i32
        %gather3A_1018 = arith.constant 0 : i32
        %gather3A_1019 = tpu.memref_slice %arg10[%gather3A_1016, %gather3A_1017, %gather3A_1018] : memref<2x640x64xf32, #tpu.memory_space<vmem>> -> memref<1x640x64xf32, #tpu.memory_space<vmem>>
        %gather3A_1020 = tpu.memref_squeeze %gather3A_1019 : memref<1x640x64xf32, #tpu.memory_space<vmem>> -> memref<640x64xf32, #tpu.memory_space<vmem>>
        %gather3A_1021 = tpu.vector_load_idx %gather3A_1020[%add3A_1015, %add3A_995] : memref<640x64xf32, #tpu.memory_space<vmem>>[vector<16xi32>, vector<16xi32>], vector<16xf32>,
        %mul3A_1022 = arith.mulf %gather3A_1001, %gather3A_1021 : vector<16xf32>
        %add3A_1023 = arith.addf %add3A_956, %mul3A_1022 : vector<16xf32>
        %add3A_1024 = arith.constant 2 : i32
        %add3A_1025 = vector.broadcast %add3A_1024 : i32 to vector<16xi32>
        %add3A_1026 = arith.addi %mul3A_802, %add3A_1025 : vector<16xi32>
        %gather3A_1027 = arith.constant 1 : i32
        %gather3A_1028 = arith.constant 0 : i32
        %gather3A_1029 = arith.constant 0 : i32
        %gather3A_1030 = tpu.memref_slice %arg10[%gather3A_1027, %gather3A_1028, %gather3A_1029] : memref<2x640x64xf32, #tpu.memory_space<vmem>> -> memref<1x640x64xf32, #tpu.memory_space<vmem>>
        %gather3A_1031 = tpu.memref_squeeze %gather3A_1030 : memref<1x640x64xf32, #tpu.memory_space<vmem>> -> memref<640x64xf32, #tpu.memory_space<vmem>>
        %gather3A_1032 = tpu.vector_load_idx %gather3A_1031[%add3A_1026, %add3A_995] : memref<640x64xf32, #tpu.memory_space<vmem>>[vector<16xi32>, vector<16xi32>], vector<16xf32>,
        %mul3A_1033 = arith.mulf %gather3A_1001, %gather3A_1032 : vector<16xf32>
        %add3A_1034 = arith.addf %add3A_967, %mul3A_1033 : vector<16xf32>
        %add3A_1035 = arith.constant 3 : i32
        %add3A_1036 = vector.broadcast %add3A_1035 : i32 to vector<16xi32>
        %add3A_1037 = arith.addi %mul3A_802, %add3A_1036 : vector<16xi32>
        %gather3A_1038 = arith.constant 1 : i32
        %gather3A_1039 = arith.constant 0 : i32
        %gather3A_1040 = arith.constant 0 : i32
        %gather3A_1041 = tpu.memref_slice %arg10[%gather3A_1038, %gather3A_1039, %gather3A_1040] : memref<2x640x64xf32, #tpu.memory_space<vmem>> -> memref<1x640x64xf32, #tpu.memory_space<vmem>>
        %gather3A_1042 = tpu.memref_squeeze %gather3A_1041 : memref<1x640x64xf32, #tpu.memory_space<vmem>> -> memref<640x64xf32, #tpu.memory_space<vmem>>
        %gather3A_1043 = tpu.vector_load_idx %gather3A_1042[%add3A_1037, %add3A_995] : memref<640x64xf32, #tpu.memory_space<vmem>>[vector<16xi32>, vector<16xi32>], vector<16xf32>,
        %mul3A_1044 = arith.mulf %gather3A_1001, %gather3A_1043 : vector<16xf32>
        %add3A_1045 = arith.addf %add3A_978, %mul3A_1044 : vector<16xf32>
        %add3A_1046 = arith.constant 4 : i32
        %add3A_1047 = vector.broadcast %add3A_1046 : i32 to vector<16xi32>
        %add3A_1048 = arith.addi %mul3A_802, %add3A_1047 : vector<16xi32>
        %gather3A_1049 = arith.constant 1 : i32
        %gather3A_1050 = arith.constant 0 : i32
        %gather3A_1051 = arith.constant 0 : i32
        %gather3A_1052 = tpu.memref_slice %arg10[%gather3A_1049, %gather3A_1050, %gather3A_1051] : memref<2x640x64xf32, #tpu.memory_space<vmem>> -> memref<1x640x64xf32, #tpu.memory_space<vmem>>
        %gather3A_1053 = tpu.memref_squeeze %gather3A_1052 : memref<1x640x64xf32, #tpu.memory_space<vmem>> -> memref<640x64xf32, #tpu.memory_space<vmem>>
        %gather3A_1054 = tpu.vector_load_idx %gather3A_1053[%add3A_1048, %add3A_995] : memref<640x64xf32, #tpu.memory_space<vmem>>[vector<16xi32>, vector<16xi32>], vector<16xf32>,
        %mul3A_1055 = arith.mulf %gather3A_1001, %gather3A_1054 : vector<16xf32>
        %add3A_1056 = arith.addf %add3A_989, %mul3A_1055 : vector<16xf32>
        %scan3A_1057 = arith.constant 3 : i32
        %scan3A_1058 = arith.addi %scan3A_853, %scan3A_1057 : i32
        %broadcast_in_dim3A_1059 = arith.constant 0 : i32
        %broadcast_in_dim3A_1060 = vector.broadcast %broadcast_in_dim3A_1059 : i32 to vector<16xi32>
        %add3A_1061 = vector.broadcast %scan3A_1058 : i32 to vector<16xi32>
        %add3A_1062 = arith.addi %broadcast_in_dim3A_1060, %add3A_1061 : vector<16xi32>
        %gather3A_1063 = arith.constant 1 : i32
        %gather3A_1064 = arith.constant 0 : i32
        %gather3A_1065 = arith.constant 0 : i32
        %gather3A_1066 = tpu.memref_slice %arg9[%gather3A_1063, %gather3A_1064, %gather3A_1065] : memref<2x128x64xf32, #tpu.memory_space<vmem>> -> memref<1x128x64xf32, #tpu.memory_space<vmem>>
        %gather3A_1067 = tpu.memref_squeeze %gather3A_1066 : memref<1x128x64xf32, #tpu.memory_space<vmem>> -> memref<128x64xf32, #tpu.memory_space<vmem>>
        %gather3A_1068 = tpu.vector_load_idx %gather3A_1067[%add3A_799, %add3A_1062] : memref<128x64xf32, #tpu.memory_space<vmem>>[vector<16xi32>, vector<16xi32>], vector<16xf32>,
        %add3A_1069 = arith.constant 0 : i32
        %add3A_1070 = vector.broadcast %add3A_1069 : i32 to vector<16xi32>
        %add3A_1071 = arith.addi %mul3A_802, %add3A_1070 : vector<16xi32>
        %gather3A_1072 = arith.constant 1 : i32
        %gather3A_1073 = arith.constant 0 : i32
        %gather3A_1074 = arith.constant 0 : i32
        %gather3A_1075 = tpu.memref_slice %arg10[%gather3A_1072, %gather3A_1073, %gather3A_1074] : memref<2x640x64xf32, #tpu.memory_space<vmem>> -> memref<1x640x64xf32, #tpu.memory_space<vmem>>
        %gather3A_1076 = tpu.memref_squeeze %gather3A_1075 : memref<1x640x64xf32, #tpu.memory_space<vmem>> -> memref<640x64xf32, #tpu.memory_space<vmem>>
        %gather3A_1077 = tpu.vector_load_idx %gather3A_1076[%add3A_1071, %add3A_1062] : memref<640x64xf32, #tpu.memory_space<vmem>>[vector<16xi32>, vector<16xi32>], vector<16xf32>,
        %mul3A_1078 = arith.mulf %gather3A_1068, %gather3A_1077 : vector<16xf32>
        %add3A_1079 = arith.addf %add3A_1012, %mul3A_1078 : vector<16xf32>
        %add3A_1080 = arith.constant 1 : i32
        %add3A_1081 = vector.broadcast %add3A_1080 : i32 to vector<16xi32>
        %add3A_1082 = arith.addi %mul3A_802, %add3A_1081 : vector<16xi32>
        %gather3A_1083 = arith.constant 1 : i32
        %gather3A_1084 = arith.constant 0 : i32
        %gather3A_1085 = arith.constant 0 : i32
        %gather3A_1086 = tpu.memref_slice %arg10[%gather3A_1083, %gather3A_1084, %gather3A_1085] : memref<2x640x64xf32, #tpu.memory_space<vmem>> -> memref<1x640x64xf32, #tpu.memory_space<vmem>>
        %gather3A_1087 = tpu.memref_squeeze %gather3A_1086 : memref<1x640x64xf32, #tpu.memory_space<vmem>> -> memref<640x64xf32, #tpu.memory_space<vmem>>
        %gather3A_1088 = tpu.vector_load_idx %gather3A_1087[%add3A_1082, %add3A_1062] : memref<640x64xf32, #tpu.memory_space<vmem>>[vector<16xi32>, vector<16xi32>], vector<16xf32>,
        %mul3A_1089 = arith.mulf %gather3A_1068, %gather3A_1088 : vector<16xf32>
        %add3A_1090 = arith.addf %add3A_1023, %mul3A_1089 : vector<16xf32>
        %add3A_1091 = arith.constant 2 : i32
        %add3A_1092 = vector.broadcast %add3A_1091 : i32 to vector<16xi32>
        %add3A_1093 = arith.addi %mul3A_802, %add3A_1092 : vector<16xi32>
        %gather3A_1094 = arith.constant 1 : i32
        %gather3A_1095 = arith.constant 0 : i32
        %gather3A_1096 = arith.constant 0 : i32
        %gather3A_1097 = tpu.memref_slice %arg10[%gather3A_1094, %gather3A_1095, %gather3A_1096] : memref<2x640x64xf32, #tpu.memory_space<vmem>> -> memref<1x640x64xf32, #tpu.memory_space<vmem>>
        %gather3A_1098 = tpu.memref_squeeze %gather3A_1097 : memref<1x640x64xf32, #tpu.memory_space<vmem>> -> memref<640x64xf32, #tpu.memory_space<vmem>>
        %gather3A_1099 = tpu.vector_load_idx %gather3A_1098[%add3A_1093, %add3A_1062] : memref<640x64xf32, #tpu.memory_space<vmem>>[vector<16xi32>, vector<16xi32>], vector<16xf32>,
        %mul3A_1100 = arith.mulf %gather3A_1068, %gather3A_1099 : vector<16xf32>
        %add3A_1101 = arith.addf %add3A_1034, %mul3A_1100 : vector<16xf32>
        %add3A_1102 = arith.constant 3 : i32
        %add3A_1103 = vector.broadcast %add3A_1102 : i32 to vector<16xi32>
        %add3A_1104 = arith.addi %mul3A_802, %add3A_1103 : vector<16xi32>
        %gather3A_1105 = arith.constant 1 : i32
        %gather3A_1106 = arith.constant 0 : i32
        %gather3A_1107 = arith.constant 0 : i32
        %gather3A_1108 = tpu.memref_slice %arg10[%gather3A_1105, %gather3A_1106, %gather3A_1107] : memref<2x640x64xf32, #tpu.memory_space<vmem>> -> memref<1x640x64xf32, #tpu.memory_space<vmem>>
        %gather3A_1109 = tpu.memref_squeeze %gather3A_1108 : memref<1x640x64xf32, #tpu.memory_space<vmem>> -> memref<640x64xf32, #tpu.memory_space<vmem>>
        %gather3A_1110 = tpu.vector_load_idx %gather3A_1109[%add3A_1104, %add3A_1062] : memref<640x64xf32, #tpu.memory_space<vmem>>[vector<16xi32>, vector<16xi32>], vector<16xf32>,
        %mul3A_1111 = arith.mulf %gather3A_1068, %gather3A_1110 : vector<16xf32>
        %add3A_1112 = arith.addf %add3A_1045, %mul3A_1111 : vector<16xf32>
        %add3A_1113 = arith.constant 4 : i32
        %add3A_1114 = vector.broadcast %add3A_1113 : i32 to vector<16xi32>
        %add3A_1115 = arith.addi %mul3A_802, %add3A_1114 : vector<16xi32>
        %gather3A_1116 = arith.constant 1 : i32
        %gather3A_1117 = arith.constant 0 : i32
        %gather3A_1118 = arith.constant 0 : i32
        %gather3A_1119 = tpu.memref_slice %arg10[%gather3A_1116, %gather3A_1117, %gather3A_1118] : memref<2x640x64xf32, #tpu.memory_space<vmem>> -> memref<1x640x64xf32, #tpu.memory_space<vmem>>
        %gather3A_1120 = tpu.memref_squeeze %gather3A_1119 : memref<1x640x64xf32, #tpu.memory_space<vmem>> -> memref<640x64xf32, #tpu.memory_space<vmem>>
        %gather3A_1121 = tpu.vector_load_idx %gather3A_1120[%add3A_1115, %add3A_1062] : memref<640x64xf32, #tpu.memory_space<vmem>>[vector<16xi32>, vector<16xi32>], vector<16xf32>,
        %mul3A_1122 = arith.mulf %gather3A_1068, %gather3A_1121 : vector<16xf32>
        %add3A_1123 = arith.addf %add3A_1056, %mul3A_1122 : vector<16xf32>
        scf.yield %add3A_1079, %add3A_1090, %add3A_1101, %add3A_1112, %add3A_1123 : vector<16xf32>, vector<16xf32>, vector<16xf32>, vector<16xf32>, vector<16xf32>
      }
      %scan3A_817 = arith.constant 64 : i32
      %add3A_818 = arith.constant 0 : i32
      %add3A_819 = vector.broadcast %add3A_818 : i32 to vector<16xi32>
      %add3A_820 = arith.addi %mul3A_802, %add3A_819 : vector<16xi32>
      %scatter3A = arith.constant 1 : i32
      %scatter3A_821 = arith.constant 0 : i32
      %scatter3A_822 = tpu.memref_slice %arg11[%scatter3A, %scatter3A_821] : memref<2x640xf32, #tpu.memory_space<vmem>> -> memref<1x640xf32, #tpu.memory_space<vmem>>
      %scatter3A_823 = tpu.memref_squeeze %scatter3A_822 : memref<1x640xf32, #tpu.memory_space<vmem>> -> memref<640xf32, #tpu.memory_space<vmem>>
      tpu.vector_store_idx %scatter3A_823[%add3A_820], %scan3A_816#0 : memref<640xf32, #tpu.memory_space<vmem>>[vector<16xi32>], vector<16xf32>,
      %add3A_824 = arith.constant 1 : i32
      %add3A_825 = vector.broadcast %add3A_824 : i32 to vector<16xi32>
      %add3A_826 = arith.addi %mul3A_802, %add3A_825 : vector<16xi32>
      %scatter3A_827 = arith.constant 1 : i32
      %scatter3A_828 = arith.constant 0 : i32
      %scatter3A_829 = tpu.memref_slice %arg11[%scatter3A_827, %scatter3A_828] : memref<2x640xf32, #tpu.memory_space<vmem>> -> memref<1x640xf32, #tpu.memory_space<vmem>>
      %scatter3A_830 = tpu.memref_squeeze %scatter3A_829 : memref<1x640xf32, #tpu.memory_space<vmem>> -> memref<640xf32, #tpu.memory_space<vmem>>
      tpu.vector_store_idx %scatter3A_830[%add3A_826], %scan3A_816#1 : memref<640xf32, #tpu.memory_space<vmem>>[vector<16xi32>], vector<16xf32>,
      %add3A_831 = arith.constant 2 : i32
      %add3A_832 = vector.broadcast %add3A_831 : i32 to vector<16xi32>
      %add3A_833 = arith.addi %mul3A_802, %add3A_832 : vector<16xi32>
      %scatter3A_834 = arith.constant 1 : i32
      %scatter3A_835 = arith.constant 0 : i32
      %scatter3A_836 = tpu.memref_slice %arg11[%scatter3A_834, %scatter3A_835] : memref<2x640xf32, #tpu.memory_space<vmem>> -> memref<1x640xf32, #tpu.memory_space<vmem>>
      %scatter3A_837 = tpu.memref_squeeze %scatter3A_836 : memref<1x640xf32, #tpu.memory_space<vmem>> -> memref<640xf32, #tpu.memory_space<vmem>>
      tpu.vector_store_idx %scatter3A_837[%add3A_833], %scan3A_816#2 : memref<640xf32, #tpu.memory_space<vmem>>[vector<16xi32>], vector<16xf32>,
      %add3A_838 = arith.constant 3 : i32
      %add3A_839 = vector.broadcast %add3A_838 : i32 to vector<16xi32>
      %add3A_840 = arith.addi %mul3A_802, %add3A_839 : vector<16xi32>
      %scatter3A_841 = arith.constant 1 : i32
      %scatter3A_842 = arith.constant 0 : i32
      %scatter3A_843 = tpu.memref_slice %arg11[%scatter3A_841, %scatter3A_842] : memref<2x640xf32, #tpu.memory_space<vmem>> -> memref<1x640xf32, #tpu.memory_space<vmem>>
      %scatter3A_844 = tpu.memref_squeeze %scatter3A_843 : memref<1x640xf32, #tpu.memory_space<vmem>> -> memref<640xf32, #tpu.memory_space<vmem>>
      tpu.vector_store_idx %scatter3A_844[%add3A_840], %scan3A_816#3 : memref<640xf32, #tpu.memory_space<vmem>>[vector<16xi32>], vector<16xf32>,
      %add3A_845 = arith.constant 4 : i32
      %add3A_846 = vector.broadcast %add3A_845 : i32 to vector<16xi32>
      %add3A_847 = arith.addi %mul3A_802, %add3A_846 : vector<16xi32>
      %scatter3A_848 = arith.constant 1 : i32
      %scatter3A_849 = arith.constant 0 : i32
      %scatter3A_850 = tpu.memref_slice %arg11[%scatter3A_848, %scatter3A_849] : memref<2x640xf32, #tpu.memory_space<vmem>> -> memref<1x640xf32, #tpu.memory_space<vmem>>
      %scatter3A_851 = tpu.memref_squeeze %scatter3A_850 : memref<1x640xf32, #tpu.memory_space<vmem>> -> memref<640xf32, #tpu.memory_space<vmem>>
      tpu.vector_store_idx %scatter3A_851[%add3A_847], %scan3A_816#4 : memref<640xf32, #tpu.memory_space<vmem>>[vector<16xi32>], vector<16xf32>,
      %scan3A_852 = arith.constant 0 : i32
      scf.yield %scan3A_852 : i32
    }
    %scan3A_790 = arith.constant 8 : i32
    %mul3A_791 = arith.constant 5 : i32
    %mul3A_792 = arith.muli %add3A_692, %mul3A_791 : i32
    %run_scoped3A_793 = arith.constant 1 : i32
    "tpu.region"() ({
      %run_scoped3A_794 = tpu.sem_alloc : memref<!tpu.dma_semaphore, #tpu.memory_space<semaphore_mem>>
      %dma_start3A_795 = arith.constant 0 : i32
      %dma_start3A_796 = tpu.memref_slice %arg11[%run_scoped3A_793, %dma_start3A_795] : memref<2x640xf32, #tpu.memory_space<vmem>> -> memref<1x640xf32, #tpu.memory_space<vmem>>
      %dma_start3A_797 = tpu.memref_squeeze %dma_start3A_796 : memref<1x640xf32, #tpu.memory_space<vmem>> -> memref<640xf32, #tpu.memory_space<vmem>>
      %dma_start3A_798 = tpu.memref_slice %arg6[%mul3A_792] : memref<81920xf32, #tpu.memory_space<hbm>> -> memref<640xf32, #tpu.memory_space<hbm>>
      %dma_start3A_799 = tpu.memref_slice %arg6[%mul3A_792] : memref<81920xf32, #tpu.memory_space<hbm>> -> memref<640xf32, #tpu.memory_space<hbm>>
      %dma_start3A_800 = arith.constant 0 : i32
      %dma_start3A_801 = tpu.memref_slice %arg11[%run_scoped3A_793, %dma_start3A_800] : memref<2x640xf32, #tpu.memory_space<vmem>> -> memref<1x640xf32, #tpu.memory_space<vmem>>
      %dma_start3A_802 = tpu.memref_squeeze %dma_start3A_801 : memref<1x640xf32, #tpu.memory_space<vmem>> -> memref<640xf32, #tpu.memory_space<vmem>>
      tpu.enqueue_dma source(%dma_start3A_802 : memref<640xf32, #tpu.memory_space<vmem>>) target(%dma_start3A_799 : memref<640xf32, #tpu.memory_space<hbm>>) target_semaphore(%run_scoped3A_794 : memref<!tpu.dma_semaphore, #tpu.memory_space<semaphore_mem>>)
      %dma_wait3A_803 = arith.constant 0 : i32
      %dma_wait3A_804 = tpu.memref_slice %arg11[%run_scoped3A_793, %dma_wait3A_803] : memref<2x640xf32, #tpu.memory_space<vmem>> -> memref<1x640xf32, #tpu.memory_space<vmem>>
      %dma_wait3A_805 = tpu.memref_squeeze %dma_wait3A_804 : memref<1x640xf32, #tpu.memory_space<vmem>> -> memref<640xf32, #tpu.memory_space<vmem>>
      %dma_wait3A_806 = tpu.memref_slice %arg6[%mul3A_792] : memref<81920xf32, #tpu.memory_space<hbm>> -> memref<640xf32, #tpu.memory_space<hbm>>
      %dma_wait3A_807 = tpu.memref_slice %arg6[%mul3A_792] : memref<81920xf32, #tpu.memory_space<hbm>> -> memref<640xf32, #tpu.memory_space<hbm>>
      %dma_wait3A_808 = arith.constant 0 : i32
      %dma_wait3A_809 = tpu.memref_slice %arg11[%run_scoped3A_793, %dma_wait3A_808] : memref<2x640xf32, #tpu.memory_space<vmem>> -> memref<1x640xf32, #tpu.memory_space<vmem>>
      %dma_wait3A_810 = tpu.memref_squeeze %dma_wait3A_809 : memref<1x640xf32, #tpu.memory_space<vmem>> -> memref<640xf32, #tpu.memory_space<vmem>>
      tpu.wait_dma2 semaphore(%run_scoped3A_794 : memref<!tpu.dma_semaphore, #tpu.memory_space<semaphore_mem>>) src(%dma_wait3A_810 : memref<640xf32, #tpu.memory_space<vmem>>) dst(%dma_wait3A_807 : memref<640xf32, #tpu.memory_space<hbm>>)
      tpu.yield
    }) : () -> ()
    return
  }
}

</mosaic_0001>

<sc_bundles>
// kernel: _run.3.cloned.1.call-start
scs
__scs_entry_jumppad:
0x0: {  	(pc) =	sbr.rel $0x88, $3  }
0x1: {  	(tag) =	ssettag $0x0;
	lr =	simm.s32 $0x1  }
0x2: {  	[smem:$0x3F9D] =	sst lr;
	_ =	strace $0xD0000000  }
0x3: {  	_ = 	snop  }
0x4: {  	_ = 	snop  }
0x5: {  	_ = 	snop  }
0x6: {  	_ = 	snop  }
0x7: {  	_ = 	snop  }
__scs_overlays_trampoline_lowered:
0x8: {  	[smem:$0x3FAC] =	sst s0  }
0x9: {  	[smem:$0x3FAD] =	sst s1  }
0xa: {  	[smem:$0x3FAE] =	sst s2  }
0xb: {  	[smem:$0x3FAF] =	sst s3  }
0xc: {  	[smem:$0x3FB0] =	sst s4  }
0xd: {  	[smem:$0x3FB1] =	sst s5  }
0xe: {  	[smem:$0x3FB2] =	sst s6  }
0xf: {  	[smem:$0x3FB3] =	sst s7  }
0x10: {  	[smem:$0x3FB4] =	sst s8  }
0x11: {  	[smem:$0x3FB5] =	sst s9;
	s0 =	simm.s32 @!p0 $0x0  }
0x12: {  	s1 =	sld [smem:$0x3F9B];
	s0 =	simm.s32 @p0 $0x1  }
0x13: {  	[smem:$0x3FB6] =	sst s0;
	s0 =	simm.s32 @!p1 $0x0  }
0x14: {  	s2 =	sld [smem:$0x3F9A];
	s0 =	simm.s32 @p1 $0x1  }
0x15: {  	[smem:$0x3FB7] =	sst s0;
	s0 =	simm.s32 @!p2 $0x0  }
0x16: {  	s3 =	sld [smem:$0x3FDB];
	s0 =	simm.s32 @p2 $0x1  }
0x17: {  	s4 =	simm.s32 $0x1BF5;
	[smem:$0x3FB9] =	sst s0  }
0x18: {  	s0 =	sld [smem:$0x3F9C];
	_ =	swait.ge [sflag:s4], $0x0  }
0x19: {  	s7 =	sld [smem:$0x3F9D]  }
0x1a: {  	s8 =	sadd.s32 $0xFFFFE003, lr  }
0x1b: {  	s9 =	sadd.s32 $0xFFFFFEF7, lr;
	s5 =	simm.s32 $0xFFFFFFFF;
	p2 =	slt.u32 s8, $0xFFFFF086  }
0x1c: {  	p1 =	slt.u32 s9, $0xF7A;
	s5 =	simm.s32 @!p2 $0x0  }
0x1d: {  	s5 =	simm.s32 @p1 $0x1;
	p0 =	seq.s32 s7, s2  }
0x1e: {  	s7 =	smul.u32 @!p0 $0xF7A, s2;
	p2 =	seq.s32 @!p0 s5, $0x0  }
0x1f: {  	s9 =	smul.u32 $0xF7A, s1;
	s8 =	simm.s32 @!p0 $0x1BF5;
	p2 =	por !p2, p0  }
0x20: {  	[sflag:s8] =	ssyncset.s32 @!p0 $0xFFFFF086;
	s6 =	sadd.s32 @!p0 s3, s7;
	s7 =	simm.s32 @!p0 $0x108  }
0x21: {  	s3 =	sadd.s32 s3, s9;
	s6 =	sadd.s32 @!p0 $0x88, s6;
	s7 =	simm.s32 @p2 $0x1082  }
0x22: {  	[simem:s7], [sflag:s8] =	dma.local @!p0 [hbm:s6], $0xF7A  }
0x23: {  	s9 =	sor.u32 $0xD0000000, s2;
	s6 =	simm.s32 $0x108;
	_ =	swait.ge @!p0 [sflag:s8], $0x0  }
0x24: {  	s3 =	sadd.s32 $0x88, s3;
	s6 =	simm.s32 @!p1 $0x1082;
	[sflag:s4] =	ssyncset.s32 $0xFFFFF086  }
0x25: {  	[simem:s6], [sflag:s4] =	dma.local [hbm:s3], $0xF7A  }
0x26: {  	[smem:$0x3F9D] =	sst s1;
	(tag) =	ssettag s2;
	_ =	strace s9  }
0x27: {  	s1 =	sld [smem:$0x3FAD]  }
0x28: {  	s2 =	sld [smem:$0x3FAE]  }
0x29: {  	s4 =	sld [smem:$0x3FB0]  }
0x2a: {  	p0 =	seq.s32 s5, $0x0;
	s5 =	sld [smem:$0x3FB1]  }
0x2b: {  	s6 =	sld [smem:$0x3FB2]  }
0x2c: {  	s7 =	sld [smem:$0x3FB3]  }
0x2d: {  	s3 =	simm.s32 $0x108;
	s8 =	sld [smem:$0x3FB4]  }
0x2e: {  	s3 =	simm.s32 @!p0 $0x1082;
	s9 =	sld [smem:$0x3FB5]  }
0x2f: {  	lr =	sadd.s32 s0, s3;
	s0 =	sld [smem:$0x3FAC]  }
0x30: {  	s3 =	sld [smem:$0x3FAF]  }
0x31: {  	[smem:$0x3FB8] =	sst s10  }
0x32: {  	s10 =	sld [smem:$0x3FB6];
	_ =	sdelay $0x3  }
0x33: {  	p0 =	seq.s32 s10, $0x1;
	s10 =	sld [smem:$0x3FB8];
	_ =	sdelay $0x3  }
0x34: {  	[smem:$0x3FB8] =	sst s10  }
0x35: {  	s10 =	sld [smem:$0x3FB7];
	_ =	sdelay $0x3  }
0x36: {  	p1 =	seq.s32 s10, $0x1;
	s10 =	sld [smem:$0x3FB8];
	_ =	sdelay $0x3  }
0x37: {  	[smem:$0x3FB8] =	sst s10  }
0x38: {  	s10 =	sld [smem:$0x3FB9]  }
0x39: {  	_ = 	snop;
	(pc) =	sbr.ind lr, $3  }
0x3a: {  	_ = 	snop  }
0x3b: {  	_ = 	snop  }
0x3c: {  	p2 =	seq.s32 s10, $0x1;
	s10 =	sld [smem:$0x3FB8]  }
0x3d: {  	_ =	shalt  }
0x3e: {  	_ =	shalt  }
0x3f: {  	_ =	shalt  }
0x40: {  	_ =	shalt  }
0x41: {  	_ =	shalt  }
0x42: {  	_ =	shalt  }
0x43: {  	_ =	shalt  }
0x44: {  	_ =	shalt  }
0x45: {  	_ =	shalt  }
0x46: {  	_ =	shalt  }
0x47: {  	_ =	shalt  }
0x48: {  	_ =	shalt  }
0x49: {  	_ =	shalt  }
0x4a: {  	_ =	shalt  }
0x4b: {  	_ =	shalt  }
0x4c: {  	_ =	shalt  }
0x4d: {  	_ =	shalt  }
0x4e: {  	_ =	shalt  }
0x4f: {  	_ =	shalt  }
0x50: {  	_ =	shalt  }
0x51: {  	_ =	shalt  }
0x52: {  	_ =	shalt  }
0x53: {  	_ =	shalt  }
0x54: {  	_ =	shalt  }
0x55: {  	_ =	shalt  }
0x56: {  	_ =	shalt  }
0x57: {  	_ =	shalt  }
0x58: {  	_ =	shalt  }
0x59: {  	_ =	shalt  }
0x5a: {  	_ =	shalt  }
0x5b: {  	_ =	shalt  }
0x5c: {  	_ =	shalt  }
0x5d: {  	_ =	shalt  }
0x5e: {  	_ =	shalt  }
0x5f: {  	_ =	shalt  }
0x60: {  	_ =	shalt  }
0x61: {  	_ =	shalt  }
0x62: {  	_ =	shalt  }
0x63: {  	_ =	shalt  }
0x64: {  	_ =	shalt  }
0x65: {  	_ =	shalt  }
0x66: {  	_ =	shalt  }
0x67: {  	_ =	shalt  }
0x68: {  	_ =	shalt  }
0x69: {  	_ =	shalt  }
0x6a: {  	_ =	shalt  }
0x6b: {  	_ =	shalt  }
0x6c: {  	_ =	shalt  }
0x6d: {  	_ =	shalt  }
0x6e: {  	_ =	shalt  }
0x6f: {  	_ =	shalt  }
0x70: {  	_ =	shalt  }
0x71: {  	_ =	shalt  }
0x72: {  	_ =	shalt  }
0x73: {  	_ =	shalt  }
0x74: {  	_ =	shalt  }
0x75: {  	_ =	shalt  }
0x76: {  	_ =	shalt  }
0x77: {  	_ =	shalt  }
0x78: {  	_ =	shalt  }
0x79: {  	_ =	shalt  }
0x7a: {  	_ =	shalt  }
0x7b: {  	_ =	shalt  }
0x7c: {  	_ =	shalt  }
0x7d: {  	_ =	shalt  }
0x7e: {  	_ =	shalt  }
0x7f: {  	_ =	shalt  }
0x80: {  	_ =	shalt  }
0x81: {  	_ =	shalt  }
0x82: {  	_ =	shalt  }
0x83: {  	_ =	shalt  }
0x84: {  	_ =	shalt  }
0x85: {  	_ =	shalt  }
0x86: {  	_ =	shalt  }
0x87: {  	_ =	shalt  }
.Lfunc_end0:
.L_simem_size_0:
called_computation_lowered:
.L_overlay_start_0:
0x88: {  	s2 =	sld [smem:$0x3FD9]  }
0x89: {  	s3 =	sld [smem:$0x3FFE];
	_ =	sdelay $0x1  }
0x8a: {  	s1 =	srdreg.scid  }
0x8b: {  	s0 =	sand.u32 $0x1, s1  }
0x8c: {  	s17 =	sshll.u32 s0, $0xA;
	s2 =	sadd.s32 s3, s2  }
0x8d: {  	s2 =	sadd.s32 s2, s17  }
0x8e: {  	[smem:$0x3FC4] =	sst s2  }
0x8f: {  	_ = 	snop  }
0x90: {  	s2 =	sld [smem:$0x3FC9]  }
0x91: {  	s18 =	sld [smem:$0x3FC8]  }
0x92: {  	s4 =	sld [smem:$0x3FD0];
	(tm) =	ssettm $0x1  }
0x93: {  	s5 =	sld [smem:$0x3FFB];
	_ =	sdelay $0x3  }
0x94: {  	_ =	strace s5  }
0x95: {  	s5 =	sld [smem:$0x3FFC];
	_ =	sdelay $0x3  }
0x96: {  	_ =	strace s5  }
0x97: {  	s5 =	sld [smem:$0x3FFD];
	_ =	sdelay $0x3  }
0x98: {  	_ =	strace s5  }
0x99: {  	_ =	strace $0x8FFFFFFF  }
0x9a: {  	s19 =	sld [smem:$0x3FDB];
	_ =	sdelay $0x1  }
0x9b: {  	s6 =	simm.s32 $_scs_section_size  }
0x9c: {  	s7 =	simm.s32 $_size__tile_overlayer_lowered;
	s8 =	simm.s32 $_tile_overlayer_lowered  }
0x9d: {  	s22 =	simm.s32 $0x1BFF;
	s21 =	sshll.u32 s8, $0x1;
	s5 =	sadd.s32 s6, s19  }
0x9e: {  	s9 =	simm.s32 $0x0;
	s20 =	sshll.u32 s7, $0x1;
	s7 =	sadd.s32 s21, s5  }
0x9f: {  	[timem:s9], [sflag:s22] =	dma.local [hbm:s7], s20  }
0xa0: {  	_ =	swait.ge [sflag:s22], s20  }
0xa1: {  	s6 =	ssub.s32 $0x0, s20;
	[sflag:s22] =	ssyncset.done $0x0  }
0xa2: {  	[sflag:s22] =	ssyncadd.s32 s6;
	_ =	sdelay $0x1  }
0xa3: {  	s23 =	simm.s32 $0x1B8B  }
0xa4: {  	_ =	swait.ge [sflag:s23], $0x1  }
0xa5: {  	[sflag:s23] =	ssyncset.done $0x0  }
0xa6: {  	s25 =	simm.s32 $0x1B8E;
	s24 =	sld [smem:$0x3FFE];
	[sflag:s23] =	ssyncadd.s32 $0xFFFFFFFF  }
0xa7: {  	s26 =	simm.s32 $execute0_lowered;
	[smem:$0x3FD2] =	sst s25  }
0xa8: {  	s7 =	sshll.u32 s26, $0x1;
	_ =	strace $0x80000046;
	[dreg:$0x1] =	wrdreg $0xFFFFFFFF  }
0xa9: {  	s28 =	simm.s32 $_size_execute0_lowered;
	s5 =	sadd.s32 s5, s7;
	[dreg:$0x0] =	wrdreg $0x0  }
0xaa: {  	s7 =	sshll.u32 s28, $0x1;
	[dreg:$0x2] =	wrdreg s5  }
0xab: {  	[dreg:$0x3] =	wrdreg s7  }
0xac: {  	[dreg:$0x4] =	wrdreg $0xC0  }
0xad: {  	_ =	task [dreg:s9], $0x5FFFF  }
0xae: {  	[dreg:$0x1] =	wrdreg $0xFFFFFFFF  }
0xaf: {  	[dreg:$0x0] =	wrdreg $0x60  }
0xb0: {  	[dreg:$0x2] =	wrdreg s2  }
0xb1: {  	[dreg:$0x3] =	wrdreg s18  }
0xb2: {  	[dreg:$0x4] =	wrdreg s24  }
0xb3: {  	[dreg:$0x5] =	wrdreg s4  }
0xb4: {  	[dreg:$0x6] =	wrdreg $0x9  }
0xb5: {  	_ =	task.clear_ibuf [dreg:s9], $0x7FFFF;
	_ =	strace $0x90000046  }
0xb6: {  	s29 =	simm.s32 $0x9;
	_ =	strace $0x80000048  }
0xb7: {  	_ =	swait.ge [sflag:s29], $0x1  }
0xb8: {  	[sflag:s29] =	ssyncadd.s32 $0xFFFFFFFF  }
0xb9: {  	_ =	strace $0x90000048  }
0xba: {  	_ =	sfence  }
0xbb: {  	s30 =	sld [smem:$0x0];
	_ =	sdelay $0x2  }
0xbc: {  	s31 =	sshll.u32 s1, $0xD;
	s1 =	sshrl.u32 s1, $0x2  }
0xbd: {  	s3 =	sand.u32 $0x4000, s31;
	s1 =	sadd.s32 s1, s30  }
0xbe: {  	s0 =	sor.u32 s3, s0;
	s1 =	sshll.u32 s1, $0x11  }
0xbf: {  	s0 =	sor.u32 s1, s0  }
0xc0: {  	s0 =	sadd.s32 $0x8F2B, s0  }
0xc1: {  	[sflag:s0] =	ssyncadd.remote.s32 $0x1  }
0xc2: {  	_ =	sfence.sel $0xFFFF  }
0xc3: {  	[dreg:$0x0] =	wrdreg $0xFFFFFFFF;
	(pc) =	sbr.abs _section_cstart, $3  }
0xc4: {  	[dreg:$0x1] =	wrdreg $0xFFFFFFFF  }
0xc5: {  	_ =	task.clear_ibuf [dreg:s9], $0x2FFFF;
	_ =	strace $0x9FFFFFFF  }
0xc6: {  	(tm) =	ssettm $0x7FFFFFFF  }
0xc7: {  	_ =	shalt  }
tec
execute0_lowered:
.L_overlay_start_1:
0x0: {  	(tag) =	ssettag $0x1  }
0x1: {  	s0 =	rddreg [dreg:$0x0]  }
0x2: {  	s1 =	rddreg [dreg:$0x1]  }
0x3: {  	s4 =	rddreg [dreg:$0x2]  }
0x4: {  	s5 =	rddreg [dreg:$0x3];
	s2 =	simm.s32 $0x0  }
0x5: {  	s3 =	srdreg.scid;
	s7 =	stileid.u32;
	s28 =	simm.s32 $0x1  }
0x6: {  	s29 =	simm.s32 $0x2;
	s30 =	simm.s32 $0x0;
	[smem:$0x7FF] =	sst s2  }
0x7: {  	s6 =	sand.u32 $0x1, s3;
	s7 =	sshll.u32 s7, $0x1;
	s3 =	sadd.s32 $0xF42800, s4  }
0x8: {  	s4 =	sadd.s32 $0x16E3A00, s4;
	s8 =	ssub.s32 $0x2, s6;
	s6 =	sor.u32 s6, s7  }
0x9: {  	_ =	strace $0x80000047;
	s15 =	sshrl.u32 s8, $0x1;
	s9 =	sshll.u32 s6, $0x9  }
0xa: {  	s10 =	sshll.u32 s6, $0x6;
	s6 =	smul.u32 $0x140, s6;
	s11 =	sor.u32 $0x80, s9  }
0xb: {  	s7 =	ssub.s32 s8, s15;
	s16 =	sadd.s32 s0, s10;
	s20 =	sor.u32 $0x100, s9  }
0xc: {  	s22 =	sor.u32 $0x180, s9;
	s15 =	simm.s32 $0x180;
	[dreg:$0x5] =	wrdreg s16  }
0xd: {  	s17 =	smul.u32 $0x5, s11;
	s18 =	sadd.s32 s1, s6;
	s19 =	sshrl.u32 s11, $0x3  }
0xe: {  	s21 =	smul.u32 $0x5, s20;
	s6 =	sadd.s32 s5, s6;
	s23 =	sshrl.u32 s20, $0x3  }
0xf: {  	s24 =	smul.u32 $0x5, s22;
	s20 =	simm.s32 $0x80;
	[dreg:$0x6] =	wrdreg s18  }
0x10: {  	s11 =	simm.s32 $0x18880;
	s10 =	sadd.s32 s0, s19;
	[dreg:$0x9] =	wrdreg s6  }
0x11: {  	s9 =	sadd.s32 s0, s23;
	s6 =	sshrl.u32 s22, $0x3;
	s18 =	simm.s32 $0x3  }
0x12: {  	s19 =	simm.s32 $0x100;
	s22 =	simm.s32 $0x4600;
	s23 =	simm.s32 $0x500  }
0x13: {  	[dreg:$0x7] =	wrdreg s10;
	s8 =	sshrl.u32 s17, $0x3;
	s10 =	sshrl.u32 s21, $0x3  }
0x14: {  	[dreg:$0xa] =	wrdreg s9;
	s0 =	sadd.s32 s0, s6;
	s26 =	sshrl.u32 s24, $0x3  }
0x15: {  	s17 =	smax.u32 s7, $0x1;
	s21 =	simm.s32 $0x600;
	s7 =	simm.s32 $0x10600  }
0x16: {  	s9 =	simm.s32 $0x12600;
	s12 =	sadd.s32 s1, s8;
	[dreg:$0xd] =	wrdreg s0  }
0x17: {  	s24 =	simm.s32 $0x14600;
	s25 =	sadd.s32 s1, s10;
	[dreg:$0x8] =	wrdreg s12  }
0x18: {  	s8 =	sadd.s32 s5, s8;
	s1 =	sadd.s32 s1, s26;
	[dreg:$0xb] =	wrdreg s25  }
0x19: {  	s31 =	sadd.s32 s5, s10;
	s16 =	sadd.s32 s5, s26;
	[dreg:$0xc] =	wrdreg s8  }
0x1a: {  	s0 =	simm.s32 $0x380;
	s5 =	simm.s32 $0xE600;
	[dreg:$0xe] =	wrdreg s1  }
0x1b: {  	s26 =	simm.s32 $0x16600;
	s10 =	simm.s32 $0x18600;
	[dreg:$0xf] =	wrdreg s31  }
0x1c: {  	v0 =	vlaneseq.u32;
	s1 =	simm.s32 $0x2600;
	s8 =	simm.s32 $0x480;
	s25 =	simm.s32 $0x580  }
.LBB2_1:
0x1d: {  	s6 =	rddreg [dreg:$0x5]  }
0x1e: {  	[tilespmem:s2], [sflag:$0x3] =	stream.linear.gather [hbm4b:s6+s2], $0x80, $0x38;
	[tilespmem:$0x18B00] =	vst v63  }
0x1f: {  	_ =	swait.ge [sflag:s18], $0x80  }
0x20: {  	[sflag:s18] =	ssyncset.done $0x0  }
0x21: {  	s12 =	rddreg [dreg:$0x6];
	[sflag:s18] =	ssyncadd.s32 $0xFFFFFF80  }
0x22: {  	[tilespmem:s19], [sflag:$0x3] =	stream.linear.gather [hbm4b:s12+s2], $0x280, $0x38;
	[tilespmem:$0x18B00] =	vst v63  }
0x23: {  	_ =	swait.ge [sflag:s18], $0x280  }
0x24: {  	[sflag:s18] =	ssyncset.done $0x0  }
0x25: {  	[sflag:s18] =	ssyncadd.s32 $0xFFFFFD80  }
0x26: {  	[tilespmem:s21], [sflag:$0x1] =	stream.indirect.gather [hbm4b:s3+s20], $0x40, s2, s20, $0xb8;
	[tilespmem:$0x18B00] =	vst v63  }
0x27: {  	_ = 	snop  }
0x28: {  	[tilespmem:s22], [sflag:$0x1] =	stream.indirect.gather [hbm4b:s4+s20], $0x40, s19, s20, $0xb8;
	[tilespmem:$0x18B00] =	vst v63  }
0x29: {  	s13 =	simm.s32 $0x6600  }
0x2a: {  	[tilespmem:s13], [sflag:$0x1] =	stream.indirect.gather [hbm4b:s4+s20], $0x40, s15, s20, $0xb8;
	[tilespmem:$0x18B00] =	vst v63  }
0x2b: {  	s14 =	simm.s32 $0x200;
	s12 =	simm.s32 $0x8600  }
0x2c: {  	[tilespmem:s12], [sflag:$0x1] =	stream.indirect.gather [hbm4b:s4+s20], $0x40, s14, s20, $0xb8;
	[tilespmem:$0x18B00] =	vst v63  }
0x2d: {  	s13 =	simm.s32 $0x280;
	s14 =	simm.s32 $0xA600  }
0x2e: {  	[tilespmem:s14], [sflag:$0x1] =	stream.indirect.gather [hbm4b:s4+s20], $0x40, s13, s20, $0xb8;
	[tilespmem:$0x18B00] =	vst v63  }
0x2f: {  	s13 =	simm.s32 $0x300;
	s14 =	simm.s32 $0xC600  }
0x30: {  	[tilespmem:s14], [sflag:$0x1] =	stream.indirect.gather [hbm4b:s4+s20], $0x40, s13, s20, $0xb8;
	[tilespmem:$0x18B00] =	vst v63  }
0x31: {  	s12 =	rddreg [dreg:$0x7]  }
0x32: {  	[tilespmem:s20], [sflag:$0x3] =	stream.linear.gather [hbm4b:s12+s2], $0x80, $0x38;
	[tilespmem:$0x18B00] =	vst v63  }
0x33: {  	_ =	swait.ge [sflag:s18], $0x80  }
0x34: {  	[sflag:s18] =	ssyncset.done $0x0  }
0x35: {  	s13 =	rddreg [dreg:$0x8];
	[sflag:s18] =	ssyncadd.s32 $0xFFFFFF80  }
0x36: {  	[tilespmem:s0], [sflag:$0x3] =	stream.linear.gather [hbm4b:s13+s2], $0x280, $0x38;
	[tilespmem:$0x18B00] =	vst v63  }
0x37: {  	_ =	swait.ge [sflag:s18], $0x280  }
0x38: {  	[sflag:s18] =	ssyncset.done $0x0  }
0x39: {  	[sflag:s18] =	ssyncadd.s32 $0xFFFFFD80  }
0x3a: {  	[tilespmem:s1], [sflag:$0x2] =	stream.indirect.gather [hbm4b:s3+s20], $0x40, s20, s20, $0xb8;
	[tilespmem:$0x18B00] =	vst v63  }
0x3b: {  	_ = 	snop  }
0x3c: {  	[tilespmem:s5], [sflag:$0x2] =	stream.indirect.gather [hbm4b:s4+s20], $0x40, s0, s20, $0xb8;
	[tilespmem:$0x18B00] =	vst v63  }
0x3d: {  	s14 =	simm.s32 $0x400  }
0x3e: {  	[tilespmem:s7], [sflag:$0x2] =	stream.indirect.gather [hbm4b:s4+s20], $0x40, s14, s20, $0xb8;
	[tilespmem:$0x18B00] =	vst v63  }
0x3f: {  	_ = 	snop  }
0x40: {  	[tilespmem:s9], [sflag:$0x2] =	stream.indirect.gather [hbm4b:s4+s20], $0x40, s8, s20, $0xb8;
	[tilespmem:$0x18B00] =	vst v63  }
0x41: {  	_ = 	snop  }
0x42: {  	[tilespmem:s24], [sflag:$0x2] =	stream.indirect.gather [hbm4b:s4+s20], $0x40, s23, s20, $0xb8;
	[tilespmem:$0x18B00] =	vst v63  }
0x43: {  	_ = 	snop  }
0x44: {  	[tilespmem:s26], [sflag:$0x2] =	stream.indirect.gather [hbm4b:s4+s20], $0x40, s25, s20, $0xb8;
	[tilespmem:$0x18B00] =	vst v63  }
0x45: {  	_ =	swait.ge [sflag:s28], $0x2000  }
0x46: {  	[sflag:s28] =	ssyncset.done $0x0  }
0x47: {  	[sflag:s28] =	ssyncadd.s32 $0xFFFFE000  }
0x48: {  	_ =	swait.ge [sflag:s28], $0x2000  }
0x49: {  	[sflag:s28] =	ssyncset.done $0x0  }
0x4a: {  	[sflag:s28] =	ssyncadd.s32 $0xFFFFE000  }
0x4b: {  	_ =	swait.ge [sflag:s28], $0x2000  }
0x4c: {  	[sflag:s28] =	ssyncset.done $0x0  }
0x4d: {  	[sflag:s28] =	ssyncadd.s32 $0xFFFFE000  }
0x4e: {  	_ =	swait.ge [sflag:s28], $0x2000  }
0x4f: {  	[sflag:s28] =	ssyncset.done $0x0  }
0x50: {  	[sflag:s28] =	ssyncadd.s32 $0xFFFFE000  }
0x51: {  	_ =	swait.ge [sflag:s28], $0x2000  }
0x52: {  	[sflag:s28] =	ssyncset.done $0x0  }
0x53: {  	[sflag:s28] =	ssyncadd.s32 $0xFFFFE000  }
0x54: {  	_ =	swait.ge [sflag:s28], $0x2000  }
0x55: {  	[sflag:s28] =	ssyncset.done $0x0  }
0x56: {  	s31 =	simm.s32 $0x0;
	[sflag:s28] =	ssyncadd.s32 $0xFFFFE000  }
.LBB2_2:
0x57: {  	s12 =	simm.s32 $0x1  }
0x58: {  	v1 =	vmov s12  }
0x59: {  	s14 =	sshll.u32 s31, $0x4;
	s6 =	simm.s32 $0x0;
	v2 =	vand.u32 $0x3D, v1  }
0x5a: {  	v4 =	vmov s6;
	v1 =	vor.u32 s14, v0;
	v10 =	vbroadcast v2, $0x0  }
0x5b: {  	v5 =	vand.u32 $0x3C, v4;
	v3 =	vshll.u32 v1, $0x6;
	v2 =	vmul.u32 $0x140, v1  }
0x5c: {  	v11 =	vbroadcast v5, $0x0;
	v6 =	vor.u32 v3, v10  }
0x5d: {  	v7 =	vor.u32 v2, v10  }
0x5e: {  	v4 =	vadd.s32 $0xC0, v2;
	v21 =	vor.u32 v2, v11  }
0x5f: {  	v8 =	vor.u32 v4, v10  }
0x60: {  	v5 =	vadd.s32 $0x100, v2;
	v12 =	vor.u32 v3, v11  }
0x61: {  	v13 =	vor.u32 v5, v10;
	v9 =	vld.idx.msk [tilespmem:v6+s21+$0x0], $0xffff  }
0x62: {  	v14 =	vor.u32 v5, v11;
	v20 =	vld.idx.msk [tilespmem:v7+s22+$0x0], $0xffff  }
0x63: {  	s13 =	simm.s32 $0x2;
	v15 =	vor.u32 v4, v11;
	v6 =	vadd.s32 $0x80, v2;
	v21 =	vld.idx.msk [tilespmem:v21+s22+$0x0], $0xffff  }
0x64: {  	v16 =	vmov s13;
	v7 =	vadd.s32 $0x40, v2;
	v17 =	vor.u32 v6, v10;
	v18 =	vld.idx.msk [tilespmem:v8+s22+$0x0], $0xffff  }
0x65: {  	v16 =	vand.u32 $0x3E, v16;
	v8 =	vld.idx.msk [tilespmem:v12+s21+$0x0], $0xffff;
	v10 =	vor.u32 v7, v10  }
0x66: {  	s14 =	simm.s32 $0x3;
	v12 =	vbroadcast v16, $0x0;
	v23 =	vld.idx.msk [tilespmem:v13+s22+$0x0], $0xffff;
	v22 =	vor.u32 v6, v11  }
0x67: {  	v14 =	vld.idx.msk [tilespmem:v14+s22+$0x0], $0xffff;
	v13 =	vmov s14;
	v30 =	vor.u32 v7, v11  }
0x68: {  	v15 =	vld.idx.msk [tilespmem:v15+s22+$0x0], $0xffff;
	v13 =	vand.u32 $0x3F, v13;
	v24 =	vor.u32 v2, v12  }
0x69: {  	v26 =	vor.u32 v5, v12;
	v13 =	vbroadcast v13, $0x0;
	v19 =	vld.idx.msk [tilespmem:v17+s22+$0x0], $0xffff  }
0x6a: {  	v28 =	vor.u32 v3, v12;
	v33 =	vor.u32 v6, v12;
	v16 =	vor.u32 v4, v12;
	v34 =	vld.idx.msk [tilespmem:v10+s22+$0x0], $0xffff  }
0x6b: {  	v11 =	vmul.f32 v20, v9;
	v27 =	vor.u32 v6, v13;
	v25 =	vmul.f32 v18, v9;
	v18 =	vld.idx.msk [tilespmem:v22+s22+$0x0], $0xffff  }
0x6c: {  	v17 =	vimm.f32 $0.0e+00;
	v22 =	vor.u32 v7, v12;
	v10 =	vmul.f32 v14, v8;
	v30 =	vld.idx.msk [tilespmem:v30+s22+$0x0], $0xffff  }
0x6d: {  	v23 =	vmul.f32 v23, v9;
	v12 =	vor.u32 v4, v13;
	v14 =	vmul.f32 v15, v8;
	v20 =	vld.idx.msk [tilespmem:v24+s22+$0x0], $0xffff  }
0x6e: {  	v31 =	vmul.f32 v21, v8;
	v21 =	vimm.f32 $0.0e+00;
	v29 =	vld.idx.msk [tilespmem:v26+s22+$0x0], $0xffff;
	v35 =	vadd.f32 v10, v17  }
0x6f: {  	v10 =	vld.idx.msk [tilespmem:v28+s21+$0x0], $0xffff;
	v24 =	vor.u32 v3, v13;
	v32 =	vadd.f32 v14, v17;
	v26 =	vor.u32 v5, v13  }
0x70: {  	s12 =	simm.s32 $0x4;
	v28 =	vld.idx.msk [tilespmem:v33+s22+$0x0], $0xffff;
	v14 =	vimm.f32 $0.0e+00;
	v23 =	vadd.f32 v23, v35;
	v15 =	vmul.f32 v34, v9  }
.LBB2_3:
0x71: {  	s13 =	sadd.s32 $0x1, s12;
	s14 =	sadd.s32 $0x2, s12;
	s6 =	sadd.s32 $0x3, s12;
	v33 =	vmul.f32 v19, v9;
	v19 =	vadd.f32 v25, v32;
	v9 =	vor.u32 v7, v13  }
0x72: {  	p0 =	slt.u32 s12, $0x3C;
	v25 =	vmov s13;
	v32 =	vmov s14;
	v34 =	vmov s6;
	s6 =	smov.u32 s12;
	s12 =	sadd.s32 $0x4, s12  }
0x73: {  	v17 =	vadd.f32 v31, v17;
	v25 =	vand.u32 $0x3D, v25;
	v34 =	vand.u32 $0x3F, v34;
	v16 =	vld.idx.msk [tilespmem:v16+s22+$0x0], $0xffff  }
0x74: {  	v31 =	vmov s6;
	v29 =	vmul.f32 v29, v10;
	v25 =	vbroadcast v25, $0x0;
	v27 =	vld.idx.msk [tilespmem:v27+s22+$0x0], $0xffff  }
0x75: {  	v18 =	vmul.f32 v18, v8;
	v13 =	vor.u32 v2, v13;
	v31 =	vand.u32 $0x3C, v31;
	v22 =	vld.idx.msk [tilespmem:v22+s22+$0x0], $0xffff  }
0x76: {  	v20 =	vmul.f32 v20, v10;
	v31 =	vbroadcast v31, $0x0;
	v35 =	vor.u32 v3, v25;
	v26 =	vld.idx.msk [tilespmem:v26+s22+$0x0], $0xffff  }
0x77: {  	v28 =	vmul.f32 v28, v10;
	v36 =	vor.u32 v2, v25;
	v37 =	vor.u32 v4, v25;
	v38 =	vld.idx.msk [tilespmem:v9+s22+$0x0], $0xffff  }
0x78: {  	v8 =	vmul.f32 v30, v8;
	v39 =	vor.u32 v3, v31;
	v40 =	vor.u32 v2, v31;
	v24 =	vld.idx.msk [tilespmem:v24+s21+$0x0], $0xffff  }
0x79: {  	v30 =	vor.u32 v7, v31;
	v41 =	vor.u32 v6, v31;
	v42 =	vmul.f32 v16, v10;
	v12 =	vld.idx.msk [tilespmem:v12+s22+$0x0], $0xffff  }
0x7a: {  	v43 =	vor.u32 v5, v25;
	v16 =	vor.u32 v5, v31;
	v13 =	vld.idx.msk [tilespmem:v13+s22+$0x0], $0xffff  }
0x7b: {  	v8 =	vadd.f32 v8, v21;
	v21 =	vadd.f32 v29, v23;
	v31 =	vor.u32 v4, v31;
	v9 =	vld.idx.msk [tilespmem:v35+s21+$0x0], $0xffff  }
0x7c: {  	v14 =	vadd.f32 v18, v14;
	v11 =	vadd.f32 v11, v17;
	v29 =	vand.u32 $0x3E, v32;
	v23 =	vld.idx.msk [tilespmem:v36+s22+$0x0], $0xffff  }
0x7d: {  	v17 =	vor.u32 v6, v25;
	v29 =	vbroadcast v29, $0x0;
	v15 =	vadd.f32 v15, v8;
	v18 =	vld.idx.msk [tilespmem:v37+s22+$0x0], $0xffff  }
0x7e: {  	v11 =	vadd.f32 v20, v11;
	v25 =	vor.u32 v7, v25;
	v32 =	vmul.f32 v38, v24;
	v8 =	vld.idx.msk [tilespmem:v39+s21+$0x0], $0xffff  }
0x7f: {  	v10 =	vmul.f32 v22, v10;
	v35 =	vor.u32 v3, v29;
	v36 =	vor.u32 v5, v29;
	v20 =	vld.idx.msk [tilespmem:v43+s22+$0x0], $0xffff  }
0x80: {  	v38 =	vor.u32 v6, v29;
	v39 =	vadd.f32 v42, v19;
	v37 =	vld.idx.msk [tilespmem:v16+s22+$0x0], $0xffff;
	v16 =	vor.u32 v4, v29  }
0x81: {  	v42 =	vor.u32 v2, v29;
	v22 =	vmul.f32 v13, v24;
	v43 =	vmul.f32 v27, v24;
	v31 =	vld.idx.msk [tilespmem:v31+s22+$0x0], $0xffff  }
0x82: {  	v14 =	vadd.f32 v33, v14;
	v15 =	vadd.f32 v10, v15;
	v13 =	vbroadcast v34, $0x0;
	v19 =	vld.idx.msk [tilespmem:v17+s22+$0x0], $0xffff  }
0x83: {  	v10 =	vmul.f32 v12, v24;
	v24 =	vmul.f32 v26, v24;
	v17 =	vadd.f32 v22, v11;
	v33 =	vld.idx.msk [tilespmem:v40+s22+$0x0], $0xffff  }
0x84: {  	v14 =	vadd.f32 v28, v14;
	v22 =	vor.u32 v7, v29;
	v34 =	vld.idx.msk [tilespmem:v25+s22+$0x0], $0xffff;
	v25 =	vmul.f32 v18, v9  }
0x85: {  	v26 =	vadd.f32 v10, v39;
	v11 =	vmul.f32 v23, v9;
	v23 =	vmul.f32 v20, v9;
	v18 =	vld.idx.msk [tilespmem:v41+s22+$0x0], $0xffff  }
.Ltmp0:
0x86: {  	v12 =	vor.u32 v4, v13;
	v21 =	vadd.f32 v24, v21;
	v10 =	vmul.f32 v37, v8;
	v20 =	vld.idx.msk [tilespmem:v42+s22+$0x0], $0xffff;
	(pc) =	sbr.rel @p0 .LBB2_3-.Ltmp0, $4  }
0x87: {  	v27 =	vor.u32 v6, v13;
	v14 =	vadd.f32 v43, v14;
	v28 =	vmul.f32 v31, v8;
	v29 =	vld.idx.msk [tilespmem:v36+s22+$0x0], $0xffff  }
0x88: {  	v24 =	vor.u32 v3, v13;
	v36 =	vadd.f32 v10, v21;
	v21 =	vadd.f32 v32, v15;
	v10 =	vld.idx.msk [tilespmem:v35+s21+$0x0], $0xffff  }
0x89: {  	v31 =	vmul.f32 v33, v8;
	v32 =	vadd.f32 v28, v26;
	v26 =	vor.u32 v5, v13;
	v28 =	vld.idx.msk [tilespmem:v38+s22+$0x0], $0xffff  }
0x8a: {  	v15 =	vmul.f32 v34, v9;
	v23 =	vadd.f32 v23, v36;
	v30 =	vld.idx.msk [tilespmem:v30+s22+$0x0], $0xffff  }
0x8b: {  	_ =	sdelay $0x1  }
0x8c: {  	v2 =	vor.u32 v2, v13  }
0x8d: {  	v3 =	vor.u32 v7, v13  }
0x8e: {  	v4 =	vld.idx.msk [tilespmem:v16+s22+$0x0], $0xffff  }
0x8f: {  	v5 =	vld.idx.msk [tilespmem:v22+s22+$0x0], $0xffff;
	v6 =	vmul.f32 v19, v9  }
0x90: {  	v47 =	vadd.f32 v31, v17;
	v50 =	vld.idx.msk [tilespmem:v24+s21+$0x0], $0xffff;
	v52 =	vmul.f32 v18, v8;
	v1 =	vmul.u32 $0x5, v1  }
0x91: {  	v51 =	vadd.f32 v25, v32;
	v48 =	vmul.f32 v29, v10;
	v49 =	vmul.f32 v30, v8;
	v2 =	vld.idx.msk [tilespmem:v2+s22+$0x0], $0xffff  }
0x92: {  	v53 =	vmul.f32 v20, v10;
	v7 =	vadd.f32 v11, v47;
	v59 =	vadd.s32 $0x1, v1;
	v3 =	vld.idx.msk [tilespmem:v3+s22+$0x0], $0xffff  }
0x93: {  	v54 =	vld.idx.msk [tilespmem:v27+s22+$0x0], $0xffff;
	v61 =	vadd.s32 $0x2, v1;
	v62 =	vadd.s32 $0x3, v1;
	v13 =	vadd.f32 v49, v21  }
0x94: {  	v56 =	vld.idx.msk [tilespmem:v12+s22+$0x0], $0xffff;
	v63 =	vadd.s32 $0x4, v1;
	v55 =	vmul.f32 v28, v10;
	v8 =	vadd.f32 v52, v14  }
0x95: {  	v58 =	vld.idx.msk [tilespmem:v26+s22+$0x0], $0xffff;
	v9 =	vadd.f32 v48, v23;
	v5 =	vmul.f32 v5, v10;
	v57 =	vadd.f32 v15, v13  }
0x96: {  	v7 =	vadd.f32 v53, v7;
	v6 =	vadd.f32 v6, v8;
	v2 =	vmul.f32 v2, v50  }
0x97: {  	v4 =	vmul.f32 v4, v10;
	v3 =	vmul.f32 v3, v50;
	v5 =	vadd.f32 v5, v57  }
0x98: {  	s31 =	sadd.s32 $0x1, s31;
	v60 =	vmul.f32 v54, v50;
	v6 =	vadd.f32 v55, v6;
	v2 =	vadd.f32 v2, v7  }
0x99: {  	p0 =	sne.s32 s31, $0x8;
	v11 =	vmul.f32 v56, v50;
	v4 =	vadd.f32 v4, v51;
	v3 =	vadd.f32 v3, v5  }
.Ltmp1:
0x9a: {  	v13 =	vmul.f32 v58, v50;
	v6 =	vadd.f32 v60, v6;
	[tilespmem:v1+s10+$0x0] =	vst.idx.msk $0xffff, v2;
	(pc) =	sbr.rel @p0 .LBB2_2-.Ltmp1, $4  }
0x9b: {  	v1 =	vadd.f32 v11, v4;
	[tilespmem:v59+s10+$0x0] =	vst.idx.msk $0xffff, v3  }
0x9c: {  	v2 =	vadd.f32 v13, v9;
	[tilespmem:v61+s10+$0x0] =	vst.idx.msk $0xffff, v6  }
0x9d: {  	[tilespmem:v62+s10+$0x0] =	vst.idx.msk $0xffff, v1  }
0x9e: {  	[tilespmem:v63+s10+$0x0] =	vst.idx.msk $0xffff, v2  }
0x9f: {  	s31 =	simm.s32 $0x0;
	s6 =	rddreg [dreg:$0x9]  }
0xa0: {  	[hbm4b:s6+s31] =	stream.linear.scatter [tilespmem:s10], [sflag:$0x3], $0x280, $0x38;
	[tilespmem:$0x18B00] =	vst v63  }
0xa1: {  	_ =	swait.ge [sflag:s18], $0x280  }
0xa2: {  	[sflag:s18] =	ssyncset.done $0x0  }
0xa3: {  	s12 =	rddreg [dreg:$0xa];
	[sflag:s18] =	ssyncadd.s32 $0xFFFFFD80  }
0xa4: {  	[tilespmem:s31], [sflag:$0x3] =	stream.linear.gather [hbm4b:s12+s31], $0x80, $0x38;
	[tilespmem:$0x18B00] =	vst v63  }
0xa5: {  	_ =	swait.ge [sflag:s18], $0x80  }
0xa6: {  	[sflag:s18] =	ssyncset.done $0x0  }
0xa7: {  	s13 =	rddreg [dreg:$0xb];
	[sflag:s18] =	ssyncadd.s32 $0xFFFFFF80  }
0xa8: {  	[tilespmem:s19], [sflag:$0x3] =	stream.linear.gather [hbm4b:s13+s31], $0x280, $0x38;
	[tilespmem:$0x18B00] =	vst v63  }
0xa9: {  	_ =	swait.ge [sflag:s18], $0x280  }
0xaa: {  	[sflag:s18] =	ssyncset.done $0x0  }
0xab: {  	[sflag:s18] =	ssyncadd.s32 $0xFFFFFD80  }
0xac: {  	[tilespmem:s21], [sflag:$0x1] =	stream.indirect.gather [hbm4b:s3+s20], $0x40, s31, s20, $0xb8;
	[tilespmem:$0x18B00] =	vst v63  }
0xad: {  	_ = 	snop  }
0xae: {  	[tilespmem:s22], [sflag:$0x1] =	stream.indirect.gather [hbm4b:s4+s20], $0x40, s19, s20, $0xb8;
	[tilespmem:$0x18B00] =	vst v63  }
0xaf: {  	s14 =	simm.s32 $0x6600  }
0xb0: {  	[tilespmem:s14], [sflag:$0x1] =	stream.indirect.gather [hbm4b:s4+s20], $0x40, s15, s20, $0xb8;
	[tilespmem:$0x18B00] =	vst v63  }
0xb1: {  	s12 =	simm.s32 $0x8600;
	s15 =	simm.s32 $0x200  }
0xb2: {  	[tilespmem:s12], [sflag:$0x1] =	stream.indirect.gather [hbm4b:s4+s20], $0x40, s15, s20, $0xb8;
	[tilespmem:$0x18B00] =	vst v63  }
0xb3: {  	s13 =	simm.s32 $0xA600;
	s12 =	simm.s32 $0x280  }
0xb4: {  	[tilespmem:s13], [sflag:$0x1] =	stream.indirect.gather [hbm4b:s4+s20], $0x40, s12, s20, $0xb8;
	[tilespmem:$0x18B00] =	vst v63  }
0xb5: {  	s14 =	simm.s32 $0x300;
	s15 =	simm.s32 $0xC600  }
0xb6: {  	[tilespmem:s15], [sflag:$0x1] =	stream.indirect.gather [hbm4b:s4+s20], $0x40, s14, s20, $0xb8;
	[tilespmem:$0x18B00] =	vst v63  }
0xb7: {  	_ =	swait.ge [sflag:s29], $0x2000  }
0xb8: {  	[sflag:s29] =	ssyncset.done $0x0  }
0xb9: {  	[sflag:s29] =	ssyncadd.s32 $0xFFFFE000  }
0xba: {  	_ =	swait.ge [sflag:s29], $0x2000  }
0xbb: {  	[sflag:s29] =	ssyncset.done $0x0  }
0xbc: {  	[sflag:s29] =	ssyncadd.s32 $0xFFFFE000  }
0xbd: {  	_ =	swait.ge [sflag:s29], $0x2000  }
0xbe: {  	[sflag:s29] =	ssyncset.done $0x0  }
0xbf: {  	[sflag:s29] =	ssyncadd.s32 $0xFFFFE000  }
0xc0: {  	_ =	swait.ge [sflag:s29], $0x2000  }
0xc1: {  	[sflag:s29] =	ssyncset.done $0x0  }
0xc2: {  	[sflag:s29] =	ssyncadd.s32 $0xFFFFE000  }
0xc3: {  	_ =	swait.ge [sflag:s29], $0x2000  }
0xc4: {  	[sflag:s29] =	ssyncset.done $0x0  }
0xc5: {  	[sflag:s29] =	ssyncadd.s32 $0xFFFFE000  }
0xc6: {  	_ =	swait.ge [sflag:s29], $0x2000  }
0xc7: {  	[sflag:s29] =	ssyncset.done $0x0  }
0xc8: {  	s12 =	simm.s32 $0x0;
	[sflag:s29] =	ssyncadd.s32 $0xFFFFE000  }
.LBB2_6:
0xc9: {  	s6 =	simm.s32 $0x1  }
0xca: {  	v1 =	vmov s6  }
0xcb: {  	s13 =	sshll.u32 s12, $0x4;
	v2 =	vand.u32 $0x3D, v1  }
0xcc: {  	v4 =	vmov s31;
	v1 =	vor.u32 s13, v0;
	v10 =	vbroadcast v2, $0x0  }
0xcd: {  	v5 =	vand.u32 $0x3C, v4;
	v3 =	vshll.u32 v1, $0x6;
	v2 =	vmul.u32 $0x140, v1  }
0xce: {  	v11 =	vbroadcast v5, $0x0;
	v6 =	vor.u32 v3, v10  }
0xcf: {  	v7 =	vor.u32 v2, v10  }
0xd0: {  	v4 =	vadd.s32 $0xC0, v2;
	v21 =	vor.u32 v2, v11  }
0xd1: {  	v8 =	vor.u32 v4, v10  }
0xd2: {  	v12 =	vor.u32 v3, v11;
	v5 =	vadd.s32 $0x100, v2  }
0xd3: {  	v13 =	vor.u32 v5, v10;
	v9 =	vld.idx.msk [tilespmem:v6+s1+$0x0], $0xffff  }
0xd4: {  	v14 =	vor.u32 v5, v11;
	v20 =	vld.idx.msk [tilespmem:v7+s5+$0x0], $0xffff  }
0xd5: {  	s14 =	simm.s32 $0x2;
	v15 =	vor.u32 v4, v11;
	v6 =	vadd.s32 $0x80, v2;
	v21 =	vld.idx.msk [tilespmem:v21+s5+$0x0], $0xffff  }
0xd6: {  	v16 =	vmov s14;
	v7 =	vadd.s32 $0x40, v2;
	v17 =	vor.u32 v6, v10;
	v18 =	vld.idx.msk [tilespmem:v8+s5+$0x0], $0xffff  }
0xd7: {  	v16 =	vand.u32 $0x3E, v16;
	v8 =	vld.idx.msk [tilespmem:v12+s1+$0x0], $0xffff;
	v10 =	vor.u32 v7, v10  }
0xd8: {  	s15 =	simm.s32 $0x3;
	v12 =	vbroadcast v16, $0x0;
	v23 =	vld.idx.msk [tilespmem:v13+s5+$0x0], $0xffff;
	v22 =	vor.u32 v6, v11  }
0xd9: {  	v14 =	vld.idx.msk [tilespmem:v14+s5+$0x0], $0xffff;
	v13 =	vmov s15;
	v30 =	vor.u32 v7, v11  }
0xda: {  	v15 =	vld.idx.msk [tilespmem:v15+s5+$0x0], $0xffff;
	v13 =	vand.u32 $0x3F, v13;
	v24 =	vor.u32 v2, v12  }
0xdb: {  	v26 =	vor.u32 v5, v12;
	v13 =	vbroadcast v13, $0x0;
	v19 =	vld.idx.msk [tilespmem:v17+s5+$0x0], $0xffff  }
0xdc: {  	v28 =	vor.u32 v3, v12;
	v33 =	vor.u32 v6, v12;
	v16 =	vor.u32 v4, v12;
	v34 =	vld.idx.msk [tilespmem:v10+s5+$0x0], $0xffff  }
0xdd: {  	v11 =	vmul.f32 v20, v9;
	v27 =	vor.u32 v6, v13;
	v25 =	vmul.f32 v18, v9;
	v18 =	vld.idx.msk [tilespmem:v22+s5+$0x0], $0xffff  }
0xde: {  	v17 =	vimm.f32 $0.0e+00;
	v22 =	vor.u32 v7, v12;
	v10 =	vmul.f32 v14, v8;
	v30 =	vld.idx.msk [tilespmem:v30+s5+$0x0], $0xffff  }
0xdf: {  	v23 =	vmul.f32 v23, v9;
	v12 =	vor.u32 v4, v13;
	v14 =	vmul.f32 v15, v8;
	v20 =	vld.idx.msk [tilespmem:v24+s5+$0x0], $0xffff  }
0xe0: {  	v31 =	vmul.f32 v21, v8;
	v21 =	vimm.f32 $0.0e+00;
	v29 =	vld.idx.msk [tilespmem:v26+s5+$0x0], $0xffff;
	v35 =	vadd.f32 v10, v17  }
0xe1: {  	v10 =	vld.idx.msk [tilespmem:v28+s1+$0x0], $0xffff;
	v24 =	vor.u32 v3, v13;
	v32 =	vadd.f32 v14, v17;
	v26 =	vor.u32 v5, v13  }
0xe2: {  	s13 =	simm.s32 $0x4;
	v28 =	vld.idx.msk [tilespmem:v33+s5+$0x0], $0xffff;
	v14 =	vimm.f32 $0.0e+00;
	v23 =	vadd.f32 v23, v35;
	v15 =	vmul.f32 v34, v9  }
.LBB2_7:
0xe3: {  	s6 =	sadd.s32 $0x1, s13;
	s14 =	sadd.s32 $0x2, s13;
	s15 =	sadd.s32 $0x3, s13;
	v33 =	vmul.f32 v19, v9;
	v19 =	vadd.f32 v25, v32;
	v9 =	vor.u32 v7, v13  }
0xe4: {  	p0 =	slt.u32 s13, $0x3C;
	v25 =	vmov s6;
	v32 =	vmov s14;
	v34 =	vmov s15;
	s6 =	smov.u32 s13;
	s13 =	sadd.s32 $0x4, s13  }
0xe5: {  	v17 =	vadd.f32 v31, v17;
	v25 =	vand.u32 $0x3D, v25;
	v34 =	vand.u32 $0x3F, v34;
	v16 =	vld.idx.msk [tilespmem:v16+s5+$0x0], $0xffff  }
0xe6: {  	v31 =	vmov s6;
	v29 =	vmul.f32 v29, v10;
	v25 =	vbroadcast v25, $0x0;
	v27 =	vld.idx.msk [tilespmem:v27+s5+$0x0], $0xffff  }
0xe7: {  	v18 =	vmul.f32 v18, v8;
	v13 =	vor.u32 v2, v13;
	v31 =	vand.u32 $0x3C, v31;
	v22 =	vld.idx.msk [tilespmem:v22+s5+$0x0], $0xffff  }
0xe8: {  	v20 =	vmul.f32 v20, v10;
	v31 =	vbroadcast v31, $0x0;
	v35 =	vor.u32 v3, v25;
	v26 =	vld.idx.msk [tilespmem:v26+s5+$0x0], $0xffff  }
0xe9: {  	v28 =	vmul.f32 v28, v10;
	v36 =	vor.u32 v2, v25;
	v37 =	vor.u32 v4, v25;
	v38 =	vld.idx.msk [tilespmem:v9+s5+$0x0], $0xffff  }
0xea: {  	v8 =	vmul.f32 v30, v8;
	v39 =	vor.u32 v3, v31;
	v40 =	vor.u32 v2, v31;
	v24 =	vld.idx.msk [tilespmem:v24+s1+$0x0], $0xffff  }
0xeb: {  	v30 =	vor.u32 v7, v31;
	v41 =	vor.u32 v6, v31;
	v42 =	vmul.f32 v16, v10;
	v12 =	vld.idx.msk [tilespmem:v12+s5+$0x0], $0xffff  }
0xec: {  	v43 =	vor.u32 v5, v25;
	v16 =	vor.u32 v5, v31;
	v13 =	vld.idx.msk [tilespmem:v13+s5+$0x0], $0xffff  }
0xed: {  	v8 =	vadd.f32 v8, v21;
	v21 =	vadd.f32 v29, v23;
	v31 =	vor.u32 v4, v31;
	v9 =	vld.idx.msk [tilespmem:v35+s1+$0x0], $0xffff  }
0xee: {  	v14 =	vadd.f32 v18, v14;
	v11 =	vadd.f32 v11, v17;
	v29 =	vand.u32 $0x3E, v32;
	v23 =	vld.idx.msk [tilespmem:v36+s5+$0x0], $0xffff  }
0xef: {  	v17 =	vor.u32 v6, v25;
	v29 =	vbroadcast v29, $0x0;
	v15 =	vadd.f32 v15, v8;
	v18 =	vld.idx.msk [tilespmem:v37+s5+$0x0], $0xffff  }
0xf0: {  	v11 =	vadd.f32 v20, v11;
	v25 =	vor.u32 v7, v25;
	v32 =	vmul.f32 v38, v24;
	v8 =	vld.idx.msk [tilespmem:v39+s1+$0x0], $0xffff  }
0xf1: {  	v10 =	vmul.f32 v22, v10;
	v35 =	vor.u32 v3, v29;
	v36 =	vor.u32 v5, v29;
	v20 =	vld.idx.msk [tilespmem:v43+s5+$0x0], $0xffff  }
0xf2: {  	v38 =	vor.u32 v6, v29;
	v39 =	vadd.f32 v42, v19;
	v37 =	vld.idx.msk [tilespmem:v16+s5+$0x0], $0xffff;
	v16 =	vor.u32 v4, v29  }
0xf3: {  	v42 =	vor.u32 v2, v29;
	v22 =	vmul.f32 v13, v24;
	v43 =	vmul.f32 v27, v24;
	v31 =	vld.idx.msk [tilespmem:v31+s5+$0x0], $0xffff  }
0xf4: {  	v14 =	vadd.f32 v33, v14;
	v15 =	vadd.f32 v10, v15;
	v13 =	vbroadcast v34, $0x0;
	v19 =	vld.idx.msk [tilespmem:v17+s5+$0x0], $0xffff  }
0xf5: {  	v10 =	vmul.f32 v12, v24;
	v24 =	vmul.f32 v26, v24;
	v17 =	vadd.f32 v22, v11;
	v33 =	vld.idx.msk [tilespmem:v40+s5+$0x0], $0xffff  }
0xf6: {  	v14 =	vadd.f32 v28, v14;
	v22 =	vor.u32 v7, v29;
	v34 =	vld.idx.msk [tilespmem:v25+s5+$0x0], $0xffff;
	v25 =	vmul.f32 v18, v9  }
0xf7: {  	v26 =	vadd.f32 v10, v39;
	v11 =	vmul.f32 v23, v9;
	v23 =	vmul.f32 v20, v9;
	v18 =	vld.idx.msk [tilespmem:v41+s5+$0x0], $0xffff  }
.Ltmp2:
0xf8: {  	v12 =	vor.u32 v4, v13;
	v21 =	vadd.f32 v24, v21;
	v10 =	vmul.f32 v37, v8;
	v20 =	vld.idx.msk [tilespmem:v42+s5+$0x0], $0xffff;
	(pc) =	sbr.rel @p0 .LBB2_7-.Ltmp2, $4  }
0xf9: {  	v27 =	vor.u32 v6, v13;
	v14 =	vadd.f32 v43, v14;
	v28 =	vmul.f32 v31, v8;
	v29 =	vld.idx.msk [tilespmem:v36+s5+$0x0], $0xffff  }
0xfa: {  	v24 =	vor.u32 v3, v13;
	v36 =	vadd.f32 v10, v21;
	v21 =	vadd.f32 v32, v15;
	v10 =	vld.idx.msk [tilespmem:v35+s1+$0x0], $0xffff  }
0xfb: {  	v31 =	vmul.f32 v33, v8;
	v32 =	vadd.f32 v28, v26;
	v26 =	vor.u32 v5, v13;
	v28 =	vld.idx.msk [tilespmem:v38+s5+$0x0], $0xffff  }
0xfc: {  	v15 =	vmul.f32 v34, v9;
	v23 =	vadd.f32 v23, v36;
	v30 =	vld.idx.msk [tilespmem:v30+s5+$0x0], $0xffff  }
0xfd: {  	_ =	sdelay $0x1  }
0xfe: {  	v2 =	vor.u32 v2, v13  }
0xff: {  	v3 =	vor.u32 v7, v13  }
0x100: {  	v4 =	vld.idx.msk [tilespmem:v16+s5+$0x0], $0xffff  }
0x101: {  	v5 =	vld.idx.msk [tilespmem:v22+s5+$0x0], $0xffff;
	v6 =	vmul.f32 v19, v9  }
0x102: {  	v47 =	vadd.f32 v31, v17;
	v50 =	vld.idx.msk [tilespmem:v24+s1+$0x0], $0xffff;
	v52 =	vmul.f32 v18, v8;
	v1 =	vmul.u32 $0x5, v1  }
0x103: {  	v51 =	vadd.f32 v25, v32;
	v48 =	vmul.f32 v29, v10;
	v49 =	vmul.f32 v30, v8;
	v2 =	vld.idx.msk [tilespmem:v2+s5+$0x0], $0xffff  }
0x104: {  	v53 =	vmul.f32 v20, v10;
	v7 =	vadd.f32 v11, v47;
	v59 =	vadd.s32 $0x1, v1;
	v3 =	vld.idx.msk [tilespmem:v3+s5+$0x0], $0xffff  }
0x105: {  	v54 =	vld.idx.msk [tilespmem:v27+s5+$0x0], $0xffff;
	v61 =	vadd.s32 $0x2, v1;
	v62 =	vadd.s32 $0x3, v1;
	v13 =	vadd.f32 v49, v21  }
0x106: {  	v56 =	vld.idx.msk [tilespmem:v12+s5+$0x0], $0xffff;
	v63 =	vadd.s32 $0x4, v1;
	v55 =	vmul.f32 v28, v10;
	v8 =	vadd.f32 v52, v14  }
0x107: {  	v58 =	vld.idx.msk [tilespmem:v26+s5+$0x0], $0xffff;
	v9 =	vadd.f32 v48, v23;
	v5 =	vmul.f32 v5, v10;
	v57 =	vadd.f32 v15, v13  }
0x108: {  	v7 =	vadd.f32 v53, v7;
	v6 =	vadd.f32 v6, v8;
	v2 =	vmul.f32 v2, v50  }
0x109: {  	v4 =	vmul.f32 v4, v10;
	v3 =	vmul.f32 v3, v50;
	v5 =	vadd.f32 v5, v57  }
0x10a: {  	s12 =	sadd.s32 $0x1, s12;
	v60 =	vmul.f32 v54, v50;
	v6 =	vadd.f32 v55, v6;
	v2 =	vadd.f32 v2, v7  }
0x10b: {  	p0 =	sne.s32 s12, $0x8;
	v11 =	vmul.f32 v56, v50;
	v4 =	vadd.f32 v4, v51;
	v3 =	vadd.f32 v3, v5  }
.Ltmp3:
0x10c: {  	v13 =	vmul.f32 v58, v50;
	v6 =	vadd.f32 v60, v6;
	[tilespmem:v1+s11+$0x0] =	vst.idx.msk $0xffff, v2;
	(pc) =	sbr.rel @p0 .LBB2_6-.Ltmp3, $4  }
0x10d: {  	v1 =	vadd.f32 v11, v4;
	[tilespmem:v59+s11+$0x0] =	vst.idx.msk $0xffff, v3  }
0x10e: {  	v2 =	vadd.f32 v13, v9;
	[tilespmem:v61+s11+$0x0] =	vst.idx.msk $0xffff, v6  }
0x10f: {  	[tilespmem:v62+s11+$0x0] =	vst.idx.msk $0xffff, v1  }
0x110: {  	[tilespmem:v63+s11+$0x0] =	vst.idx.msk $0xffff, v2  }
0x111: {  	s31 =	simm.s32 $0x0;
	s6 =	rddreg [dreg:$0xc]  }
0x112: {  	[hbm4b:s6+s31] =	stream.linear.scatter [tilespmem:s11], [sflag:$0x3], $0x280, $0x38;
	[tilespmem:$0x18B00] =	vst v63  }
0x113: {  	_ =	swait.ge [sflag:s18], $0x280  }
0x114: {  	[sflag:s18] =	ssyncset.done $0x0  }
0x115: {  	s13 =	rddreg [dreg:$0xd];
	[sflag:s18] =	ssyncadd.s32 $0xFFFFFD80  }
0x116: {  	[tilespmem:s20], [sflag:$0x3] =	stream.linear.gather [hbm4b:s13+s31], $0x80, $0x38;
	[tilespmem:$0x18B00] =	vst v63  }
0x117: {  	_ =	swait.ge [sflag:s18], $0x80  }
0x118: {  	[sflag:s18] =	ssyncset.done $0x0  }
0x119: {  	s14 =	rddreg [dreg:$0xe];
	[sflag:s18] =	ssyncadd.s32 $0xFFFFFF80  }
0x11a: {  	[tilespmem:s0], [sflag:$0x3] =	stream.linear.gather [hbm4b:s14+s31], $0x280, $0x38;
	[tilespmem:$0x18B00] =	vst v63  }
0x11b: {  	_ =	swait.ge [sflag:s18], $0x280  }
0x11c: {  	[sflag:s18] =	ssyncset.done $0x0  }
0x11d: {  	[sflag:s18] =	ssyncadd.s32 $0xFFFFFD80  }
0x11e: {  	[tilespmem:s1], [sflag:$0x2] =	stream.indirect.gather [hbm4b:s3+s20], $0x40, s20, s20, $0xb8;
	[tilespmem:$0x18B00] =	vst v63  }
0x11f: {  	_ = 	snop  }
0x120: {  	[tilespmem:s5], [sflag:$0x2] =	stream.indirect.gather [hbm4b:s4+s20], $0x40, s0, s20, $0xb8;
	[tilespmem:$0x18B00] =	vst v63  }
0x121: {  	s15 =	simm.s32 $0x400  }
0x122: {  	[tilespmem:s7], [sflag:$0x2] =	stream.indirect.gather [hbm4b:s4+s20], $0x40, s15, s20, $0xb8;
	[tilespmem:$0x18B00] =	vst v63  }
0x123: {  	_ = 	snop  }
0x124: {  	[tilespmem:s9], [sflag:$0x2] =	stream.indirect.gather [hbm4b:s4+s20], $0x40, s8, s20, $0xb8;
	[tilespmem:$0x18B00] =	vst v63  }
0x125: {  	_ = 	snop  }
0x126: {  	[tilespmem:s24], [sflag:$0x2] =	stream.indirect.gather [hbm4b:s4+s20], $0x40, s23, s20, $0xb8;
	[tilespmem:$0x18B00] =	vst v63  }
0x127: {  	_ = 	snop  }
0x128: {  	[tilespmem:s26], [sflag:$0x2] =	stream.indirect.gather [hbm4b:s4+s20], $0x40, s25, s20, $0xb8;
	[tilespmem:$0x18B00] =	vst v63  }
0x129: {  	_ =	swait.ge [sflag:s28], $0x2000  }
0x12a: {  	[sflag:s28] =	ssyncset.done $0x0  }
0x12b: {  	[sflag:s28] =	ssyncadd.s32 $0xFFFFE000  }
0x12c: {  	_ =	swait.ge [sflag:s28], $0x2000  }
0x12d: {  	[sflag:s28] =	ssyncset.done $0x0  }
0x12e: {  	[sflag:s28] =	ssyncadd.s32 $0xFFFFE000  }
0x12f: {  	_ =	swait.ge [sflag:s28], $0x2000  }
0x130: {  	[sflag:s28] =	ssyncset.done $0x0  }
0x131: {  	[sflag:s28] =	ssyncadd.s32 $0xFFFFE000  }
0x132: {  	_ =	swait.ge [sflag:s28], $0x2000  }
0x133: {  	[sflag:s28] =	ssyncset.done $0x0  }
0x134: {  	[sflag:s28] =	ssyncadd.s32 $0xFFFFE000  }
0x135: {  	_ =	swait.ge [sflag:s28], $0x2000  }
0x136: {  	[sflag:s28] =	ssyncset.done $0x0  }
0x137: {  	[sflag:s28] =	ssyncadd.s32 $0xFFFFE000  }
0x138: {  	_ =	swait.ge [sflag:s28], $0x2000  }
0x139: {  	[sflag:s28] =	ssyncset.done $0x0  }
0x13a: {  	s12 =	simm.s32 $0x0;
	[sflag:s28] =	ssyncadd.s32 $0xFFFFE000  }
.LBB2_10:
0x13b: {  	s6 =	simm.s32 $0x1  }
0x13c: {  	v1 =	vmov s6  }
0x13d: {  	s13 =	sshll.u32 s12, $0x4;
	v2 =	vand.u32 $0x3D, v1  }
0x13e: {  	v4 =	vmov s31;
	v1 =	vor.u32 s13, v0;
	v10 =	vbroadcast v2, $0x0  }
0x13f: {  	v5 =	vand.u32 $0x3C, v4;
	v3 =	vshll.u32 v1, $0x6;
	v2 =	vmul.u32 $0x140, v1  }
0x140: {  	v11 =	vbroadcast v5, $0x0;
	v6 =	vor.u32 v3, v10  }
0x141: {  	v7 =	vor.u32 v2, v10  }
0x142: {  	v4 =	vadd.s32 $0xC0, v2;
	v21 =	vor.u32 v2, v11  }
0x143: {  	v8 =	vor.u32 v4, v10  }
0x144: {  	v12 =	vor.u32 v3, v11;
	v5 =	vadd.s32 $0x100, v2  }
0x145: {  	v13 =	vor.u32 v5, v10;
	v9 =	vld.idx.msk [tilespmem:v6+s21+$0x0], $0xffff  }
0x146: {  	v14 =	vor.u32 v5, v11;
	v20 =	vld.idx.msk [tilespmem:v7+s22+$0x0], $0xffff  }
0x147: {  	s14 =	simm.s32 $0x2;
	v15 =	vor.u32 v4, v11;
	v6 =	vadd.s32 $0x80, v2;
	v21 =	vld.idx.msk [tilespmem:v21+s22+$0x0], $0xffff  }
0x148: {  	v16 =	vmov s14;
	v7 =	vadd.s32 $0x40, v2;
	v17 =	vor.u32 v6, v10;
	v18 =	vld.idx.msk [tilespmem:v8+s22+$0x0], $0xffff  }
0x149: {  	v16 =	vand.u32 $0x3E, v16;
	v8 =	vld.idx.msk [tilespmem:v12+s21+$0x0], $0xffff;
	v10 =	vor.u32 v7, v10  }
0x14a: {  	s15 =	simm.s32 $0x3;
	v12 =	vbroadcast v16, $0x0;
	v23 =	vld.idx.msk [tilespmem:v13+s22+$0x0], $0xffff;
	v22 =	vor.u32 v6, v11  }
0x14b: {  	v14 =	vld.idx.msk [tilespmem:v14+s22+$0x0], $0xffff;
	v13 =	vmov s15;
	v30 =	vor.u32 v7, v11  }
0x14c: {  	v15 =	vld.idx.msk [tilespmem:v15+s22+$0x0], $0xffff;
	v13 =	vand.u32 $0x3F, v13;
	v24 =	vor.u32 v2, v12  }
0x14d: {  	v26 =	vor.u32 v5, v12;
	v13 =	vbroadcast v13, $0x0;
	v19 =	vld.idx.msk [tilespmem:v17+s22+$0x0], $0xffff  }
0x14e: {  	v28 =	vor.u32 v3, v12;
	v33 =	vor.u32 v6, v12;
	v16 =	vor.u32 v4, v12;
	v34 =	vld.idx.msk [tilespmem:v10+s22+$0x0], $0xffff  }
0x14f: {  	v11 =	vmul.f32 v20, v9;
	v27 =	vor.u32 v6, v13;
	v25 =	vmul.f32 v18, v9;
	v18 =	vld.idx.msk [tilespmem:v22+s22+$0x0], $0xffff  }
0x150: {  	v17 =	vimm.f32 $0.0e+00;
	v22 =	vor.u32 v7, v12;
	v10 =	vmul.f32 v14, v8;
	v30 =	vld.idx.msk [tilespmem:v30+s22+$0x0], $0xffff  }
0x151: {  	v23 =	vmul.f32 v23, v9;
	v12 =	vor.u32 v4, v13;
	v14 =	vmul.f32 v15, v8;
	v20 =	vld.idx.msk [tilespmem:v24+s22+$0x0], $0xffff  }
0x152: {  	v31 =	vmul.f32 v21, v8;
	v21 =	vimm.f32 $0.0e+00;
	v29 =	vld.idx.msk [tilespmem:v26+s22+$0x0], $0xffff;
	v35 =	vadd.f32 v10, v17  }
0x153: {  	v10 =	vld.idx.msk [tilespmem:v28+s21+$0x0], $0xffff;
	v24 =	vor.u32 v3, v13;
	v32 =	vadd.f32 v14, v17;
	v26 =	vor.u32 v5, v13  }
0x154: {  	s13 =	simm.s32 $0x4;
	v28 =	vld.idx.msk [tilespmem:v33+s22+$0x0], $0xffff;
	v14 =	vimm.f32 $0.0e+00;
	v23 =	vadd.f32 v23, v35;
	v15 =	vmul.f32 v34, v9  }
.LBB2_11:
0x155: {  	s6 =	sadd.s32 $0x1, s13;
	s14 =	sadd.s32 $0x2, s13;
	s15 =	sadd.s32 $0x3, s13;
	v33 =	vmul.f32 v19, v9;
	v19 =	vadd.f32 v25, v32;
	v9 =	vor.u32 v7, v13  }
0x156: {  	p0 =	slt.u32 s13, $0x3C;
	v25 =	vmov s6;
	v32 =	vmov s14;
	v34 =	vmov s15;
	s6 =	smov.u32 s13;
	s13 =	sadd.s32 $0x4, s13  }
0x157: {  	v17 =	vadd.f32 v31, v17;
	v25 =	vand.u32 $0x3D, v25;
	v34 =	vand.u32 $0x3F, v34;
	v16 =	vld.idx.msk [tilespmem:v16+s22+$0x0], $0xffff  }
0x158: {  	v31 =	vmov s6;
	v29 =	vmul.f32 v29, v10;
	v25 =	vbroadcast v25, $0x0;
	v27 =	vld.idx.msk [tilespmem:v27+s22+$0x0], $0xffff  }
0x159: {  	v18 =	vmul.f32 v18, v8;
	v13 =	vor.u32 v2, v13;
	v31 =	vand.u32 $0x3C, v31;
	v22 =	vld.idx.msk [tilespmem:v22+s22+$0x0], $0xffff  }
0x15a: {  	v20 =	vmul.f32 v20, v10;
	v31 =	vbroadcast v31, $0x0;
	v35 =	vor.u32 v3, v25;
	v26 =	vld.idx.msk [tilespmem:v26+s22+$0x0], $0xffff  }
0x15b: {  	v28 =	vmul.f32 v28, v10;
	v36 =	vor.u32 v2, v25;
	v37 =	vor.u32 v4, v25;
	v38 =	vld.idx.msk [tilespmem:v9+s22+$0x0], $0xffff  }
0x15c: {  	v8 =	vmul.f32 v30, v8;
	v39 =	vor.u32 v3, v31;
	v40 =	vor.u32 v2, v31;
	v24 =	vld.idx.msk [tilespmem:v24+s21+$0x0], $0xffff  }
0x15d: {  	v30 =	vor.u32 v7, v31;
	v41 =	vor.u32 v6, v31;
	v42 =	vmul.f32 v16, v10;
	v12 =	vld.idx.msk [tilespmem:v12+s22+$0x0], $0xffff  }
0x15e: {  	v43 =	vor.u32 v5, v25;
	v16 =	vor.u32 v5, v31;
	v13 =	vld.idx.msk [tilespmem:v13+s22+$0x0], $0xffff  }
0x15f: {  	v8 =	vadd.f32 v8, v21;
	v21 =	vadd.f32 v29, v23;
	v31 =	vor.u32 v4, v31;
	v9 =	vld.idx.msk [tilespmem:v35+s21+$0x0], $0xffff  }
0x160: {  	v14 =	vadd.f32 v18, v14;
	v11 =	vadd.f32 v11, v17;
	v29 =	vand.u32 $0x3E, v32;
	v23 =	vld.idx.msk [tilespmem:v36+s22+$0x0], $0xffff  }
0x161: {  	v17 =	vor.u32 v6, v25;
	v29 =	vbroadcast v29, $0x0;
	v15 =	vadd.f32 v15, v8;
	v18 =	vld.idx.msk [tilespmem:v37+s22+$0x0], $0xffff  }
0x162: {  	v11 =	vadd.f32 v20, v11;
	v25 =	vor.u32 v7, v25;
	v32 =	vmul.f32 v38, v24;
	v8 =	vld.idx.msk [tilespmem:v39+s21+$0x0], $0xffff  }
0x163: {  	v10 =	vmul.f32 v22, v10;
	v35 =	vor.u32 v3, v29;
	v36 =	vor.u32 v5, v29;
	v20 =	vld.idx.msk [tilespmem:v43+s22+$0x0], $0xffff  }
0x164: {  	v38 =	vor.u32 v6, v29;
	v39 =	vadd.f32 v42, v19;
	v37 =	vld.idx.msk [tilespmem:v16+s22+$0x0], $0xffff;
	v16 =	vor.u32 v4, v29  }
0x165: {  	v42 =	vor.u32 v2, v29;
	v22 =	vmul.f32 v13, v24;
	v43 =	vmul.f32 v27, v24;
	v31 =	vld.idx.msk [tilespmem:v31+s22+$0x0], $0xffff  }
0x166: {  	v14 =	vadd.f32 v33, v14;
	v15 =	vadd.f32 v10, v15;
	v13 =	vbroadcast v34, $0x0;
	v19 =	vld.idx.msk [tilespmem:v17+s22+$0x0], $0xffff  }
0x167: {  	v10 =	vmul.f32 v12, v24;
	v24 =	vmul.f32 v26, v24;
	v17 =	vadd.f32 v22, v11;
	v33 =	vld.idx.msk [tilespmem:v40+s22+$0x0], $0xffff  }
0x168: {  	v14 =	vadd.f32 v28, v14;
	v22 =	vor.u32 v7, v29;
	v34 =	vld.idx.msk [tilespmem:v25+s22+$0x0], $0xffff;
	v25 =	vmul.f32 v18, v9  }
0x169: {  	v26 =	vadd.f32 v10, v39;
	v11 =	vmul.f32 v23, v9;
	v23 =	vmul.f32 v20, v9;
	v18 =	vld.idx.msk [tilespmem:v41+s22+$0x0], $0xffff  }
.Ltmp4:
0x16a: {  	v12 =	vor.u32 v4, v13;
	v21 =	vadd.f32 v24, v21;
	v10 =	vmul.f32 v37, v8;
	v20 =	vld.idx.msk [tilespmem:v42+s22+$0x0], $0xffff;
	(pc) =	sbr.rel @p0 .LBB2_11-.Ltmp4, $4  }
0x16b: {  	v27 =	vor.u32 v6, v13;
	v14 =	vadd.f32 v43, v14;
	v28 =	vmul.f32 v31, v8;
	v29 =	vld.idx.msk [tilespmem:v36+s22+$0x0], $0xffff  }
0x16c: {  	v24 =	vor.u32 v3, v13;
	v36 =	vadd.f32 v10, v21;
	v21 =	vadd.f32 v32, v15;
	v10 =	vld.idx.msk [tilespmem:v35+s21+$0x0], $0xffff  }
0x16d: {  	v31 =	vmul.f32 v33, v8;
	v32 =	vadd.f32 v28, v26;
	v26 =	vor.u32 v5, v13;
	v28 =	vld.idx.msk [tilespmem:v38+s22+$0x0], $0xffff  }
0x16e: {  	v15 =	vmul.f32 v34, v9;
	v23 =	vadd.f32 v23, v36;
	v30 =	vld.idx.msk [tilespmem:v30+s22+$0x0], $0xffff  }
0x16f: {  	_ =	sdelay $0x1  }
0x170: {  	v2 =	vor.u32 v2, v13  }
0x171: {  	v3 =	vor.u32 v7, v13  }
0x172: {  	v4 =	vld.idx.msk [tilespmem:v16+s22+$0x0], $0xffff  }
0x173: {  	v5 =	vld.idx.msk [tilespmem:v22+s22+$0x0], $0xffff;
	v6 =	vmul.f32 v19, v9  }
0x174: {  	v47 =	vadd.f32 v31, v17;
	v50 =	vld.idx.msk [tilespmem:v24+s21+$0x0], $0xffff;
	v52 =	vmul.f32 v18, v8;
	v1 =	vmul.u32 $0x5, v1  }
0x175: {  	v51 =	vadd.f32 v25, v32;
	v48 =	vmul.f32 v29, v10;
	v49 =	vmul.f32 v30, v8;
	v2 =	vld.idx.msk [tilespmem:v2+s22+$0x0], $0xffff  }
0x176: {  	v53 =	vmul.f32 v20, v10;
	v7 =	vadd.f32 v11, v47;
	v59 =	vadd.s32 $0x1, v1;
	v3 =	vld.idx.msk [tilespmem:v3+s22+$0x0], $0xffff  }
0x177: {  	v54 =	vld.idx.msk [tilespmem:v27+s22+$0x0], $0xffff;
	v61 =	vadd.s32 $0x2, v1;
	v62 =	vadd.s32 $0x3, v1;
	v13 =	vadd.f32 v49, v21  }
0x178: {  	v56 =	vld.idx.msk [tilespmem:v12+s22+$0x0], $0xffff;
	v63 =	vadd.s32 $0x4, v1;
	v55 =	vmul.f32 v28, v10;
	v8 =	vadd.f32 v52, v14  }
0x179: {  	v58 =	vld.idx.msk [tilespmem:v26+s22+$0x0], $0xffff;
	v9 =	vadd.f32 v48, v23;
	v5 =	vmul.f32 v5, v10;
	v57 =	vadd.f32 v15, v13  }
0x17a: {  	v7 =	vadd.f32 v53, v7;
	v6 =	vadd.f32 v6, v8;
	v2 =	vmul.f32 v2, v50  }
0x17b: {  	v4 =	vmul.f32 v4, v10;
	v3 =	vmul.f32 v3, v50;
	v5 =	vadd.f32 v5, v57  }
0x17c: {  	s12 =	sadd.s32 $0x1, s12;
	v60 =	vmul.f32 v54, v50;
	v6 =	vadd.f32 v55, v6;
	v2 =	vadd.f32 v2, v7  }
0x17d: {  	p0 =	sne.s32 s12, $0x8;
	v11 =	vmul.f32 v56, v50;
	v4 =	vadd.f32 v4, v51;
	v3 =	vadd.f32 v3, v5  }
.Ltmp5:
0x17e: {  	v13 =	vmul.f32 v58, v50;
	v6 =	vadd.f32 v60, v6;
	[tilespmem:v1+s10+$0x0] =	vst.idx.msk $0xffff, v2;
	(pc) =	sbr.rel @p0 .LBB2_10-.Ltmp5, $4  }
0x17f: {  	v1 =	vadd.f32 v11, v4;
	[tilespmem:v59+s10+$0x0] =	vst.idx.msk $0xffff, v3  }
0x180: {  	v2 =	vadd.f32 v13, v9;
	[tilespmem:v61+s10+$0x0] =	vst.idx.msk $0xffff, v6  }
0x181: {  	[tilespmem:v62+s10+$0x0] =	vst.idx.msk $0xffff, v1  }
0x182: {  	[tilespmem:v63+s10+$0x0] =	vst.idx.msk $0xffff, v2  }
0x183: {  	s31 =	simm.s32 $0x0;
	s6 =	rddreg [dreg:$0xf]  }
0x184: {  	[hbm4b:s6+s31] =	stream.linear.scatter [tilespmem:s10], [sflag:$0x3], $0x280, $0x38;
	[tilespmem:$0x18B00] =	vst v63  }
0x185: {  	_ =	swait.ge [sflag:s18], $0x280  }
0x186: {  	[sflag:s18] =	ssyncset.done $0x0  }
0x187: {  	[sflag:s18] =	ssyncadd.s32 $0xFFFFFD80  }
0x188: {  	_ =	swait.ge [sflag:s29], $0x2000  }
0x189: {  	[sflag:s29] =	ssyncset.done $0x0  }
0x18a: {  	[sflag:s29] =	ssyncadd.s32 $0xFFFFE000  }
0x18b: {  	_ =	swait.ge [sflag:s29], $0x2000  }
0x18c: {  	[sflag:s29] =	ssyncset.done $0x0  }
0x18d: {  	[sflag:s29] =	ssyncadd.s32 $0xFFFFE000  }
0x18e: {  	_ =	swait.ge [sflag:s29], $0x2000  }
0x18f: {  	[sflag:s29] =	ssyncset.done $0x0  }
0x190: {  	[sflag:s29] =	ssyncadd.s32 $0xFFFFE000  }
0x191: {  	_ =	swait.ge [sflag:s29], $0x2000  }
0x192: {  	[sflag:s29] =	ssyncset.done $0x0  }
0x193: {  	[sflag:s29] =	ssyncadd.s32 $0xFFFFE000  }
0x194: {  	_ =	swait.ge [sflag:s29], $0x2000  }
0x195: {  	[sflag:s29] =	ssyncset.done $0x0  }
0x196: {  	[sflag:s29] =	ssyncadd.s32 $0xFFFFE000  }
0x197: {  	_ =	swait.ge [sflag:s29], $0x2000  }
0x198: {  	[sflag:s29] =	ssyncset.done $0x0  }
0x199: {  	s12 =	simm.s32 $0x0;
	[sflag:s29] =	ssyncadd.s32 $0xFFFFE000  }
.LBB2_14:
0x19a: {  	s6 =	simm.s32 $0x1  }
0x19b: {  	v1 =	vmov s6  }
0x19c: {  	s13 =	sshll.u32 s12, $0x4;
	v2 =	vand.u32 $0x3D, v1  }
0x19d: {  	v4 =	vmov s31;
	v1 =	vor.u32 s13, v0;
	v10 =	vbroadcast v2, $0x0  }
0x19e: {  	v5 =	vand.u32 $0x3C, v4;
	v3 =	vshll.u32 v1, $0x6;
	v2 =	vmul.u32 $0x140, v1  }
0x19f: {  	v11 =	vbroadcast v5, $0x0;
	v6 =	vor.u32 v3, v10  }
0x1a0: {  	v7 =	vor.u32 v2, v10  }
0x1a1: {  	v4 =	vadd.s32 $0xC0, v2;
	v21 =	vor.u32 v2, v11  }
0x1a2: {  	v8 =	vor.u32 v4, v10  }
0x1a3: {  	v12 =	vor.u32 v3, v11;
	v5 =	vadd.s32 $0x100, v2  }
0x1a4: {  	v13 =	vor.u32 v5, v10;
	v9 =	vld.idx.msk [tilespmem:v6+s1+$0x0], $0xffff  }
0x1a5: {  	v14 =	vor.u32 v5, v11;
	v20 =	vld.idx.msk [tilespmem:v7+s5+$0x0], $0xffff  }
0x1a6: {  	s14 =	simm.s32 $0x2;
	v15 =	vor.u32 v4, v11;
	v6 =	vadd.s32 $0x80, v2;
	v21 =	vld.idx.msk [tilespmem:v21+s5+$0x0], $0xffff  }
0x1a7: {  	v16 =	vmov s14;
	v7 =	vadd.s32 $0x40, v2;
	v17 =	vor.u32 v6, v10;
	v18 =	vld.idx.msk [tilespmem:v8+s5+$0x0], $0xffff  }
0x1a8: {  	v16 =	vand.u32 $0x3E, v16;
	v8 =	vld.idx.msk [tilespmem:v12+s1+$0x0], $0xffff;
	v10 =	vor.u32 v7, v10  }
0x1a9: {  	s15 =	simm.s32 $0x3;
	v12 =	vbroadcast v16, $0x0;
	v23 =	vld.idx.msk [tilespmem:v13+s5+$0x0], $0xffff;
	v22 =	vor.u32 v6, v11  }
0x1aa: {  	v14 =	vld.idx.msk [tilespmem:v14+s5+$0x0], $0xffff;
	v13 =	vmov s15;
	v30 =	vor.u32 v7, v11  }
0x1ab: {  	v15 =	vld.idx.msk [tilespmem:v15+s5+$0x0], $0xffff;
	v13 =	vand.u32 $0x3F, v13;
	v24 =	vor.u32 v2, v12  }
0x1ac: {  	v26 =	vor.u32 v5, v12;
	v13 =	vbroadcast v13, $0x0;
	v19 =	vld.idx.msk [tilespmem:v17+s5+$0x0], $0xffff  }
0x1ad: {  	v28 =	vor.u32 v3, v12;
	v33 =	vor.u32 v6, v12;
	v16 =	vor.u32 v4, v12;
	v34 =	vld.idx.msk [tilespmem:v10+s5+$0x0], $0xffff  }
0x1ae: {  	v11 =	vmul.f32 v20, v9;
	v27 =	vor.u32 v6, v13;
	v25 =	vmul.f32 v18, v9;
	v18 =	vld.idx.msk [tilespmem:v22+s5+$0x0], $0xffff  }
0x1af: {  	v17 =	vimm.f32 $0.0e+00;
	v22 =	vor.u32 v7, v12;
	v10 =	vmul.f32 v14, v8;
	v30 =	vld.idx.msk [tilespmem:v30+s5+$0x0], $0xffff  }
0x1b0: {  	v23 =	vmul.f32 v23, v9;
	v12 =	vor.u32 v4, v13;
	v14 =	vmul.f32 v15, v8;
	v20 =	vld.idx.msk [tilespmem:v24+s5+$0x0], $0xffff  }
0x1b1: {  	v31 =	vmul.f32 v21, v8;
	v21 =	vimm.f32 $0.0e+00;
	v29 =	vld.idx.msk [tilespmem:v26+s5+$0x0], $0xffff;
	v35 =	vadd.f32 v10, v17  }
0x1b2: {  	v10 =	vld.idx.msk [tilespmem:v28+s1+$0x0], $0xffff;
	v24 =	vor.u32 v3, v13;
	v32 =	vadd.f32 v14, v17;
	v26 =	vor.u32 v5, v13  }
0x1b3: {  	s13 =	simm.s32 $0x4;
	v28 =	vld.idx.msk [tilespmem:v33+s5+$0x0], $0xffff;
	v14 =	vimm.f32 $0.0e+00;
	v23 =	vadd.f32 v23, v35;
	v15 =	vmul.f32 v34, v9  }
.LBB2_15:
0x1b4: {  	s6 =	sadd.s32 $0x1, s13;
	s14 =	sadd.s32 $0x2, s13;
	s15 =	sadd.s32 $0x3, s13;
	v33 =	vmul.f32 v19, v9;
	v19 =	vadd.f32 v25, v32;
	v9 =	vor.u32 v7, v13  }
0x1b5: {  	p0 =	slt.u32 s13, $0x3C;
	v25 =	vmov s6;
	v32 =	vmov s14;
	v34 =	vmov s15;
	s6 =	smov.u32 s13;
	s13 =	sadd.s32 $0x4, s13  }
0x1b6: {  	v17 =	vadd.f32 v31, v17;
	v25 =	vand.u32 $0x3D, v25;
	v34 =	vand.u32 $0x3F, v34;
	v16 =	vld.idx.msk [tilespmem:v16+s5+$0x0], $0xffff  }
0x1b7: {  	v31 =	vmov s6;
	v29 =	vmul.f32 v29, v10;
	v25 =	vbroadcast v25, $0x0;
	v27 =	vld.idx.msk [tilespmem:v27+s5+$0x0], $0xffff  }
0x1b8: {  	v18 =	vmul.f32 v18, v8;
	v13 =	vor.u32 v2, v13;
	v31 =	vand.u32 $0x3C, v31;
	v22 =	vld.idx.msk [tilespmem:v22+s5+$0x0], $0xffff  }
0x1b9: {  	v20 =	vmul.f32 v20, v10;
	v31 =	vbroadcast v31, $0x0;
	v35 =	vor.u32 v3, v25;
	v26 =	vld.idx.msk [tilespmem:v26+s5+$0x0], $0xffff  }
0x1ba: {  	v28 =	vmul.f32 v28, v10;
	v36 =	vor.u32 v2, v25;
	v37 =	vor.u32 v4, v25;
	v38 =	vld.idx.msk [tilespmem:v9+s5+$0x0], $0xffff  }
0x1bb: {  	v8 =	vmul.f32 v30, v8;
	v39 =	vor.u32 v3, v31;
	v40 =	vor.u32 v2, v31;
	v24 =	vld.idx.msk [tilespmem:v24+s1+$0x0], $0xffff  }
0x1bc: {  	v30 =	vor.u32 v7, v31;
	v41 =	vor.u32 v6, v31;
	v42 =	vmul.f32 v16, v10;
	v12 =	vld.idx.msk [tilespmem:v12+s5+$0x0], $0xffff  }
0x1bd: {  	v43 =	vor.u32 v5, v25;
	v16 =	vor.u32 v5, v31;
	v13 =	vld.idx.msk [tilespmem:v13+s5+$0x0], $0xffff  }
0x1be: {  	v8 =	vadd.f32 v8, v21;
	v21 =	vadd.f32 v29, v23;
	v31 =	vor.u32 v4, v31;
	v9 =	vld.idx.msk [tilespmem:v35+s1+$0x0], $0xffff  }
0x1bf: {  	v14 =	vadd.f32 v18, v14;
	v11 =	vadd.f32 v11, v17;
	v29 =	vand.u32 $0x3E, v32;
	v23 =	vld.idx.msk [tilespmem:v36+s5+$0x0], $0xffff  }
0x1c0: {  	v17 =	vor.u32 v6, v25;
	v29 =	vbroadcast v29, $0x0;
	v15 =	vadd.f32 v15, v8;
	v18 =	vld.idx.msk [tilespmem:v37+s5+$0x0], $0xffff  }
0x1c1: {  	v11 =	vadd.f32 v20, v11;
	v25 =	vor.u32 v7, v25;
	v32 =	vmul.f32 v38, v24;
	v8 =	vld.idx.msk [tilespmem:v39+s1+$0x0], $0xffff  }
0x1c2: {  	v10 =	vmul.f32 v22, v10;
	v35 =	vor.u32 v3, v29;
	v36 =	vor.u32 v5, v29;
	v20 =	vld.idx.msk [tilespmem:v43+s5+$0x0], $0xffff  }
0x1c3: {  	v38 =	vor.u32 v6, v29;
	v39 =	vadd.f32 v42, v19;
	v37 =	vld.idx.msk [tilespmem:v16+s5+$0x0], $0xffff;
	v16 =	vor.u32 v4, v29  }
0x1c4: {  	v42 =	vor.u32 v2, v29;
	v22 =	vmul.f32 v13, v24;
	v43 =	vmul.f32 v27, v24;
	v31 =	vld.idx.msk [tilespmem:v31+s5+$0x0], $0xffff  }
0x1c5: {  	v14 =	vadd.f32 v33, v14;
	v15 =	vadd.f32 v10, v15;
	v13 =	vbroadcast v34, $0x0;
	v19 =	vld.idx.msk [tilespmem:v17+s5+$0x0], $0xffff  }
0x1c6: {  	v10 =	vmul.f32 v12, v24;
	v24 =	vmul.f32 v26, v24;
	v17 =	vadd.f32 v22, v11;
	v33 =	vld.idx.msk [tilespmem:v40+s5+$0x0], $0xffff  }
0x1c7: {  	v14 =	vadd.f32 v28, v14;
	v22 =	vor.u32 v7, v29;
	v34 =	vld.idx.msk [tilespmem:v25+s5+$0x0], $0xffff;
	v25 =	vmul.f32 v18, v9  }
0x1c8: {  	v26 =	vadd.f32 v10, v39;
	v11 =	vmul.f32 v23, v9;
	v23 =	vmul.f32 v20, v9;
	v18 =	vld.idx.msk [tilespmem:v41+s5+$0x0], $0xffff  }
.Ltmp6:
0x1c9: {  	v12 =	vor.u32 v4, v13;
	v21 =	vadd.f32 v24, v21;
	v10 =	vmul.f32 v37, v8;
	v20 =	vld.idx.msk [tilespmem:v42+s5+$0x0], $0xffff;
	(pc) =	sbr.rel @p0 .LBB2_15-.Ltmp6, $4  }
0x1ca: {  	v27 =	vor.u32 v6, v13;
	v14 =	vadd.f32 v43, v14;
	v28 =	vmul.f32 v31, v8;
	v29 =	vld.idx.msk [tilespmem:v36+s5+$0x0], $0xffff  }
0x1cb: {  	v24 =	vor.u32 v3, v13;
	v36 =	vadd.f32 v10, v21;
	v21 =	vadd.f32 v32, v15;
	v10 =	vld.idx.msk [tilespmem:v35+s1+$0x0], $0xffff  }
0x1cc: {  	v31 =	vmul.f32 v33, v8;
	v32 =	vadd.f32 v28, v26;
	v26 =	vor.u32 v5, v13;
	v28 =	vld.idx.msk [tilespmem:v38+s5+$0x0], $0xffff  }
0x1cd: {  	v15 =	vmul.f32 v34, v9;
	v23 =	vadd.f32 v23, v36;
	v30 =	vld.idx.msk [tilespmem:v30+s5+$0x0], $0xffff  }
0x1ce: {  	_ =	sdelay $0x1  }
0x1cf: {  	v2 =	vor.u32 v2, v13  }
0x1d0: {  	v3 =	vor.u32 v7, v13  }
0x1d1: {  	v4 =	vld.idx.msk [tilespmem:v16+s5+$0x0], $0xffff  }
0x1d2: {  	v5 =	vld.idx.msk [tilespmem:v22+s5+$0x0], $0xffff;
	v6 =	vmul.f32 v19, v9  }
0x1d3: {  	v47 =	vadd.f32 v31, v17;
	v50 =	vld.idx.msk [tilespmem:v24+s1+$0x0], $0xffff;
	v52 =	vmul.f32 v18, v8;
	v1 =	vmul.u32 $0x5, v1  }
0x1d4: {  	v51 =	vadd.f32 v25, v32;
	v48 =	vmul.f32 v29, v10;
	v49 =	vmul.f32 v30, v8;
	v2 =	vld.idx.msk [tilespmem:v2+s5+$0x0], $0xffff  }
0x1d5: {  	v53 =	vmul.f32 v20, v10;
	v7 =	vadd.f32 v11, v47;
	v59 =	vadd.s32 $0x1, v1;
	v3 =	vld.idx.msk [tilespmem:v3+s5+$0x0], $0xffff  }
0x1d6: {  	v54 =	vld.idx.msk [tilespmem:v27+s5+$0x0], $0xffff;
	v61 =	vadd.s32 $0x2, v1;
	v62 =	vadd.s32 $0x3, v1;
	v13 =	vadd.f32 v49, v21  }
0x1d7: {  	v56 =	vld.idx.msk [tilespmem:v12+s5+$0x0], $0xffff;
	v63 =	vadd.s32 $0x4, v1;
	v55 =	vmul.f32 v28, v10;
	v8 =	vadd.f32 v52, v14  }
0x1d8: {  	v58 =	vld.idx.msk [tilespmem:v26+s5+$0x0], $0xffff;
	v9 =	vadd.f32 v48, v23;
	v5 =	vmul.f32 v5, v10;
	v57 =	vadd.f32 v15, v13  }
0x1d9: {  	v7 =	vadd.f32 v53, v7;
	v6 =	vadd.f32 v6, v8;
	v2 =	vmul.f32 v2, v50  }
0x1da: {  	v4 =	vmul.f32 v4, v10;
	v3 =	vmul.f32 v3, v50;
	v5 =	vadd.f32 v5, v57  }
0x1db: {  	s12 =	sadd.s32 $0x1, s12;
	v60 =	vmul.f32 v54, v50;
	v6 =	vadd.f32 v55, v6;
	v2 =	vadd.f32 v2, v7  }
0x1dc: {  	p0 =	sne.s32 s12, $0x8;
	v11 =	vmul.f32 v56, v50;
	v4 =	vadd.f32 v4, v51;
	v3 =	vadd.f32 v3, v5  }
.Ltmp7:
0x1dd: {  	v13 =	vmul.f32 v58, v50;
	v6 =	vadd.f32 v60, v6;
	[tilespmem:v1+s11+$0x0] =	vst.idx.msk $0xffff, v2;
	(pc) =	sbr.rel @p0 .LBB2_14-.Ltmp7, $4  }
0x1de: {  	v1 =	vadd.f32 v11, v4;
	[tilespmem:v59+s11+$0x0] =	vst.idx.msk $0xffff, v3  }
0x1df: {  	v2 =	vadd.f32 v13, v9;
	[tilespmem:v61+s11+$0x0] =	vst.idx.msk $0xffff, v6  }
0x1e0: {  	[tilespmem:v62+s11+$0x0] =	vst.idx.msk $0xffff, v1  }
0x1e1: {  	[tilespmem:v63+s11+$0x0] =	vst.idx.msk $0xffff, v2  }
0x1e2: {  	s30 =	sadd.s32 $0x1, s30  }
0x1e3: {  	p0 =	sne.s32 s30, s17  }
.Ltmp8:
0x1e4: {  	_ = 	snop;
	(pc) =	sbr.rel @p0 .LBB2_1-.Ltmp8, $4  }
0x1e5: {  	[hbm4b:s16+s2] =	stream.linear.scatter [tilespmem:s11], [sflag:$0x3], $0x280, $0x38;
	[tilespmem:$0x18B00] =	vst v63  }
0x1e6: {  	_ =	swait.ge [sflag:s18], $0x280  }
0x1e7: {  	[sflag:s18] =	ssyncset.done $0x0  }
0x1e8: {  	s15 =	simm.s32 $0x180;
	[sflag:s18] =	ssyncadd.s32 $0xFFFFFD80  }
0x1e9: {  	_ =	sfence.sel $0x180000  }
0x1ea: {  	[bflag:$0x0] =	sbarrier.arrive $0xFFFF  }
0x1eb: {  	_ =	strace $0x90000047  }
0x1ec: {  	s0 =	stileid.u32;
	[bflag:$0x2] =	sbarrier.arrive $0xFFFF  }
0x1ed: {  	p0 =	sne.s32 s0, $0x0;
	s0 =	rddreg [dreg:$0x4]  }
0x1ee: {  	s0 =	sadd.s32 @!p0 $0x100000, s0  }
0x1ef: {  	[sflag:s0] =	ssyncadd.tile.s32 @!p0 $0x1;
	_ =	shalt  }
.Lfunc_end2:
_tile_overlayer_lowered:
.L_overlay_start_2:
0x1f0: {  	(tag) =	ssettag $0x2  }
0x1f1: {  	s0 =	rddreg [dreg:$0x0];
	s2 =	stileid.u32  }
0x1f2: {  	s1 =	rddreg [dreg:$0x1];
	p0 =	sne.s32 s2, $0x0  }
0x1f3: {  	s3 =	rddreg [dreg:$0x2];
	[bflag:$0x3] =	sbarrier.arrive $0xFFFF;
	s2 =	simm.s32 @!p0 $0x1C03  }
0x1f4: {  	[timem:s3], [sflag:s2] =	dma.local @!p0 [hbm:s0], s1  }
0x1f5: {  	s0 =	simm.s32 @!p0 $0x3  }
0x1f6: {  	_ =	swait.ge @!p0 [sflag:s0], s1  }
0x1f7: {  	s1 =	ssub.s32 @!p0 $0x0, s1;
	[sflag:s0] =	ssyncset.done @!p0 $0x0  }
0x1f8: {  	[sflag:s0] =	ssyncadd.s32 @!p0 s1  }
0x1f9: {  	[bflag:$0x3] =	sbarrier.arrive $0xFFFF  }
0x1fa: {  	_ =	shalt  }

</sc_bundles>
